<compile_context>
chip_gen: v7x
topology: tpu7x:2x2x1
jax: 0.10.2.dev20260603
libtpu: 0.0.44.dev20260713+nightly
codegen_flags: <defaults>
</compile_context>

<pallas_src>
import functools

import jax
import jax.numpy as jnp
from jax import lax
from jax.experimental import pallas as pl
from jax.experimental.pallas import tpu as pltpu
from jax.experimental.pallas import tpu_sc as plsc

_GAMMA = 12.0
_LANES = 16

_SIN_C = (
    0.9999999562127889,
    -0.16666631913872146,
    0.00833289061409179,
    -0.00019820756363012935,
    2.712799827662477e-06,
    -2.0872664575493573e-08,
)
_COS_C = (
    0.9999999922898474,
    -0.49999991770959235,
    0.04166652433757078,
    -0.0013887970265659048,
    2.4773420813397368e-05,
    -2.711333772339074e-07,
    1.7368996050969864e-09,
)


def _sincos(x):
    u = x * x
    s = jnp.float32(_SIN_C[5])
    for c in _SIN_C[4::-1]:
        s = s * u + jnp.float32(c)
    s = s * x
    c = jnp.float32(_COS_C[6])
    for cc in _COS_C[5::-1]:
        c = c * u + jnp.float32(cc)
    return s, c


def _sqrt(x):
    i = lax.bitcast_convert_type(x, jnp.int32)
    i = jnp.int32(0x5F3759DF) - lax.shift_right_arithmetic(i, 1)
    y = lax.bitcast_convert_type(i, jnp.float32)
    for _ in range(3):
        t = jnp.float32(0.5) * x * y
        y = y * (jnp.float32(1.5) - t * y)
    return x * y


def _make_kernel(batch, dim, n_workers, bpw, n_chunks, chunk):
    mesh = plsc.VectorSubcoreMesh(core_axis_name="c", subcore_axis_name="s")
    nc = mesh.num_cores

    @functools.partial(
        pl.kernel,
        out_type=jax.ShapeDtypeStruct((batch,), jnp.float32),
        mesh=mesh,
        compiler_params=pltpu.CompilerParams(
            needs_layout_passes=False, use_tc_tiling_on_sc=False),
        scratch_types=[
            pltpu.VMEM((bpw, 3), jnp.int32),
            pltpu.VMEM((n_chunks, chunk), jnp.int32),
            pltpu.VMEM((n_chunks, chunk), jnp.int32),
            pltpu.VMEM((n_chunks, chunk), jnp.int32),
            pltpu.VMEM((bpw, dim), jnp.float32),
            pltpu.VMEM((bpw, dim), jnp.float32),
            pltpu.VMEM((bpw, dim), jnp.float32),
            pltpu.VMEM((bpw, dim), jnp.float32),
            pltpu.VMEM((bpw, dim), jnp.float32),
            pltpu.VMEM((_LANES * bpw,), jnp.float32),
            pltpu.VMEM((bpw,), jnp.float32),
            pltpu.SemaphoreType.DMA,
        ],
    )
    def rotate_kernel(pos, ent, ent_im, rel, out,
                      ps, ih, ir, it, bh_re, bh_im, br, bt_re, bt_im, tr, sc, sem):
        wid = lax.axis_index("s") * nc + lax.axis_index("c")
        base = wid * bpw

        pltpu.sync_copy(pos.at[wid], ps)

        iota = lax.iota(jnp.int32, _LANES)
        for col, ibuf in ((0, ih), (1, ir), (2, it)):
            col_v = jnp.full((_LANES,), col, jnp.int32)
            for j in range(n_chunks):
                for v in range(chunk // _LANES):
                    rows = jnp.int32(j * chunk + v * _LANES) + iota
                    ibuf[j, pl.ds(v * _LANES, _LANES)] = plsc.load_gather(
                        ps, [rows, col_v])

        copies = []
        for j in range(n_chunks):
            d = pl.ds(j * chunk, chunk)
            copies.append(pltpu.async_copy(ent.at[ih.at[j]], bh_re.at[d], sem))
            copies.append(pltpu.async_copy(ent_im.at[ih.at[j]], bh_im.at[d], sem))
            copies.append(pltpu.async_copy(rel.at[ir.at[j]], br.at[d], sem))
            copies.append(pltpu.async_copy(ent.at[it.at[j]], bt_re.at[d], sem))
            copies.append(pltpu.async_copy(ent_im.at[it.at[j]], bt_im.at[d], sem))
        for cp in copies:
            cp.wait()

        def row_body(b, carry):
            acc = None
            for half in range(dim // _LANES):
                d = pl.ds(half * _LANES, _LANES)
                sn, cs = _sincos(br[b, d])
                hre = bh_re[b, d]
                him = bh_im[b, d]
                s_re = hre * cs - him * sn - bt_re[b, d]
                s_im = hre * sn + him * cs - bt_im[b, d]
                m = _sqrt(s_re * s_re + s_im * s_im)
                acc = m if acc is None else acc + m
            plsc.store_scatter(tr, [iota * bpw + b], acc)
            return carry

        lax.fori_loop(0, bpw, row_body, 0)

        def grp_body(g, carry):
            acc = tr[pl.ds(g * _LANES, _LANES)]
            for k in range(1, _LANES):
                acc = acc + tr[pl.ds(k * bpw + g * _LANES, _LANES)]
            sc[pl.ds(g * _LANES, _LANES)] = acc - jnp.float32(_GAMMA)
            return carry

        lax.fori_loop(0, bpw // _LANES, grp_body, 0)

        pltpu.sync_copy(sc, out.at[pl.ds(base, bpw)])

    return rotate_kernel


def kernel(pos_sample, ent_embd, ent_embd_im, rel_embd):
    batch = pos_sample.shape[0]
    dim = ent_embd.shape[1]
    n_workers = 32
    bpw = batch // n_workers
    chunk = 128
    n_chunks = bpw // chunk

    pos = pos_sample.reshape(n_workers, bpw, 3)
    k = _make_kernel(batch, dim, n_workers, bpw, n_chunks, chunk)
    score = k(pos, ent_embd, ent_embd_im, rel_embd)
    return score.reshape(batch, 1)

# --- scband reference (transcript-rebuilt; emitter-appended) ---
"""Pipeline reference for scband-rotat-e-28973849379377 (READ-ONLY COPY).

The authoritative reference and input builder live on the scoring server;
editing this copy changes nothing except your own understanding.
"""

import jax, jax.numpy as jnp
import numpy as np

ENT_NUM = 1000000
REL_NUM = 1000000
DIM = 32
BATCH = 16384
GAMMA = 12.0


def setup_inputs(seed: int = 0) -> dict:
    key = jax.random.key(seed)
    k1, k2, k3, k4 = jax.random.split(key, 4)
    pos_sample = jax.random.randint(k1, (BATCH, 3), 0, ENT_NUM, dtype=jnp.int64 if jax.config.jax_enable_x64 else jnp.int32).astype(jnp.int32)
    # xavier_uniform bound for [num, dim] embedding weight
    b_ent = float(np.sqrt(6.0 / (ENT_NUM + DIM)))
    ent_embd = jax.random.uniform(k2, (ENT_NUM, DIM), minval=-b_ent, maxval=b_ent, dtype=jnp.float32)
    ent_embd_im = jax.random.uniform(k3, (ENT_NUM, DIM), minval=-b_ent, maxval=b_ent, dtype=jnp.float32)
    # RotatE re-inits relation embeddings uniform(-pi, pi)
    rel_embd = jax.random.uniform(k4, (REL_NUM, DIM), minval=-np.pi, maxval=np.pi, dtype=jnp.float32)
    return {"pos_sample": pos_sample, "ent_embd": ent_embd, "ent_embd_im": ent_embd_im, "rel_embd": rel_embd}


def reference(pos_sample, ent_embd, ent_embd_im, rel_embd):
    # get_pos_embd: gathers + unsqueeze(dim=1)
    h_re = jnp.take(ent_embd, pos_sample[:, 0], axis=0)[:, None, :]
    h_im = jnp.take(ent_embd_im, pos_sample[:, 0], axis=0)[:, None, :]
    r = jnp.take(rel_embd, pos_sample[:, 1], axis=0)[:, None, :]
    t_re = jnp.take(ent_embd, pos_sample[:, 2], axis=0)[:, None, :]
    t_im = jnp.take(ent_embd_im, pos_sample[:, 2], axis=0)[:, None, :]
    rel_re = jnp.cos(r)
    rel_im = jnp.sin(r)
    # neg_sample is None path
    score_re = h_re * rel_re - h_im * rel_im - t_re
    score_im = h_re * rel_im + h_im * rel_re - t_im
    # torch.stack([re, im], dim=0).norm(dim=0) == sqrt(re^2 + im^2)
    score = jnp.sqrt(score_re ** 2 + score_im ** 2)
    score = score.sum(axis=-1) - GAMMA
    return score

if __name__ == "__main__":
    import jax
    _d = setup_inputs()
    print(jax.jit(kernel)(*tuple(_d.values())))

</pallas_src>

<mosaic_0001>
#map = affine_map<(d0, d1) -> (0, 0, 0)>
#map1 = affine_map<(d0, d1) -> (0, 0)>
#map2 = affine_map<(d0, d1) -> (0)>
module attributes {stable_mosaic.version = 14 : i64} {
  func.func @rotate_kernel(%arg0: i32, %arg1: i32, %arg2: memref<32x512x3xi32, #tpu.memory_space<hbm>>, %arg3: memref<1000000x32xf32, #tpu.memory_space<hbm>>, %arg4: memref<1000000x32xf32, #tpu.memory_space<hbm>>, %arg5: memref<1000000x32xf32, #tpu.memory_space<hbm>>, %arg6: memref<16384xf32, #tpu.memory_space<hbm>>, %arg7: memref<512x3xi32, #tpu.memory_space<vmem>>, %arg8: memref<4x128xi32, #tpu.memory_space<vmem>>, %arg9: memref<4x128xi32, #tpu.memory_space<vmem>>, %arg10: memref<4x128xi32, #tpu.memory_space<vmem>>, %arg11: memref<512x32xf32, #tpu.memory_space<vmem>>, %arg12: memref<512x32xf32, #tpu.memory_space<vmem>>, %arg13: memref<512x32xf32, #tpu.memory_space<vmem>>, %arg14: memref<512x32xf32, #tpu.memory_space<vmem>>, %arg15: memref<512x32xf32, #tpu.memory_space<vmem>>, %arg16: memref<8192xf32, #tpu.memory_space<vmem>>, %arg17: memref<512xf32, #tpu.memory_space<vmem>>, %arg18: memref<!tpu.dma_semaphore, #tpu.memory_space<semaphore_mem>>) attributes {dimension_semantics = [#tpu.dimension_semantics<core_parallel>, #tpu.dimension_semantics<subcore_parallel>], iteration_bounds = array<i64: 2, 16>, scalar_prefetch = 0 : i64, scratch_operands = 12 : i64, tpu.core_type = #tpu.core_type<sc_vector_subcore>, window_params = [{transform_indices = #map}, {transform_indices = #map1}, {transform_indices = #map1}, {transform_indices = #map1}, {transform_indices = #map2}]} {
    %mul3A = arith.constant 2 : i32
    %mul3A_0 = arith.muli %arg1, %mul3A : i32
    %add3A = arith.addi %mul3A_0, %arg0 : i32
    %mul3A_1 = arith.constant 512 : i32
    %mul3A_2 = arith.muli %add3A, %mul3A_1 : i32
    "tpu.region"() ({
      %run_scoped3A = tpu.sem_alloc : memref<!tpu.dma_semaphore, #tpu.memory_space<semaphore_mem>>
      %dma_start3A_1183 = arith.constant 0 : i32
      %dma_start3A_1184 = arith.constant 0 : i32
      %dma_start3A_1185 = tpu.memref_slice %arg2[%add3A, %dma_start3A_1183, %dma_start3A_1184] : memref<32x512x3xi32, #tpu.memory_space<hbm>> -> memref<1x512x3xi32, #tpu.memory_space<hbm>>
      %dma_start3A_1186 = tpu.memref_squeeze %dma_start3A_1185 : memref<1x512x3xi32, #tpu.memory_space<hbm>> -> memref<512x3xi32, #tpu.memory_space<hbm>>
      %dma_start3A_1187 = arith.constant 0 : i32
      %dma_start3A_1188 = arith.constant 0 : i32
      %dma_start3A_1189 = tpu.memref_slice %arg2[%add3A, %dma_start3A_1187, %dma_start3A_1188] : memref<32x512x3xi32, #tpu.memory_space<hbm>> -> memref<1x512x3xi32, #tpu.memory_space<hbm>>
      %dma_start3A_1190 = tpu.memref_squeeze %dma_start3A_1189 : memref<1x512x3xi32, #tpu.memory_space<hbm>> -> memref<512x3xi32, #tpu.memory_space<hbm>>
      tpu.enqueue_dma source(%dma_start3A_1190 : memref<512x3xi32, #tpu.memory_space<hbm>>) target(%arg7 : memref<512x3xi32, #tpu.memory_space<vmem>>) target_semaphore(%run_scoped3A : memref<!tpu.dma_semaphore, #tpu.memory_space<semaphore_mem>>)
      %dma_wait3A_1191 = arith.constant 0 : i32
      %dma_wait3A_1192 = arith.constant 0 : i32
      %dma_wait3A_1193 = tpu.memref_slice %arg2[%add3A, %dma_wait3A_1191, %dma_wait3A_1192] : memref<32x512x3xi32, #tpu.memory_space<hbm>> -> memref<1x512x3xi32, #tpu.memory_space<hbm>>
      %dma_wait3A_1194 = tpu.memref_squeeze %dma_wait3A_1193 : memref<1x512x3xi32, #tpu.memory_space<hbm>> -> memref<512x3xi32, #tpu.memory_space<hbm>>
      %dma_wait3A_1195 = arith.constant 0 : i32
      %dma_wait3A_1196 = arith.constant 0 : i32
      %dma_wait3A_1197 = tpu.memref_slice %arg2[%add3A, %dma_wait3A_1195, %dma_wait3A_1196] : memref<32x512x3xi32, #tpu.memory_space<hbm>> -> memref<1x512x3xi32, #tpu.memory_space<hbm>>
      %dma_wait3A_1198 = tpu.memref_squeeze %dma_wait3A_1197 : memref<1x512x3xi32, #tpu.memory_space<hbm>> -> memref<512x3xi32, #tpu.memory_space<hbm>>
      tpu.wait_dma2 semaphore(%run_scoped3A : memref<!tpu.dma_semaphore, #tpu.memory_space<semaphore_mem>>) src(%dma_wait3A_1198 : memref<512x3xi32, #tpu.memory_space<hbm>>) dst(%arg7 : memref<512x3xi32, #tpu.memory_space<vmem>>)
      tpu.yield
    }) : () -> ()
    %iota3A = tpu.iota {dimensions = array<i32: 0>} : vector<16xi32>
    %broadcast_in_dim3A = arith.constant 0 : i32
    %broadcast_in_dim3A_3 = vector.broadcast %broadcast_in_dim3A : i32 to vector<16xi32>
    %add3A_4 = arith.constant 0 : i32
    %add3A_5 = vector.broadcast %add3A_4 : i32 to vector<16xi32>
    %add3A_6 = arith.addi %add3A_5, %iota3A : vector<16xi32>
    %gather3A = tpu.vector_load_idx %arg7[%add3A_6, %broadcast_in_dim3A_3] : memref<512x3xi32, #tpu.memory_space<vmem>>[vector<16xi32>, vector<16xi32>], vector<16xi32>,
    %swap3A = arith.constant 0 : i32
    %swap3A_7 = arith.index_cast %swap3A : i32 to index
    %swap3A_8 = arith.constant 0 : index
    %swap3A_9 = tpu.vector_load %arg8[%swap3A_7, %swap3A_8] {strides = array<i32>} : memref<4x128xi32, #tpu.memory_space<vmem>>, vector<16xi32>,
    tpu.vector_store %arg8[%swap3A_7, %swap3A_8], %gather3A {strides = array<i32>} : memref<4x128xi32, #tpu.memory_space<vmem>>, vector<16xi32>,
    %add3A_10 = arith.constant 16 : i32
    %add3A_11 = vector.broadcast %add3A_10 : i32 to vector<16xi32>
    %add3A_12 = arith.addi %add3A_11, %iota3A : vector<16xi32>
    %gather3A_13 = tpu.vector_load_idx %arg7[%add3A_12, %broadcast_in_dim3A_3] : memref<512x3xi32, #tpu.memory_space<vmem>>[vector<16xi32>, vector<16xi32>], vector<16xi32>,
    %swap3A_14 = arith.constant 0 : i32
    %swap3A_15 = arith.index_cast %swap3A_14 : i32 to index
    %swap3A_16 = arith.constant 16 : index
    %swap3A_17 = tpu.vector_load %arg8[%swap3A_15, %swap3A_16] {strides = array<i32>} : memref<4x128xi32, #tpu.memory_space<vmem>>, vector<16xi32>,
    tpu.vector_store %arg8[%swap3A_15, %swap3A_16], %gather3A_13 {strides = array<i32>} : memref<4x128xi32, #tpu.memory_space<vmem>>, vector<16xi32>,
    %add3A_18 = arith.constant 32 : i32
    %add3A_19 = vector.broadcast %add3A_18 : i32 to vector<16xi32>
    %add3A_20 = arith.addi %add3A_19, %iota3A : vector<16xi32>
    %gather3A_21 = tpu.vector_load_idx %arg7[%add3A_20, %broadcast_in_dim3A_3] : memref<512x3xi32, #tpu.memory_space<vmem>>[vector<16xi32>, vector<16xi32>], vector<16xi32>,
    %swap3A_22 = arith.constant 0 : i32
    %swap3A_23 = arith.index_cast %swap3A_22 : i32 to index
    %swap3A_24 = arith.constant 32 : index
    %swap3A_25 = tpu.vector_load %arg8[%swap3A_23, %swap3A_24] {strides = array<i32>} : memref<4x128xi32, #tpu.memory_space<vmem>>, vector<16xi32>,
    tpu.vector_store %arg8[%swap3A_23, %swap3A_24], %gather3A_21 {strides = array<i32>} : memref<4x128xi32, #tpu.memory_space<vmem>>, vector<16xi32>,
    %add3A_26 = arith.constant 48 : i32
    %add3A_27 = vector.broadcast %add3A_26 : i32 to vector<16xi32>
    %add3A_28 = arith.addi %add3A_27, %iota3A : vector<16xi32>
    %gather3A_29 = tpu.vector_load_idx %arg7[%add3A_28, %broadcast_in_dim3A_3] : memref<512x3xi32, #tpu.memory_space<vmem>>[vector<16xi32>, vector<16xi32>], vector<16xi32>,
    %swap3A_30 = arith.constant 0 : i32
    %swap3A_31 = arith.index_cast %swap3A_30 : i32 to index
    %swap3A_32 = arith.constant 48 : index
    %swap3A_33 = tpu.vector_load %arg8[%swap3A_31, %swap3A_32] {strides = array<i32>} : memref<4x128xi32, #tpu.memory_space<vmem>>, vector<16xi32>,
    tpu.vector_store %arg8[%swap3A_31, %swap3A_32], %gather3A_29 {strides = array<i32>} : memref<4x128xi32, #tpu.memory_space<vmem>>, vector<16xi32>,
    %add3A_34 = arith.constant 64 : i32
    %add3A_35 = vector.broadcast %add3A_34 : i32 to vector<16xi32>
    %add3A_36 = arith.addi %add3A_35, %iota3A : vector<16xi32>
    %gather3A_37 = tpu.vector_load_idx %arg7[%add3A_36, %broadcast_in_dim3A_3] : memref<512x3xi32, #tpu.memory_space<vmem>>[vector<16xi32>, vector<16xi32>], vector<16xi32>,
    %swap3A_38 = arith.constant 0 : i32
    %swap3A_39 = arith.index_cast %swap3A_38 : i32 to index
    %swap3A_40 = arith.constant 64 : index
    %swap3A_41 = tpu.vector_load %arg8[%swap3A_39, %swap3A_40] {strides = array<i32>} : memref<4x128xi32, #tpu.memory_space<vmem>>, vector<16xi32>,
    tpu.vector_store %arg8[%swap3A_39, %swap3A_40], %gather3A_37 {strides = array<i32>} : memref<4x128xi32, #tpu.memory_space<vmem>>, vector<16xi32>,
    %add3A_42 = arith.constant 80 : i32
    %add3A_43 = vector.broadcast %add3A_42 : i32 to vector<16xi32>
    %add3A_44 = arith.addi %add3A_43, %iota3A : vector<16xi32>
    %gather3A_45 = tpu.vector_load_idx %arg7[%add3A_44, %broadcast_in_dim3A_3] : memref<512x3xi32, #tpu.memory_space<vmem>>[vector<16xi32>, vector<16xi32>], vector<16xi32>,
    %swap3A_46 = arith.constant 0 : i32
    %swap3A_47 = arith.index_cast %swap3A_46 : i32 to index
    %swap3A_48 = arith.constant 80 : index
    %swap3A_49 = tpu.vector_load %arg8[%swap3A_47, %swap3A_48] {strides = array<i32>} : memref<4x128xi32, #tpu.memory_space<vmem>>, vector<16xi32>,
    tpu.vector_store %arg8[%swap3A_47, %swap3A_48], %gather3A_45 {strides = array<i32>} : memref<4x128xi32, #tpu.memory_space<vmem>>, vector<16xi32>,
    %add3A_50 = arith.constant 96 : i32
    %add3A_51 = vector.broadcast %add3A_50 : i32 to vector<16xi32>
    %add3A_52 = arith.addi %add3A_51, %iota3A : vector<16xi32>
    %gather3A_53 = tpu.vector_load_idx %arg7[%add3A_52, %broadcast_in_dim3A_3] : memref<512x3xi32, #tpu.memory_space<vmem>>[vector<16xi32>, vector<16xi32>], vector<16xi32>,
    %swap3A_54 = arith.constant 0 : i32
    %swap3A_55 = arith.index_cast %swap3A_54 : i32 to index
    %swap3A_56 = arith.constant 96 : index
    %swap3A_57 = tpu.vector_load %arg8[%swap3A_55, %swap3A_56] {strides = array<i32>} : memref<4x128xi32, #tpu.memory_space<vmem>>, vector<16xi32>,
    tpu.vector_store %arg8[%swap3A_55, %swap3A_56], %gather3A_53 {strides = array<i32>} : memref<4x128xi32, #tpu.memory_space<vmem>>, vector<16xi32>,
    %add3A_58 = arith.constant 112 : i32
    %add3A_59 = vector.broadcast %add3A_58 : i32 to vector<16xi32>
    %add3A_60 = arith.addi %add3A_59, %iota3A : vector<16xi32>
    %gather3A_61 = tpu.vector_load_idx %arg7[%add3A_60, %broadcast_in_dim3A_3] : memref<512x3xi32, #tpu.memory_space<vmem>>[vector<16xi32>, vector<16xi32>], vector<16xi32>,
    %swap3A_62 = arith.constant 0 : i32
    %swap3A_63 = arith.index_cast %swap3A_62 : i32 to index
    %swap3A_64 = arith.constant 112 : index
    %swap3A_65 = tpu.vector_load %arg8[%swap3A_63, %swap3A_64] {strides = array<i32>} : memref<4x128xi32, #tpu.memory_space<vmem>>, vector<16xi32>,
    tpu.vector_store %arg8[%swap3A_63, %swap3A_64], %gather3A_61 {strides = array<i32>} : memref<4x128xi32, #tpu.memory_space<vmem>>, vector<16xi32>,
    %add3A_66 = arith.constant 128 : i32
    %add3A_67 = vector.broadcast %add3A_66 : i32 to vector<16xi32>
    %add3A_68 = arith.addi %add3A_67, %iota3A : vector<16xi32>
    %gather3A_69 = tpu.vector_load_idx %arg7[%add3A_68, %broadcast_in_dim3A_3] : memref<512x3xi32, #tpu.memory_space<vmem>>[vector<16xi32>, vector<16xi32>], vector<16xi32>,
    %swap3A_70 = arith.constant 1 : i32
    %swap3A_71 = arith.index_cast %swap3A_70 : i32 to index
    %swap3A_72 = arith.constant 0 : index
    %swap3A_73 = tpu.vector_load %arg8[%swap3A_71, %swap3A_72] {strides = array<i32>} : memref<4x128xi32, #tpu.memory_space<vmem>>, vector<16xi32>,
    tpu.vector_store %arg8[%swap3A_71, %swap3A_72], %gather3A_69 {strides = array<i32>} : memref<4x128xi32, #tpu.memory_space<vmem>>, vector<16xi32>,
    %add3A_74 = arith.constant 144 : i32
    %add3A_75 = vector.broadcast %add3A_74 : i32 to vector<16xi32>
    %add3A_76 = arith.addi %add3A_75, %iota3A : vector<16xi32>
    %gather3A_77 = tpu.vector_load_idx %arg7[%add3A_76, %broadcast_in_dim3A_3] : memref<512x3xi32, #tpu.memory_space<vmem>>[vector<16xi32>, vector<16xi32>], vector<16xi32>,
    %swap3A_78 = arith.constant 1 : i32
    %swap3A_79 = arith.index_cast %swap3A_78 : i32 to index
    %swap3A_80 = arith.constant 16 : index
    %swap3A_81 = tpu.vector_load %arg8[%swap3A_79, %swap3A_80] {strides = array<i32>} : memref<4x128xi32, #tpu.memory_space<vmem>>, vector<16xi32>,
    tpu.vector_store %arg8[%swap3A_79, %swap3A_80], %gather3A_77 {strides = array<i32>} : memref<4x128xi32, #tpu.memory_space<vmem>>, vector<16xi32>,
    %add3A_82 = arith.constant 160 : i32
    %add3A_83 = vector.broadcast %add3A_82 : i32 to vector<16xi32>
    %add3A_84 = arith.addi %add3A_83, %iota3A : vector<16xi32>
    %gather3A_85 = tpu.vector_load_idx %arg7[%add3A_84, %broadcast_in_dim3A_3] : memref<512x3xi32, #tpu.memory_space<vmem>>[vector<16xi32>, vector<16xi32>], vector<16xi32>,
    %swap3A_86 = arith.constant 1 : i32
    %swap3A_87 = arith.index_cast %swap3A_86 : i32 to index
    %swap3A_88 = arith.constant 32 : index
    %swap3A_89 = tpu.vector_load %arg8[%swap3A_87, %swap3A_88] {strides = array<i32>} : memref<4x128xi32, #tpu.memory_space<vmem>>, vector<16xi32>,
    tpu.vector_store %arg8[%swap3A_87, %swap3A_88], %gather3A_85 {strides = array<i32>} : memref<4x128xi32, #tpu.memory_space<vmem>>, vector<16xi32>,
    %add3A_90 = arith.constant 176 : i32
    %add3A_91 = vector.broadcast %add3A_90 : i32 to vector<16xi32>
    %add3A_92 = arith.addi %add3A_91, %iota3A : vector<16xi32>
    %gather3A_93 = tpu.vector_load_idx %arg7[%add3A_92, %broadcast_in_dim3A_3] : memref<512x3xi32, #tpu.memory_space<vmem>>[vector<16xi32>, vector<16xi32>], vector<16xi32>,
    %swap3A_94 = arith.constant 1 : i32
    %swap3A_95 = arith.index_cast %swap3A_94 : i32 to index
    %swap3A_96 = arith.constant 48 : index
    %swap3A_97 = tpu.vector_load %arg8[%swap3A_95, %swap3A_96] {strides = array<i32>} : memref<4x128xi32, #tpu.memory_space<vmem>>, vector<16xi32>,
    tpu.vector_store %arg8[%swap3A_95, %swap3A_96], %gather3A_93 {strides = array<i32>} : memref<4x128xi32, #tpu.memory_space<vmem>>, vector<16xi32>,
    %add3A_98 = arith.constant 192 : i32
    %add3A_99 = vector.broadcast %add3A_98 : i32 to vector<16xi32>
    %add3A_100 = arith.addi %add3A_99, %iota3A : vector<16xi32>
    %gather3A_101 = tpu.vector_load_idx %arg7[%add3A_100, %broadcast_in_dim3A_3] : memref<512x3xi32, #tpu.memory_space<vmem>>[vector<16xi32>, vector<16xi32>], vector<16xi32>,
    %swap3A_102 = arith.constant 1 : i32
    %swap3A_103 = arith.index_cast %swap3A_102 : i32 to index
    %swap3A_104 = arith.constant 64 : index
    %swap3A_105 = tpu.vector_load %arg8[%swap3A_103, %swap3A_104] {strides = array<i32>} : memref<4x128xi32, #tpu.memory_space<vmem>>, vector<16xi32>,
    tpu.vector_store %arg8[%swap3A_103, %swap3A_104], %gather3A_101 {strides = array<i32>} : memref<4x128xi32, #tpu.memory_space<vmem>>, vector<16xi32>,
    %add3A_106 = arith.constant 208 : i32
    %add3A_107 = vector.broadcast %add3A_106 : i32 to vector<16xi32>
    %add3A_108 = arith.addi %add3A_107, %iota3A : vector<16xi32>
    %gather3A_109 = tpu.vector_load_idx %arg7[%add3A_108, %broadcast_in_dim3A_3] : memref<512x3xi32, #tpu.memory_space<vmem>>[vector<16xi32>, vector<16xi32>], vector<16xi32>,
    %swap3A_110 = arith.constant 1 : i32
    %swap3A_111 = arith.index_cast %swap3A_110 : i32 to index
    %swap3A_112 = arith.constant 80 : index
    %swap3A_113 = tpu.vector_load %arg8[%swap3A_111, %swap3A_112] {strides = array<i32>} : memref<4x128xi32, #tpu.memory_space<vmem>>, vector<16xi32>,
    tpu.vector_store %arg8[%swap3A_111, %swap3A_112], %gather3A_109 {strides = array<i32>} : memref<4x128xi32, #tpu.memory_space<vmem>>, vector<16xi32>,
    %add3A_114 = arith.constant 224 : i32
    %add3A_115 = vector.broadcast %add3A_114 : i32 to vector<16xi32>
    %add3A_116 = arith.addi %add3A_115, %iota3A : vector<16xi32>
    %gather3A_117 = tpu.vector_load_idx %arg7[%add3A_116, %broadcast_in_dim3A_3] : memref<512x3xi32, #tpu.memory_space<vmem>>[vector<16xi32>, vector<16xi32>], vector<16xi32>,
    %swap3A_118 = arith.constant 1 : i32
    %swap3A_119 = arith.index_cast %swap3A_118 : i32 to index
    %swap3A_120 = arith.constant 96 : index
    %swap3A_121 = tpu.vector_load %arg8[%swap3A_119, %swap3A_120] {strides = array<i32>} : memref<4x128xi32, #tpu.memory_space<vmem>>, vector<16xi32>,
    tpu.vector_store %arg8[%swap3A_119, %swap3A_120], %gather3A_117 {strides = array<i32>} : memref<4x128xi32, #tpu.memory_space<vmem>>, vector<16xi32>,
    %add3A_122 = arith.constant 240 : i32
    %add3A_123 = vector.broadcast %add3A_122 : i32 to vector<16xi32>
    %add3A_124 = arith.addi %add3A_123, %iota3A : vector<16xi32>
    %gather3A_125 = tpu.vector_load_idx %arg7[%add3A_124, %broadcast_in_dim3A_3] : memref<512x3xi32, #tpu.memory_space<vmem>>[vector<16xi32>, vector<16xi32>], vector<16xi32>,
    %swap3A_126 = arith.constant 1 : i32
    %swap3A_127 = arith.index_cast %swap3A_126 : i32 to index
    %swap3A_128 = arith.constant 112 : index
    %swap3A_129 = tpu.vector_load %arg8[%swap3A_127, %swap3A_128] {strides = array<i32>} : memref<4x128xi32, #tpu.memory_space<vmem>>, vector<16xi32>,
    tpu.vector_store %arg8[%swap3A_127, %swap3A_128], %gather3A_125 {strides = array<i32>} : memref<4x128xi32, #tpu.memory_space<vmem>>, vector<16xi32>,
    %add3A_130 = arith.constant 256 : i32
    %add3A_131 = vector.broadcast %add3A_130 : i32 to vector<16xi32>
    %add3A_132 = arith.addi %add3A_131, %iota3A : vector<16xi32>
    %gather3A_133 = tpu.vector_load_idx %arg7[%add3A_132, %broadcast_in_dim3A_3] : memref<512x3xi32, #tpu.memory_space<vmem>>[vector<16xi32>, vector<16xi32>], vector<16xi32>,
    %swap3A_134 = arith.constant 2 : i32
    %swap3A_135 = arith.index_cast %swap3A_134 : i32 to index
    %swap3A_136 = arith.constant 0 : index
    %swap3A_137 = tpu.vector_load %arg8[%swap3A_135, %swap3A_136] {strides = array<i32>} : memref<4x128xi32, #tpu.memory_space<vmem>>, vector<16xi32>,
    tpu.vector_store %arg8[%swap3A_135, %swap3A_136], %gather3A_133 {strides = array<i32>} : memref<4x128xi32, #tpu.memory_space<vmem>>, vector<16xi32>,
    %add3A_138 = arith.constant 272 : i32
    %add3A_139 = vector.broadcast %add3A_138 : i32 to vector<16xi32>
    %add3A_140 = arith.addi %add3A_139, %iota3A : vector<16xi32>
    %gather3A_141 = tpu.vector_load_idx %arg7[%add3A_140, %broadcast_in_dim3A_3] : memref<512x3xi32, #tpu.memory_space<vmem>>[vector<16xi32>, vector<16xi32>], vector<16xi32>,
    %swap3A_142 = arith.constant 2 : i32
    %swap3A_143 = arith.index_cast %swap3A_142 : i32 to index
    %swap3A_144 = arith.constant 16 : index
    %swap3A_145 = tpu.vector_load %arg8[%swap3A_143, %swap3A_144] {strides = array<i32>} : memref<4x128xi32, #tpu.memory_space<vmem>>, vector<16xi32>,
    tpu.vector_store %arg8[%swap3A_143, %swap3A_144], %gather3A_141 {strides = array<i32>} : memref<4x128xi32, #tpu.memory_space<vmem>>, vector<16xi32>,
    %add3A_146 = arith.constant 288 : i32
    %add3A_147 = vector.broadcast %add3A_146 : i32 to vector<16xi32>
    %add3A_148 = arith.addi %add3A_147, %iota3A : vector<16xi32>
    %gather3A_149 = tpu.vector_load_idx %arg7[%add3A_148, %broadcast_in_dim3A_3] : memref<512x3xi32, #tpu.memory_space<vmem>>[vector<16xi32>, vector<16xi32>], vector<16xi32>,
    %swap3A_150 = arith.constant 2 : i32
    %swap3A_151 = arith.index_cast %swap3A_150 : i32 to index
    %swap3A_152 = arith.constant 32 : index
    %swap3A_153 = tpu.vector_load %arg8[%swap3A_151, %swap3A_152] {strides = array<i32>} : memref<4x128xi32, #tpu.memory_space<vmem>>, vector<16xi32>,
    tpu.vector_store %arg8[%swap3A_151, %swap3A_152], %gather3A_149 {strides = array<i32>} : memref<4x128xi32, #tpu.memory_space<vmem>>, vector<16xi32>,
    %add3A_154 = arith.constant 304 : i32
    %add3A_155 = vector.broadcast %add3A_154 : i32 to vector<16xi32>
    %add3A_156 = arith.addi %add3A_155, %iota3A : vector<16xi32>
    %gather3A_157 = tpu.vector_load_idx %arg7[%add3A_156, %broadcast_in_dim3A_3] : memref<512x3xi32, #tpu.memory_space<vmem>>[vector<16xi32>, vector<16xi32>], vector<16xi32>,
    %swap3A_158 = arith.constant 2 : i32
    %swap3A_159 = arith.index_cast %swap3A_158 : i32 to index
    %swap3A_160 = arith.constant 48 : index
    %swap3A_161 = tpu.vector_load %arg8[%swap3A_159, %swap3A_160] {strides = array<i32>} : memref<4x128xi32, #tpu.memory_space<vmem>>, vector<16xi32>,
    tpu.vector_store %arg8[%swap3A_159, %swap3A_160], %gather3A_157 {strides = array<i32>} : memref<4x128xi32, #tpu.memory_space<vmem>>, vector<16xi32>,
    %add3A_162 = arith.constant 320 : i32
    %add3A_163 = vector.broadcast %add3A_162 : i32 to vector<16xi32>
    %add3A_164 = arith.addi %add3A_163, %iota3A : vector<16xi32>
    %gather3A_165 = tpu.vector_load_idx %arg7[%add3A_164, %broadcast_in_dim3A_3] : memref<512x3xi32, #tpu.memory_space<vmem>>[vector<16xi32>, vector<16xi32>], vector<16xi32>,
    %swap3A_166 = arith.constant 2 : i32
    %swap3A_167 = arith.index_cast %swap3A_166 : i32 to index
    %swap3A_168 = arith.constant 64 : index
    %swap3A_169 = tpu.vector_load %arg8[%swap3A_167, %swap3A_168] {strides = array<i32>} : memref<4x128xi32, #tpu.memory_space<vmem>>, vector<16xi32>,
    tpu.vector_store %arg8[%swap3A_167, %swap3A_168], %gather3A_165 {strides = array<i32>} : memref<4x128xi32, #tpu.memory_space<vmem>>, vector<16xi32>,
    %add3A_170 = arith.constant 336 : i32
    %add3A_171 = vector.broadcast %add3A_170 : i32 to vector<16xi32>
    %add3A_172 = arith.addi %add3A_171, %iota3A : vector<16xi32>
    %gather3A_173 = tpu.vector_load_idx %arg7[%add3A_172, %broadcast_in_dim3A_3] : memref<512x3xi32, #tpu.memory_space<vmem>>[vector<16xi32>, vector<16xi32>], vector<16xi32>,
    %swap3A_174 = arith.constant 2 : i32
    %swap3A_175 = arith.index_cast %swap3A_174 : i32 to index
    %swap3A_176 = arith.constant 80 : index
    %swap3A_177 = tpu.vector_load %arg8[%swap3A_175, %swap3A_176] {strides = array<i32>} : memref<4x128xi32, #tpu.memory_space<vmem>>, vector<16xi32>,
    tpu.vector_store %arg8[%swap3A_175, %swap3A_176], %gather3A_173 {strides = array<i32>} : memref<4x128xi32, #tpu.memory_space<vmem>>, vector<16xi32>,
    %add3A_178 = arith.constant 352 : i32
    %add3A_179 = vector.broadcast %add3A_178 : i32 to vector<16xi32>
    %add3A_180 = arith.addi %add3A_179, %iota3A : vector<16xi32>
    %gather3A_181 = tpu.vector_load_idx %arg7[%add3A_180, %broadcast_in_dim3A_3] : memref<512x3xi32, #tpu.memory_space<vmem>>[vector<16xi32>, vector<16xi32>], vector<16xi32>,
    %swap3A_182 = arith.constant 2 : i32
    %swap3A_183 = arith.index_cast %swap3A_182 : i32 to index
    %swap3A_184 = arith.constant 96 : index
    %swap3A_185 = tpu.vector_load %arg8[%swap3A_183, %swap3A_184] {strides = array<i32>} : memref<4x128xi32, #tpu.memory_space<vmem>>, vector<16xi32>,
    tpu.vector_store %arg8[%swap3A_183, %swap3A_184], %gather3A_181 {strides = array<i32>} : memref<4x128xi32, #tpu.memory_space<vmem>>, vector<16xi32>,
    %add3A_186 = arith.constant 368 : i32
    %add3A_187 = vector.broadcast %add3A_186 : i32 to vector<16xi32>
    %add3A_188 = arith.addi %add3A_187, %iota3A : vector<16xi32>
    %gather3A_189 = tpu.vector_load_idx %arg7[%add3A_188, %broadcast_in_dim3A_3] : memref<512x3xi32, #tpu.memory_space<vmem>>[vector<16xi32>, vector<16xi32>], vector<16xi32>,
    %swap3A_190 = arith.constant 2 : i32
    %swap3A_191 = arith.index_cast %swap3A_190 : i32 to index
    %swap3A_192 = arith.constant 112 : index
    %swap3A_193 = tpu.vector_load %arg8[%swap3A_191, %swap3A_192] {strides = array<i32>} : memref<4x128xi32, #tpu.memory_space<vmem>>, vector<16xi32>,
    tpu.vector_store %arg8[%swap3A_191, %swap3A_192], %gather3A_189 {strides = array<i32>} : memref<4x128xi32, #tpu.memory_space<vmem>>, vector<16xi32>,
    %add3A_194 = arith.constant 384 : i32
    %add3A_195 = vector.broadcast %add3A_194 : i32 to vector<16xi32>
    %add3A_196 = arith.addi %add3A_195, %iota3A : vector<16xi32>
    %gather3A_197 = tpu.vector_load_idx %arg7[%add3A_196, %broadcast_in_dim3A_3] : memref<512x3xi32, #tpu.memory_space<vmem>>[vector<16xi32>, vector<16xi32>], vector<16xi32>,
    %swap3A_198 = arith.constant 3 : i32
    %swap3A_199 = arith.index_cast %swap3A_198 : i32 to index
    %swap3A_200 = arith.constant 0 : index
    %swap3A_201 = tpu.vector_load %arg8[%swap3A_199, %swap3A_200] {strides = array<i32>} : memref<4x128xi32, #tpu.memory_space<vmem>>, vector<16xi32>,
    tpu.vector_store %arg8[%swap3A_199, %swap3A_200], %gather3A_197 {strides = array<i32>} : memref<4x128xi32, #tpu.memory_space<vmem>>, vector<16xi32>,
    %add3A_202 = arith.constant 400 : i32
    %add3A_203 = vector.broadcast %add3A_202 : i32 to vector<16xi32>
    %add3A_204 = arith.addi %add3A_203, %iota3A : vector<16xi32>
    %gather3A_205 = tpu.vector_load_idx %arg7[%add3A_204, %broadcast_in_dim3A_3] : memref<512x3xi32, #tpu.memory_space<vmem>>[vector<16xi32>, vector<16xi32>], vector<16xi32>,
    %swap3A_206 = arith.constant 3 : i32
    %swap3A_207 = arith.index_cast %swap3A_206 : i32 to index
    %swap3A_208 = arith.constant 16 : index
    %swap3A_209 = tpu.vector_load %arg8[%swap3A_207, %swap3A_208] {strides = array<i32>} : memref<4x128xi32, #tpu.memory_space<vmem>>, vector<16xi32>,
    tpu.vector_store %arg8[%swap3A_207, %swap3A_208], %gather3A_205 {strides = array<i32>} : memref<4x128xi32, #tpu.memory_space<vmem>>, vector<16xi32>,
    %add3A_210 = arith.constant 416 : i32
    %add3A_211 = vector.broadcast %add3A_210 : i32 to vector<16xi32>
    %add3A_212 = arith.addi %add3A_211, %iota3A : vector<16xi32>
    %gather3A_213 = tpu.vector_load_idx %arg7[%add3A_212, %broadcast_in_dim3A_3] : memref<512x3xi32, #tpu.memory_space<vmem>>[vector<16xi32>, vector<16xi32>], vector<16xi32>,
    %swap3A_214 = arith.constant 3 : i32
    %swap3A_215 = arith.index_cast %swap3A_214 : i32 to index
    %swap3A_216 = arith.constant 32 : index
    %swap3A_217 = tpu.vector_load %arg8[%swap3A_215, %swap3A_216] {strides = array<i32>} : memref<4x128xi32, #tpu.memory_space<vmem>>, vector<16xi32>,
    tpu.vector_store %arg8[%swap3A_215, %swap3A_216], %gather3A_213 {strides = array<i32>} : memref<4x128xi32, #tpu.memory_space<vmem>>, vector<16xi32>,
    %add3A_218 = arith.constant 432 : i32
    %add3A_219 = vector.broadcast %add3A_218 : i32 to vector<16xi32>
    %add3A_220 = arith.addi %add3A_219, %iota3A : vector<16xi32>
    %gather3A_221 = tpu.vector_load_idx %arg7[%add3A_220, %broadcast_in_dim3A_3] : memref<512x3xi32, #tpu.memory_space<vmem>>[vector<16xi32>, vector<16xi32>], vector<16xi32>,
    %swap3A_222 = arith.constant 3 : i32
    %swap3A_223 = arith.index_cast %swap3A_222 : i32 to index
    %swap3A_224 = arith.constant 48 : index
    %swap3A_225 = tpu.vector_load %arg8[%swap3A_223, %swap3A_224] {strides = array<i32>} : memref<4x128xi32, #tpu.memory_space<vmem>>, vector<16xi32>,
    tpu.vector_store %arg8[%swap3A_223, %swap3A_224], %gather3A_221 {strides = array<i32>} : memref<4x128xi32, #tpu.memory_space<vmem>>, vector<16xi32>,
    %add3A_226 = arith.constant 448 : i32
    %add3A_227 = vector.broadcast %add3A_226 : i32 to vector<16xi32>
    %add3A_228 = arith.addi %add3A_227, %iota3A : vector<16xi32>
    %gather3A_229 = tpu.vector_load_idx %arg7[%add3A_228, %broadcast_in_dim3A_3] : memref<512x3xi32, #tpu.memory_space<vmem>>[vector<16xi32>, vector<16xi32>], vector<16xi32>,
    %swap3A_230 = arith.constant 3 : i32
    %swap3A_231 = arith.index_cast %swap3A_230 : i32 to index
    %swap3A_232 = arith.constant 64 : index
    %swap3A_233 = tpu.vector_load %arg8[%swap3A_231, %swap3A_232] {strides = array<i32>} : memref<4x128xi32, #tpu.memory_space<vmem>>, vector<16xi32>,
    tpu.vector_store %arg8[%swap3A_231, %swap3A_232], %gather3A_229 {strides = array<i32>} : memref<4x128xi32, #tpu.memory_space<vmem>>, vector<16xi32>,
    %add3A_234 = arith.constant 464 : i32
    %add3A_235 = vector.broadcast %add3A_234 : i32 to vector<16xi32>
    %add3A_236 = arith.addi %add3A_235, %iota3A : vector<16xi32>
    %gather3A_237 = tpu.vector_load_idx %arg7[%add3A_236, %broadcast_in_dim3A_3] : memref<512x3xi32, #tpu.memory_space<vmem>>[vector<16xi32>, vector<16xi32>], vector<16xi32>,
    %swap3A_238 = arith.constant 3 : i32
    %swap3A_239 = arith.index_cast %swap3A_238 : i32 to index
    %swap3A_240 = arith.constant 80 : index
    %swap3A_241 = tpu.vector_load %arg8[%swap3A_239, %swap3A_240] {strides = array<i32>} : memref<4x128xi32, #tpu.memory_space<vmem>>, vector<16xi32>,
    tpu.vector_store %arg8[%swap3A_239, %swap3A_240], %gather3A_237 {strides = array<i32>} : memref<4x128xi32, #tpu.memory_space<vmem>>, vector<16xi32>,
    %add3A_242 = arith.constant 480 : i32
    %add3A_243 = vector.broadcast %add3A_242 : i32 to vector<16xi32>
    %add3A_244 = arith.addi %add3A_243, %iota3A : vector<16xi32>
    %gather3A_245 = tpu.vector_load_idx %arg7[%add3A_244, %broadcast_in_dim3A_3] : memref<512x3xi32, #tpu.memory_space<vmem>>[vector<16xi32>, vector<16xi32>], vector<16xi32>,
    %swap3A_246 = arith.constant 3 : i32
    %swap3A_247 = arith.index_cast %swap3A_246 : i32 to index
    %swap3A_248 = arith.constant 96 : index
    %swap3A_249 = tpu.vector_load %arg8[%swap3A_247, %swap3A_248] {strides = array<i32>} : memref<4x128xi32, #tpu.memory_space<vmem>>, vector<16xi32>,
    tpu.vector_store %arg8[%swap3A_247, %swap3A_248], %gather3A_245 {strides = array<i32>} : memref<4x128xi32, #tpu.memory_space<vmem>>, vector<16xi32>,
    %add3A_250 = arith.constant 496 : i32
    %add3A_251 = vector.broadcast %add3A_250 : i32 to vector<16xi32>
    %add3A_252 = arith.addi %add3A_251, %iota3A : vector<16xi32>
    %gather3A_253 = tpu.vector_load_idx %arg7[%add3A_252, %broadcast_in_dim3A_3] : memref<512x3xi32, #tpu.memory_space<vmem>>[vector<16xi32>, vector<16xi32>], vector<16xi32>,
    %swap3A_254 = arith.constant 3 : i32
    %swap3A_255 = arith.index_cast %swap3A_254 : i32 to index
    %swap3A_256 = arith.constant 112 : index
    %swap3A_257 = tpu.vector_load %arg8[%swap3A_255, %swap3A_256] {strides = array<i32>} : memref<4x128xi32, #tpu.memory_space<vmem>>, vector<16xi32>,
    tpu.vector_store %arg8[%swap3A_255, %swap3A_256], %gather3A_253 {strides = array<i32>} : memref<4x128xi32, #tpu.memory_space<vmem>>, vector<16xi32>,
    %broadcast_in_dim3A_258 = arith.constant 1 : i32
    %broadcast_in_dim3A_259 = vector.broadcast %broadcast_in_dim3A_258 : i32 to vector<16xi32>
    %add3A_260 = arith.constant 0 : i32
    %add3A_261 = vector.broadcast %add3A_260 : i32 to vector<16xi32>
    %add3A_262 = arith.addi %add3A_261, %iota3A : vector<16xi32>
    %gather3A_263 = tpu.vector_load_idx %arg7[%add3A_262, %broadcast_in_dim3A_259] : memref<512x3xi32, #tpu.memory_space<vmem>>[vector<16xi32>, vector<16xi32>], vector<16xi32>,
    %swap3A_264 = arith.constant 0 : i32
    %swap3A_265 = arith.index_cast %swap3A_264 : i32 to index
    %swap3A_266 = arith.constant 0 : index
    %swap3A_267 = tpu.vector_load %arg9[%swap3A_265, %swap3A_266] {strides = array<i32>} : memref<4x128xi32, #tpu.memory_space<vmem>>, vector<16xi32>,
    tpu.vector_store %arg9[%swap3A_265, %swap3A_266], %gather3A_263 {strides = array<i32>} : memref<4x128xi32, #tpu.memory_space<vmem>>, vector<16xi32>,
    %add3A_268 = arith.constant 16 : i32
    %add3A_269 = vector.broadcast %add3A_268 : i32 to vector<16xi32>
    %add3A_270 = arith.addi %add3A_269, %iota3A : vector<16xi32>
    %gather3A_271 = tpu.vector_load_idx %arg7[%add3A_270, %broadcast_in_dim3A_259] : memref<512x3xi32, #tpu.memory_space<vmem>>[vector<16xi32>, vector<16xi32>], vector<16xi32>,
    %swap3A_272 = arith.constant 0 : i32
    %swap3A_273 = arith.index_cast %swap3A_272 : i32 to index
    %swap3A_274 = arith.constant 16 : index
    %swap3A_275 = tpu.vector_load %arg9[%swap3A_273, %swap3A_274] {strides = array<i32>} : memref<4x128xi32, #tpu.memory_space<vmem>>, vector<16xi32>,
    tpu.vector_store %arg9[%swap3A_273, %swap3A_274], %gather3A_271 {strides = array<i32>} : memref<4x128xi32, #tpu.memory_space<vmem>>, vector<16xi32>,
    %add3A_276 = arith.constant 32 : i32
    %add3A_277 = vector.broadcast %add3A_276 : i32 to vector<16xi32>
    %add3A_278 = arith.addi %add3A_277, %iota3A : vector<16xi32>
    %gather3A_279 = tpu.vector_load_idx %arg7[%add3A_278, %broadcast_in_dim3A_259] : memref<512x3xi32, #tpu.memory_space<vmem>>[vector<16xi32>, vector<16xi32>], vector<16xi32>,
    %swap3A_280 = arith.constant 0 : i32
    %swap3A_281 = arith.index_cast %swap3A_280 : i32 to index
    %swap3A_282 = arith.constant 32 : index
    %swap3A_283 = tpu.vector_load %arg9[%swap3A_281, %swap3A_282] {strides = array<i32>} : memref<4x128xi32, #tpu.memory_space<vmem>>, vector<16xi32>,
    tpu.vector_store %arg9[%swap3A_281, %swap3A_282], %gather3A_279 {strides = array<i32>} : memref<4x128xi32, #tpu.memory_space<vmem>>, vector<16xi32>,
    %add3A_284 = arith.constant 48 : i32
    %add3A_285 = vector.broadcast %add3A_284 : i32 to vector<16xi32>
    %add3A_286 = arith.addi %add3A_285, %iota3A : vector<16xi32>
    %gather3A_287 = tpu.vector_load_idx %arg7[%add3A_286, %broadcast_in_dim3A_259] : memref<512x3xi32, #tpu.memory_space<vmem>>[vector<16xi32>, vector<16xi32>], vector<16xi32>,
    %swap3A_288 = arith.constant 0 : i32
    %swap3A_289 = arith.index_cast %swap3A_288 : i32 to index
    %swap3A_290 = arith.constant 48 : index
    %swap3A_291 = tpu.vector_load %arg9[%swap3A_289, %swap3A_290] {strides = array<i32>} : memref<4x128xi32, #tpu.memory_space<vmem>>, vector<16xi32>,
    tpu.vector_store %arg9[%swap3A_289, %swap3A_290], %gather3A_287 {strides = array<i32>} : memref<4x128xi32, #tpu.memory_space<vmem>>, vector<16xi32>,
    %add3A_292 = arith.constant 64 : i32
    %add3A_293 = vector.broadcast %add3A_292 : i32 to vector<16xi32>
    %add3A_294 = arith.addi %add3A_293, %iota3A : vector<16xi32>
    %gather3A_295 = tpu.vector_load_idx %arg7[%add3A_294, %broadcast_in_dim3A_259] : memref<512x3xi32, #tpu.memory_space<vmem>>[vector<16xi32>, vector<16xi32>], vector<16xi32>,
    %swap3A_296 = arith.constant 0 : i32
    %swap3A_297 = arith.index_cast %swap3A_296 : i32 to index
    %swap3A_298 = arith.constant 64 : index
    %swap3A_299 = tpu.vector_load %arg9[%swap3A_297, %swap3A_298] {strides = array<i32>} : memref<4x128xi32, #tpu.memory_space<vmem>>, vector<16xi32>,
    tpu.vector_store %arg9[%swap3A_297, %swap3A_298], %gather3A_295 {strides = array<i32>} : memref<4x128xi32, #tpu.memory_space<vmem>>, vector<16xi32>,
    %add3A_300 = arith.constant 80 : i32
    %add3A_301 = vector.broadcast %add3A_300 : i32 to vector<16xi32>
    %add3A_302 = arith.addi %add3A_301, %iota3A : vector<16xi32>
    %gather3A_303 = tpu.vector_load_idx %arg7[%add3A_302, %broadcast_in_dim3A_259] : memref<512x3xi32, #tpu.memory_space<vmem>>[vector<16xi32>, vector<16xi32>], vector<16xi32>,
    %swap3A_304 = arith.constant 0 : i32
    %swap3A_305 = arith.index_cast %swap3A_304 : i32 to index
    %swap3A_306 = arith.constant 80 : index
    %swap3A_307 = tpu.vector_load %arg9[%swap3A_305, %swap3A_306] {strides = array<i32>} : memref<4x128xi32, #tpu.memory_space<vmem>>, vector<16xi32>,
    tpu.vector_store %arg9[%swap3A_305, %swap3A_306], %gather3A_303 {strides = array<i32>} : memref<4x128xi32, #tpu.memory_space<vmem>>, vector<16xi32>,
    %add3A_308 = arith.constant 96 : i32
    %add3A_309 = vector.broadcast %add3A_308 : i32 to vector<16xi32>
    %add3A_310 = arith.addi %add3A_309, %iota3A : vector<16xi32>
    %gather3A_311 = tpu.vector_load_idx %arg7[%add3A_310, %broadcast_in_dim3A_259] : memref<512x3xi32, #tpu.memory_space<vmem>>[vector<16xi32>, vector<16xi32>], vector<16xi32>,
    %swap3A_312 = arith.constant 0 : i32
    %swap3A_313 = arith.index_cast %swap3A_312 : i32 to index
    %swap3A_314 = arith.constant 96 : index
    %swap3A_315 = tpu.vector_load %arg9[%swap3A_313, %swap3A_314] {strides = array<i32>} : memref<4x128xi32, #tpu.memory_space<vmem>>, vector<16xi32>,
    tpu.vector_store %arg9[%swap3A_313, %swap3A_314], %gather3A_311 {strides = array<i32>} : memref<4x128xi32, #tpu.memory_space<vmem>>, vector<16xi32>,
    %add3A_316 = arith.constant 112 : i32
    %add3A_317 = vector.broadcast %add3A_316 : i32 to vector<16xi32>
    %add3A_318 = arith.addi %add3A_317, %iota3A : vector<16xi32>
    %gather3A_319 = tpu.vector_load_idx %arg7[%add3A_318, %broadcast_in_dim3A_259] : memref<512x3xi32, #tpu.memory_space<vmem>>[vector<16xi32>, vector<16xi32>], vector<16xi32>,
    %swap3A_320 = arith.constant 0 : i32
    %swap3A_321 = arith.index_cast %swap3A_320 : i32 to index
    %swap3A_322 = arith.constant 112 : index
    %swap3A_323 = tpu.vector_load %arg9[%swap3A_321, %swap3A_322] {strides = array<i32>} : memref<4x128xi32, #tpu.memory_space<vmem>>, vector<16xi32>,
    tpu.vector_store %arg9[%swap3A_321, %swap3A_322], %gather3A_319 {strides = array<i32>} : memref<4x128xi32, #tpu.memory_space<vmem>>, vector<16xi32>,
    %add3A_324 = arith.constant 128 : i32
    %add3A_325 = vector.broadcast %add3A_324 : i32 to vector<16xi32>
    %add3A_326 = arith.addi %add3A_325, %iota3A : vector<16xi32>
    %gather3A_327 = tpu.vector_load_idx %arg7[%add3A_326, %broadcast_in_dim3A_259] : memref<512x3xi32, #tpu.memory_space<vmem>>[vector<16xi32>, vector<16xi32>], vector<16xi32>,
    %swap3A_328 = arith.constant 1 : i32
    %swap3A_329 = arith.index_cast %swap3A_328 : i32 to index
    %swap3A_330 = arith.constant 0 : index
    %swap3A_331 = tpu.vector_load %arg9[%swap3A_329, %swap3A_330] {strides = array<i32>} : memref<4x128xi32, #tpu.memory_space<vmem>>, vector<16xi32>,
    tpu.vector_store %arg9[%swap3A_329, %swap3A_330], %gather3A_327 {strides = array<i32>} : memref<4x128xi32, #tpu.memory_space<vmem>>, vector<16xi32>,
    %add3A_332 = arith.constant 144 : i32
    %add3A_333 = vector.broadcast %add3A_332 : i32 to vector<16xi32>
    %add3A_334 = arith.addi %add3A_333, %iota3A : vector<16xi32>
    %gather3A_335 = tpu.vector_load_idx %arg7[%add3A_334, %broadcast_in_dim3A_259] : memref<512x3xi32, #tpu.memory_space<vmem>>[vector<16xi32>, vector<16xi32>], vector<16xi32>,
    %swap3A_336 = arith.constant 1 : i32
    %swap3A_337 = arith.index_cast %swap3A_336 : i32 to index
    %swap3A_338 = arith.constant 16 : index
    %swap3A_339 = tpu.vector_load %arg9[%swap3A_337, %swap3A_338] {strides = array<i32>} : memref<4x128xi32, #tpu.memory_space<vmem>>, vector<16xi32>,
    tpu.vector_store %arg9[%swap3A_337, %swap3A_338], %gather3A_335 {strides = array<i32>} : memref<4x128xi32, #tpu.memory_space<vmem>>, vector<16xi32>,
    %add3A_340 = arith.constant 160 : i32
    %add3A_341 = vector.broadcast %add3A_340 : i32 to vector<16xi32>
    %add3A_342 = arith.addi %add3A_341, %iota3A : vector<16xi32>
    %gather3A_343 = tpu.vector_load_idx %arg7[%add3A_342, %broadcast_in_dim3A_259] : memref<512x3xi32, #tpu.memory_space<vmem>>[vector<16xi32>, vector<16xi32>], vector<16xi32>,
    %swap3A_344 = arith.constant 1 : i32
    %swap3A_345 = arith.index_cast %swap3A_344 : i32 to index
    %swap3A_346 = arith.constant 32 : index
    %swap3A_347 = tpu.vector_load %arg9[%swap3A_345, %swap3A_346] {strides = array<i32>} : memref<4x128xi32, #tpu.memory_space<vmem>>, vector<16xi32>,
    tpu.vector_store %arg9[%swap3A_345, %swap3A_346], %gather3A_343 {strides = array<i32>} : memref<4x128xi32, #tpu.memory_space<vmem>>, vector<16xi32>,
    %add3A_348 = arith.constant 176 : i32
    %add3A_349 = vector.broadcast %add3A_348 : i32 to vector<16xi32>
    %add3A_350 = arith.addi %add3A_349, %iota3A : vector<16xi32>
    %gather3A_351 = tpu.vector_load_idx %arg7[%add3A_350, %broadcast_in_dim3A_259] : memref<512x3xi32, #tpu.memory_space<vmem>>[vector<16xi32>, vector<16xi32>], vector<16xi32>,
    %swap3A_352 = arith.constant 1 : i32
    %swap3A_353 = arith.index_cast %swap3A_352 : i32 to index
    %swap3A_354 = arith.constant 48 : index
    %swap3A_355 = tpu.vector_load %arg9[%swap3A_353, %swap3A_354] {strides = array<i32>} : memref<4x128xi32, #tpu.memory_space<vmem>>, vector<16xi32>,
    tpu.vector_store %arg9[%swap3A_353, %swap3A_354], %gather3A_351 {strides = array<i32>} : memref<4x128xi32, #tpu.memory_space<vmem>>, vector<16xi32>,
    %add3A_356 = arith.constant 192 : i32
    %add3A_357 = vector.broadcast %add3A_356 : i32 to vector<16xi32>
    %add3A_358 = arith.addi %add3A_357, %iota3A : vector<16xi32>
    %gather3A_359 = tpu.vector_load_idx %arg7[%add3A_358, %broadcast_in_dim3A_259] : memref<512x3xi32, #tpu.memory_space<vmem>>[vector<16xi32>, vector<16xi32>], vector<16xi32>,
    %swap3A_360 = arith.constant 1 : i32
    %swap3A_361 = arith.index_cast %swap3A_360 : i32 to index
    %swap3A_362 = arith.constant 64 : index
    %swap3A_363 = tpu.vector_load %arg9[%swap3A_361, %swap3A_362] {strides = array<i32>} : memref<4x128xi32, #tpu.memory_space<vmem>>, vector<16xi32>,
    tpu.vector_store %arg9[%swap3A_361, %swap3A_362], %gather3A_359 {strides = array<i32>} : memref<4x128xi32, #tpu.memory_space<vmem>>, vector<16xi32>,
    %add3A_364 = arith.constant 208 : i32
    %add3A_365 = vector.broadcast %add3A_364 : i32 to vector<16xi32>
    %add3A_366 = arith.addi %add3A_365, %iota3A : vector<16xi32>
    %gather3A_367 = tpu.vector_load_idx %arg7[%add3A_366, %broadcast_in_dim3A_259] : memref<512x3xi32, #tpu.memory_space<vmem>>[vector<16xi32>, vector<16xi32>], vector<16xi32>,
    %swap3A_368 = arith.constant 1 : i32
    %swap3A_369 = arith.index_cast %swap3A_368 : i32 to index
    %swap3A_370 = arith.constant 80 : index
    %swap3A_371 = tpu.vector_load %arg9[%swap3A_369, %swap3A_370] {strides = array<i32>} : memref<4x128xi32, #tpu.memory_space<vmem>>, vector<16xi32>,
    tpu.vector_store %arg9[%swap3A_369, %swap3A_370], %gather3A_367 {strides = array<i32>} : memref<4x128xi32, #tpu.memory_space<vmem>>, vector<16xi32>,
    %add3A_372 = arith.constant 224 : i32
    %add3A_373 = vector.broadcast %add3A_372 : i32 to vector<16xi32>
    %add3A_374 = arith.addi %add3A_373, %iota3A : vector<16xi32>
    %gather3A_375 = tpu.vector_load_idx %arg7[%add3A_374, %broadcast_in_dim3A_259] : memref<512x3xi32, #tpu.memory_space<vmem>>[vector<16xi32>, vector<16xi32>], vector<16xi32>,
    %swap3A_376 = arith.constant 1 : i32
    %swap3A_377 = arith.index_cast %swap3A_376 : i32 to index
    %swap3A_378 = arith.constant 96 : index
    %swap3A_379 = tpu.vector_load %arg9[%swap3A_377, %swap3A_378] {strides = array<i32>} : memref<4x128xi32, #tpu.memory_space<vmem>>, vector<16xi32>,
    tpu.vector_store %arg9[%swap3A_377, %swap3A_378], %gather3A_375 {strides = array<i32>} : memref<4x128xi32, #tpu.memory_space<vmem>>, vector<16xi32>,
    %add3A_380 = arith.constant 240 : i32
    %add3A_381 = vector.broadcast %add3A_380 : i32 to vector<16xi32>
    %add3A_382 = arith.addi %add3A_381, %iota3A : vector<16xi32>
    %gather3A_383 = tpu.vector_load_idx %arg7[%add3A_382, %broadcast_in_dim3A_259] : memref<512x3xi32, #tpu.memory_space<vmem>>[vector<16xi32>, vector<16xi32>], vector<16xi32>,
    %swap3A_384 = arith.constant 1 : i32
    %swap3A_385 = arith.index_cast %swap3A_384 : i32 to index
    %swap3A_386 = arith.constant 112 : index
    %swap3A_387 = tpu.vector_load %arg9[%swap3A_385, %swap3A_386] {strides = array<i32>} : memref<4x128xi32, #tpu.memory_space<vmem>>, vector<16xi32>,
    tpu.vector_store %arg9[%swap3A_385, %swap3A_386], %gather3A_383 {strides = array<i32>} : memref<4x128xi32, #tpu.memory_space<vmem>>, vector<16xi32>,
    %add3A_388 = arith.constant 256 : i32
    %add3A_389 = vector.broadcast %add3A_388 : i32 to vector<16xi32>
    %add3A_390 = arith.addi %add3A_389, %iota3A : vector<16xi32>
    %gather3A_391 = tpu.vector_load_idx %arg7[%add3A_390, %broadcast_in_dim3A_259] : memref<512x3xi32, #tpu.memory_space<vmem>>[vector<16xi32>, vector<16xi32>], vector<16xi32>,
    %swap3A_392 = arith.constant 2 : i32
    %swap3A_393 = arith.index_cast %swap3A_392 : i32 to index
    %swap3A_394 = arith.constant 0 : index
    %swap3A_395 = tpu.vector_load %arg9[%swap3A_393, %swap3A_394] {strides = array<i32>} : memref<4x128xi32, #tpu.memory_space<vmem>>, vector<16xi32>,
    tpu.vector_store %arg9[%swap3A_393, %swap3A_394], %gather3A_391 {strides = array<i32>} : memref<4x128xi32, #tpu.memory_space<vmem>>, vector<16xi32>,
    %add3A_396 = arith.constant 272 : i32
    %add3A_397 = vector.broadcast %add3A_396 : i32 to vector<16xi32>
    %add3A_398 = arith.addi %add3A_397, %iota3A : vector<16xi32>
    %gather3A_399 = tpu.vector_load_idx %arg7[%add3A_398, %broadcast_in_dim3A_259] : memref<512x3xi32, #tpu.memory_space<vmem>>[vector<16xi32>, vector<16xi32>], vector<16xi32>,
    %swap3A_400 = arith.constant 2 : i32
    %swap3A_401 = arith.index_cast %swap3A_400 : i32 to index
    %swap3A_402 = arith.constant 16 : index
    %swap3A_403 = tpu.vector_load %arg9[%swap3A_401, %swap3A_402] {strides = array<i32>} : memref<4x128xi32, #tpu.memory_space<vmem>>, vector<16xi32>,
    tpu.vector_store %arg9[%swap3A_401, %swap3A_402], %gather3A_399 {strides = array<i32>} : memref<4x128xi32, #tpu.memory_space<vmem>>, vector<16xi32>,
    %add3A_404 = arith.constant 288 : i32
    %add3A_405 = vector.broadcast %add3A_404 : i32 to vector<16xi32>
    %add3A_406 = arith.addi %add3A_405, %iota3A : vector<16xi32>
    %gather3A_407 = tpu.vector_load_idx %arg7[%add3A_406, %broadcast_in_dim3A_259] : memref<512x3xi32, #tpu.memory_space<vmem>>[vector<16xi32>, vector<16xi32>], vector<16xi32>,
    %swap3A_408 = arith.constant 2 : i32
    %swap3A_409 = arith.index_cast %swap3A_408 : i32 to index
    %swap3A_410 = arith.constant 32 : index
    %swap3A_411 = tpu.vector_load %arg9[%swap3A_409, %swap3A_410] {strides = array<i32>} : memref<4x128xi32, #tpu.memory_space<vmem>>, vector<16xi32>,
    tpu.vector_store %arg9[%swap3A_409, %swap3A_410], %gather3A_407 {strides = array<i32>} : memref<4x128xi32, #tpu.memory_space<vmem>>, vector<16xi32>,
    %add3A_412 = arith.constant 304 : i32
    %add3A_413 = vector.broadcast %add3A_412 : i32 to vector<16xi32>
    %add3A_414 = arith.addi %add3A_413, %iota3A : vector<16xi32>
    %gather3A_415 = tpu.vector_load_idx %arg7[%add3A_414, %broadcast_in_dim3A_259] : memref<512x3xi32, #tpu.memory_space<vmem>>[vector<16xi32>, vector<16xi32>], vector<16xi32>,
    %swap3A_416 = arith.constant 2 : i32
    %swap3A_417 = arith.index_cast %swap3A_416 : i32 to index
    %swap3A_418 = arith.constant 48 : index
    %swap3A_419 = tpu.vector_load %arg9[%swap3A_417, %swap3A_418] {strides = array<i32>} : memref<4x128xi32, #tpu.memory_space<vmem>>, vector<16xi32>,
    tpu.vector_store %arg9[%swap3A_417, %swap3A_418], %gather3A_415 {strides = array<i32>} : memref<4x128xi32, #tpu.memory_space<vmem>>, vector<16xi32>,
    %add3A_420 = arith.constant 320 : i32
    %add3A_421 = vector.broadcast %add3A_420 : i32 to vector<16xi32>
    %add3A_422 = arith.addi %add3A_421, %iota3A : vector<16xi32>
    %gather3A_423 = tpu.vector_load_idx %arg7[%add3A_422, %broadcast_in_dim3A_259] : memref<512x3xi32, #tpu.memory_space<vmem>>[vector<16xi32>, vector<16xi32>], vector<16xi32>,
    %swap3A_424 = arith.constant 2 : i32
    %swap3A_425 = arith.index_cast %swap3A_424 : i32 to index
    %swap3A_426 = arith.constant 64 : index
    %swap3A_427 = tpu.vector_load %arg9[%swap3A_425, %swap3A_426] {strides = array<i32>} : memref<4x128xi32, #tpu.memory_space<vmem>>, vector<16xi32>,
    tpu.vector_store %arg9[%swap3A_425, %swap3A_426], %gather3A_423 {strides = array<i32>} : memref<4x128xi32, #tpu.memory_space<vmem>>, vector<16xi32>,
    %add3A_428 = arith.constant 336 : i32
    %add3A_429 = vector.broadcast %add3A_428 : i32 to vector<16xi32>
    %add3A_430 = arith.addi %add3A_429, %iota3A : vector<16xi32>
    %gather3A_431 = tpu.vector_load_idx %arg7[%add3A_430, %broadcast_in_dim3A_259] : memref<512x3xi32, #tpu.memory_space<vmem>>[vector<16xi32>, vector<16xi32>], vector<16xi32>,
    %swap3A_432 = arith.constant 2 : i32
    %swap3A_433 = arith.index_cast %swap3A_432 : i32 to index
    %swap3A_434 = arith.constant 80 : index
    %swap3A_435 = tpu.vector_load %arg9[%swap3A_433, %swap3A_434] {strides = array<i32>} : memref<4x128xi32, #tpu.memory_space<vmem>>, vector<16xi32>,
    tpu.vector_store %arg9[%swap3A_433, %swap3A_434], %gather3A_431 {strides = array<i32>} : memref<4x128xi32, #tpu.memory_space<vmem>>, vector<16xi32>,
    %add3A_436 = arith.constant 352 : i32
    %add3A_437 = vector.broadcast %add3A_436 : i32 to vector<16xi32>
    %add3A_438 = arith.addi %add3A_437, %iota3A : vector<16xi32>
    %gather3A_439 = tpu.vector_load_idx %arg7[%add3A_438, %broadcast_in_dim3A_259] : memref<512x3xi32, #tpu.memory_space<vmem>>[vector<16xi32>, vector<16xi32>], vector<16xi32>,
    %swap3A_440 = arith.constant 2 : i32
    %swap3A_441 = arith.index_cast %swap3A_440 : i32 to index
    %swap3A_442 = arith.constant 96 : index
    %swap3A_443 = tpu.vector_load %arg9[%swap3A_441, %swap3A_442] {strides = array<i32>} : memref<4x128xi32, #tpu.memory_space<vmem>>, vector<16xi32>,
    tpu.vector_store %arg9[%swap3A_441, %swap3A_442], %gather3A_439 {strides = array<i32>} : memref<4x128xi32, #tpu.memory_space<vmem>>, vector<16xi32>,
    %add3A_444 = arith.constant 368 : i32
    %add3A_445 = vector.broadcast %add3A_444 : i32 to vector<16xi32>
    %add3A_446 = arith.addi %add3A_445, %iota3A : vector<16xi32>
    %gather3A_447 = tpu.vector_load_idx %arg7[%add3A_446, %broadcast_in_dim3A_259] : memref<512x3xi32, #tpu.memory_space<vmem>>[vector<16xi32>, vector<16xi32>], vector<16xi32>,
    %swap3A_448 = arith.constant 2 : i32
    %swap3A_449 = arith.index_cast %swap3A_448 : i32 to index
    %swap3A_450 = arith.constant 112 : index
    %swap3A_451 = tpu.vector_load %arg9[%swap3A_449, %swap3A_450] {strides = array<i32>} : memref<4x128xi32, #tpu.memory_space<vmem>>, vector<16xi32>,
    tpu.vector_store %arg9[%swap3A_449, %swap3A_450], %gather3A_447 {strides = array<i32>} : memref<4x128xi32, #tpu.memory_space<vmem>>, vector<16xi32>,
    %add3A_452 = arith.constant 384 : i32
    %add3A_453 = vector.broadcast %add3A_452 : i32 to vector<16xi32>
    %add3A_454 = arith.addi %add3A_453, %iota3A : vector<16xi32>
    %gather3A_455 = tpu.vector_load_idx %arg7[%add3A_454, %broadcast_in_dim3A_259] : memref<512x3xi32, #tpu.memory_space<vmem>>[vector<16xi32>, vector<16xi32>], vector<16xi32>,
    %swap3A_456 = arith.constant 3 : i32
    %swap3A_457 = arith.index_cast %swap3A_456 : i32 to index
    %swap3A_458 = arith.constant 0 : index
    %swap3A_459 = tpu.vector_load %arg9[%swap3A_457, %swap3A_458] {strides = array<i32>} : memref<4x128xi32, #tpu.memory_space<vmem>>, vector<16xi32>,
    tpu.vector_store %arg9[%swap3A_457, %swap3A_458], %gather3A_455 {strides = array<i32>} : memref<4x128xi32, #tpu.memory_space<vmem>>, vector<16xi32>,
    %add3A_460 = arith.constant 400 : i32
    %add3A_461 = vector.broadcast %add3A_460 : i32 to vector<16xi32>
    %add3A_462 = arith.addi %add3A_461, %iota3A : vector<16xi32>
    %gather3A_463 = tpu.vector_load_idx %arg7[%add3A_462, %broadcast_in_dim3A_259] : memref<512x3xi32, #tpu.memory_space<vmem>>[vector<16xi32>, vector<16xi32>], vector<16xi32>,
    %swap3A_464 = arith.constant 3 : i32
    %swap3A_465 = arith.index_cast %swap3A_464 : i32 to index
    %swap3A_466 = arith.constant 16 : index
    %swap3A_467 = tpu.vector_load %arg9[%swap3A_465, %swap3A_466] {strides = array<i32>} : memref<4x128xi32, #tpu.memory_space<vmem>>, vector<16xi32>,
    tpu.vector_store %arg9[%swap3A_465, %swap3A_466], %gather3A_463 {strides = array<i32>} : memref<4x128xi32, #tpu.memory_space<vmem>>, vector<16xi32>,
    %add3A_468 = arith.constant 416 : i32
    %add3A_469 = vector.broadcast %add3A_468 : i32 to vector<16xi32>
    %add3A_470 = arith.addi %add3A_469, %iota3A : vector<16xi32>
    %gather3A_471 = tpu.vector_load_idx %arg7[%add3A_470, %broadcast_in_dim3A_259] : memref<512x3xi32, #tpu.memory_space<vmem>>[vector<16xi32>, vector<16xi32>], vector<16xi32>,
    %swap3A_472 = arith.constant 3 : i32
    %swap3A_473 = arith.index_cast %swap3A_472 : i32 to index
    %swap3A_474 = arith.constant 32 : index
    %swap3A_475 = tpu.vector_load %arg9[%swap3A_473, %swap3A_474] {strides = array<i32>} : memref<4x128xi32, #tpu.memory_space<vmem>>, vector<16xi32>,
    tpu.vector_store %arg9[%swap3A_473, %swap3A_474], %gather3A_471 {strides = array<i32>} : memref<4x128xi32, #tpu.memory_space<vmem>>, vector<16xi32>,
    %add3A_476 = arith.constant 432 : i32
    %add3A_477 = vector.broadcast %add3A_476 : i32 to vector<16xi32>
    %add3A_478 = arith.addi %add3A_477, %iota3A : vector<16xi32>
    %gather3A_479 = tpu.vector_load_idx %arg7[%add3A_478, %broadcast_in_dim3A_259] : memref<512x3xi32, #tpu.memory_space<vmem>>[vector<16xi32>, vector<16xi32>], vector<16xi32>,
    %swap3A_480 = arith.constant 3 : i32
    %swap3A_481 = arith.index_cast %swap3A_480 : i32 to index
    %swap3A_482 = arith.constant 48 : index
    %swap3A_483 = tpu.vector_load %arg9[%swap3A_481, %swap3A_482] {strides = array<i32>} : memref<4x128xi32, #tpu.memory_space<vmem>>, vector<16xi32>,
    tpu.vector_store %arg9[%swap3A_481, %swap3A_482], %gather3A_479 {strides = array<i32>} : memref<4x128xi32, #tpu.memory_space<vmem>>, vector<16xi32>,
    %add3A_484 = arith.constant 448 : i32
    %add3A_485 = vector.broadcast %add3A_484 : i32 to vector<16xi32>
    %add3A_486 = arith.addi %add3A_485, %iota3A : vector<16xi32>
    %gather3A_487 = tpu.vector_load_idx %arg7[%add3A_486, %broadcast_in_dim3A_259] : memref<512x3xi32, #tpu.memory_space<vmem>>[vector<16xi32>, vector<16xi32>], vector<16xi32>,
    %swap3A_488 = arith.constant 3 : i32
    %swap3A_489 = arith.index_cast %swap3A_488 : i32 to index
    %swap3A_490 = arith.constant 64 : index
    %swap3A_491 = tpu.vector_load %arg9[%swap3A_489, %swap3A_490] {strides = array<i32>} : memref<4x128xi32, #tpu.memory_space<vmem>>, vector<16xi32>,
    tpu.vector_store %arg9[%swap3A_489, %swap3A_490], %gather3A_487 {strides = array<i32>} : memref<4x128xi32, #tpu.memory_space<vmem>>, vector<16xi32>,
    %add3A_492 = arith.constant 464 : i32
    %add3A_493 = vector.broadcast %add3A_492 : i32 to vector<16xi32>
    %add3A_494 = arith.addi %add3A_493, %iota3A : vector<16xi32>
    %gather3A_495 = tpu.vector_load_idx %arg7[%add3A_494, %broadcast_in_dim3A_259] : memref<512x3xi32, #tpu.memory_space<vmem>>[vector<16xi32>, vector<16xi32>], vector<16xi32>,
    %swap3A_496 = arith.constant 3 : i32
    %swap3A_497 = arith.index_cast %swap3A_496 : i32 to index
    %swap3A_498 = arith.constant 80 : index
    %swap3A_499 = tpu.vector_load %arg9[%swap3A_497, %swap3A_498] {strides = array<i32>} : memref<4x128xi32, #tpu.memory_space<vmem>>, vector<16xi32>,
    tpu.vector_store %arg9[%swap3A_497, %swap3A_498], %gather3A_495 {strides = array<i32>} : memref<4x128xi32, #tpu.memory_space<vmem>>, vector<16xi32>,
    %add3A_500 = arith.constant 480 : i32
    %add3A_501 = vector.broadcast %add3A_500 : i32 to vector<16xi32>
    %add3A_502 = arith.addi %add3A_501, %iota3A : vector<16xi32>
    %gather3A_503 = tpu.vector_load_idx %arg7[%add3A_502, %broadcast_in_dim3A_259] : memref<512x3xi32, #tpu.memory_space<vmem>>[vector<16xi32>, vector<16xi32>], vector<16xi32>,
    %swap3A_504 = arith.constant 3 : i32
    %swap3A_505 = arith.index_cast %swap3A_504 : i32 to index
    %swap3A_506 = arith.constant 96 : index
    %swap3A_507 = tpu.vector_load %arg9[%swap3A_505, %swap3A_506] {strides = array<i32>} : memref<4x128xi32, #tpu.memory_space<vmem>>, vector<16xi32>,
    tpu.vector_store %arg9[%swap3A_505, %swap3A_506], %gather3A_503 {strides = array<i32>} : memref<4x128xi32, #tpu.memory_space<vmem>>, vector<16xi32>,
    %add3A_508 = arith.constant 496 : i32
    %add3A_509 = vector.broadcast %add3A_508 : i32 to vector<16xi32>
    %add3A_510 = arith.addi %add3A_509, %iota3A : vector<16xi32>
    %gather3A_511 = tpu.vector_load_idx %arg7[%add3A_510, %broadcast_in_dim3A_259] : memref<512x3xi32, #tpu.memory_space<vmem>>[vector<16xi32>, vector<16xi32>], vector<16xi32>,
    %swap3A_512 = arith.constant 3 : i32
    %swap3A_513 = arith.index_cast %swap3A_512 : i32 to index
    %swap3A_514 = arith.constant 112 : index
    %swap3A_515 = tpu.vector_load %arg9[%swap3A_513, %swap3A_514] {strides = array<i32>} : memref<4x128xi32, #tpu.memory_space<vmem>>, vector<16xi32>,
    tpu.vector_store %arg9[%swap3A_513, %swap3A_514], %gather3A_511 {strides = array<i32>} : memref<4x128xi32, #tpu.memory_space<vmem>>, vector<16xi32>,
    %broadcast_in_dim3A_516 = arith.constant 2 : i32
    %broadcast_in_dim3A_517 = vector.broadcast %broadcast_in_dim3A_516 : i32 to vector<16xi32>
    %add3A_518 = arith.constant 0 : i32
    %add3A_519 = vector.broadcast %add3A_518 : i32 to vector<16xi32>
    %add3A_520 = arith.addi %add3A_519, %iota3A : vector<16xi32>
    %gather3A_521 = tpu.vector_load_idx %arg7[%add3A_520, %broadcast_in_dim3A_517] : memref<512x3xi32, #tpu.memory_space<vmem>>[vector<16xi32>, vector<16xi32>], vector<16xi32>,
    %swap3A_522 = arith.constant 0 : i32
    %swap3A_523 = arith.index_cast %swap3A_522 : i32 to index
    %swap3A_524 = arith.constant 0 : index
    %swap3A_525 = tpu.vector_load %arg10[%swap3A_523, %swap3A_524] {strides = array<i32>} : memref<4x128xi32, #tpu.memory_space<vmem>>, vector<16xi32>,
    tpu.vector_store %arg10[%swap3A_523, %swap3A_524], %gather3A_521 {strides = array<i32>} : memref<4x128xi32, #tpu.memory_space<vmem>>, vector<16xi32>,
    %add3A_526 = arith.constant 16 : i32
    %add3A_527 = vector.broadcast %add3A_526 : i32 to vector<16xi32>
    %add3A_528 = arith.addi %add3A_527, %iota3A : vector<16xi32>
    %gather3A_529 = tpu.vector_load_idx %arg7[%add3A_528, %broadcast_in_dim3A_517] : memref<512x3xi32, #tpu.memory_space<vmem>>[vector<16xi32>, vector<16xi32>], vector<16xi32>,
    %swap3A_530 = arith.constant 0 : i32
    %swap3A_531 = arith.index_cast %swap3A_530 : i32 to index
    %swap3A_532 = arith.constant 16 : index
    %swap3A_533 = tpu.vector_load %arg10[%swap3A_531, %swap3A_532] {strides = array<i32>} : memref<4x128xi32, #tpu.memory_space<vmem>>, vector<16xi32>,
    tpu.vector_store %arg10[%swap3A_531, %swap3A_532], %gather3A_529 {strides = array<i32>} : memref<4x128xi32, #tpu.memory_space<vmem>>, vector<16xi32>,
    %add3A_534 = arith.constant 32 : i32
    %add3A_535 = vector.broadcast %add3A_534 : i32 to vector<16xi32>
    %add3A_536 = arith.addi %add3A_535, %iota3A : vector<16xi32>
    %gather3A_537 = tpu.vector_load_idx %arg7[%add3A_536, %broadcast_in_dim3A_517] : memref<512x3xi32, #tpu.memory_space<vmem>>[vector<16xi32>, vector<16xi32>], vector<16xi32>,
    %swap3A_538 = arith.constant 0 : i32
    %swap3A_539 = arith.index_cast %swap3A_538 : i32 to index
    %swap3A_540 = arith.constant 32 : index
    %swap3A_541 = tpu.vector_load %arg10[%swap3A_539, %swap3A_540] {strides = array<i32>} : memref<4x128xi32, #tpu.memory_space<vmem>>, vector<16xi32>,
    tpu.vector_store %arg10[%swap3A_539, %swap3A_540], %gather3A_537 {strides = array<i32>} : memref<4x128xi32, #tpu.memory_space<vmem>>, vector<16xi32>,
    %add3A_542 = arith.constant 48 : i32
    %add3A_543 = vector.broadcast %add3A_542 : i32 to vector<16xi32>
    %add3A_544 = arith.addi %add3A_543, %iota3A : vector<16xi32>
    %gather3A_545 = tpu.vector_load_idx %arg7[%add3A_544, %broadcast_in_dim3A_517] : memref<512x3xi32, #tpu.memory_space<vmem>>[vector<16xi32>, vector<16xi32>], vector<16xi32>,
    %swap3A_546 = arith.constant 0 : i32
    %swap3A_547 = arith.index_cast %swap3A_546 : i32 to index
    %swap3A_548 = arith.constant 48 : index
    %swap3A_549 = tpu.vector_load %arg10[%swap3A_547, %swap3A_548] {strides = array<i32>} : memref<4x128xi32, #tpu.memory_space<vmem>>, vector<16xi32>,
    tpu.vector_store %arg10[%swap3A_547, %swap3A_548], %gather3A_545 {strides = array<i32>} : memref<4x128xi32, #tpu.memory_space<vmem>>, vector<16xi32>,
    %add3A_550 = arith.constant 64 : i32
    %add3A_551 = vector.broadcast %add3A_550 : i32 to vector<16xi32>
    %add3A_552 = arith.addi %add3A_551, %iota3A : vector<16xi32>
    %gather3A_553 = tpu.vector_load_idx %arg7[%add3A_552, %broadcast_in_dim3A_517] : memref<512x3xi32, #tpu.memory_space<vmem>>[vector<16xi32>, vector<16xi32>], vector<16xi32>,
    %swap3A_554 = arith.constant 0 : i32
    %swap3A_555 = arith.index_cast %swap3A_554 : i32 to index
    %swap3A_556 = arith.constant 64 : index
    %swap3A_557 = tpu.vector_load %arg10[%swap3A_555, %swap3A_556] {strides = array<i32>} : memref<4x128xi32, #tpu.memory_space<vmem>>, vector<16xi32>,
    tpu.vector_store %arg10[%swap3A_555, %swap3A_556], %gather3A_553 {strides = array<i32>} : memref<4x128xi32, #tpu.memory_space<vmem>>, vector<16xi32>,
    %add3A_558 = arith.constant 80 : i32
    %add3A_559 = vector.broadcast %add3A_558 : i32 to vector<16xi32>
    %add3A_560 = arith.addi %add3A_559, %iota3A : vector<16xi32>
    %gather3A_561 = tpu.vector_load_idx %arg7[%add3A_560, %broadcast_in_dim3A_517] : memref<512x3xi32, #tpu.memory_space<vmem>>[vector<16xi32>, vector<16xi32>], vector<16xi32>,
    %swap3A_562 = arith.constant 0 : i32
    %swap3A_563 = arith.index_cast %swap3A_562 : i32 to index
    %swap3A_564 = arith.constant 80 : index
    %swap3A_565 = tpu.vector_load %arg10[%swap3A_563, %swap3A_564] {strides = array<i32>} : memref<4x128xi32, #tpu.memory_space<vmem>>, vector<16xi32>,
    tpu.vector_store %arg10[%swap3A_563, %swap3A_564], %gather3A_561 {strides = array<i32>} : memref<4x128xi32, #tpu.memory_space<vmem>>, vector<16xi32>,
    %add3A_566 = arith.constant 96 : i32
    %add3A_567 = vector.broadcast %add3A_566 : i32 to vector<16xi32>
    %add3A_568 = arith.addi %add3A_567, %iota3A : vector<16xi32>
    %gather3A_569 = tpu.vector_load_idx %arg7[%add3A_568, %broadcast_in_dim3A_517] : memref<512x3xi32, #tpu.memory_space<vmem>>[vector<16xi32>, vector<16xi32>], vector<16xi32>,
    %swap3A_570 = arith.constant 0 : i32
    %swap3A_571 = arith.index_cast %swap3A_570 : i32 to index
    %swap3A_572 = arith.constant 96 : index
    %swap3A_573 = tpu.vector_load %arg10[%swap3A_571, %swap3A_572] {strides = array<i32>} : memref<4x128xi32, #tpu.memory_space<vmem>>, vector<16xi32>,
    tpu.vector_store %arg10[%swap3A_571, %swap3A_572], %gather3A_569 {strides = array<i32>} : memref<4x128xi32, #tpu.memory_space<vmem>>, vector<16xi32>,
    %add3A_574 = arith.constant 112 : i32
    %add3A_575 = vector.broadcast %add3A_574 : i32 to vector<16xi32>
    %add3A_576 = arith.addi %add3A_575, %iota3A : vector<16xi32>
    %gather3A_577 = tpu.vector_load_idx %arg7[%add3A_576, %broadcast_in_dim3A_517] : memref<512x3xi32, #tpu.memory_space<vmem>>[vector<16xi32>, vector<16xi32>], vector<16xi32>,
    %swap3A_578 = arith.constant 0 : i32
    %swap3A_579 = arith.index_cast %swap3A_578 : i32 to index
    %swap3A_580 = arith.constant 112 : index
    %swap3A_581 = tpu.vector_load %arg10[%swap3A_579, %swap3A_580] {strides = array<i32>} : memref<4x128xi32, #tpu.memory_space<vmem>>, vector<16xi32>,
    tpu.vector_store %arg10[%swap3A_579, %swap3A_580], %gather3A_577 {strides = array<i32>} : memref<4x128xi32, #tpu.memory_space<vmem>>, vector<16xi32>,
    %add3A_582 = arith.constant 128 : i32
    %add3A_583 = vector.broadcast %add3A_582 : i32 to vector<16xi32>
    %add3A_584 = arith.addi %add3A_583, %iota3A : vector<16xi32>
    %gather3A_585 = tpu.vector_load_idx %arg7[%add3A_584, %broadcast_in_dim3A_517] : memref<512x3xi32, #tpu.memory_space<vmem>>[vector<16xi32>, vector<16xi32>], vector<16xi32>,
    %swap3A_586 = arith.constant 1 : i32
    %swap3A_587 = arith.index_cast %swap3A_586 : i32 to index
    %swap3A_588 = arith.constant 0 : index
    %swap3A_589 = tpu.vector_load %arg10[%swap3A_587, %swap3A_588] {strides = array<i32>} : memref<4x128xi32, #tpu.memory_space<vmem>>, vector<16xi32>,
    tpu.vector_store %arg10[%swap3A_587, %swap3A_588], %gather3A_585 {strides = array<i32>} : memref<4x128xi32, #tpu.memory_space<vmem>>, vector<16xi32>,
    %add3A_590 = arith.constant 144 : i32
    %add3A_591 = vector.broadcast %add3A_590 : i32 to vector<16xi32>
    %add3A_592 = arith.addi %add3A_591, %iota3A : vector<16xi32>
    %gather3A_593 = tpu.vector_load_idx %arg7[%add3A_592, %broadcast_in_dim3A_517] : memref<512x3xi32, #tpu.memory_space<vmem>>[vector<16xi32>, vector<16xi32>], vector<16xi32>,
    %swap3A_594 = arith.constant 1 : i32
    %swap3A_595 = arith.index_cast %swap3A_594 : i32 to index
    %swap3A_596 = arith.constant 16 : index
    %swap3A_597 = tpu.vector_load %arg10[%swap3A_595, %swap3A_596] {strides = array<i32>} : memref<4x128xi32, #tpu.memory_space<vmem>>, vector<16xi32>,
    tpu.vector_store %arg10[%swap3A_595, %swap3A_596], %gather3A_593 {strides = array<i32>} : memref<4x128xi32, #tpu.memory_space<vmem>>, vector<16xi32>,
    %add3A_598 = arith.constant 160 : i32
    %add3A_599 = vector.broadcast %add3A_598 : i32 to vector<16xi32>
    %add3A_600 = arith.addi %add3A_599, %iota3A : vector<16xi32>
    %gather3A_601 = tpu.vector_load_idx %arg7[%add3A_600, %broadcast_in_dim3A_517] : memref<512x3xi32, #tpu.memory_space<vmem>>[vector<16xi32>, vector<16xi32>], vector<16xi32>,
    %swap3A_602 = arith.constant 1 : i32
    %swap3A_603 = arith.index_cast %swap3A_602 : i32 to index
    %swap3A_604 = arith.constant 32 : index
    %swap3A_605 = tpu.vector_load %arg10[%swap3A_603, %swap3A_604] {strides = array<i32>} : memref<4x128xi32, #tpu.memory_space<vmem>>, vector<16xi32>,
    tpu.vector_store %arg10[%swap3A_603, %swap3A_604], %gather3A_601 {strides = array<i32>} : memref<4x128xi32, #tpu.memory_space<vmem>>, vector<16xi32>,
    %add3A_606 = arith.constant 176 : i32
    %add3A_607 = vector.broadcast %add3A_606 : i32 to vector<16xi32>
    %add3A_608 = arith.addi %add3A_607, %iota3A : vector<16xi32>
    %gather3A_609 = tpu.vector_load_idx %arg7[%add3A_608, %broadcast_in_dim3A_517] : memref<512x3xi32, #tpu.memory_space<vmem>>[vector<16xi32>, vector<16xi32>], vector<16xi32>,
    %swap3A_610 = arith.constant 1 : i32
    %swap3A_611 = arith.index_cast %swap3A_610 : i32 to index
    %swap3A_612 = arith.constant 48 : index
    %swap3A_613 = tpu.vector_load %arg10[%swap3A_611, %swap3A_612] {strides = array<i32>} : memref<4x128xi32, #tpu.memory_space<vmem>>, vector<16xi32>,
    tpu.vector_store %arg10[%swap3A_611, %swap3A_612], %gather3A_609 {strides = array<i32>} : memref<4x128xi32, #tpu.memory_space<vmem>>, vector<16xi32>,
    %add3A_614 = arith.constant 192 : i32
    %add3A_615 = vector.broadcast %add3A_614 : i32 to vector<16xi32>
    %add3A_616 = arith.addi %add3A_615, %iota3A : vector<16xi32>
    %gather3A_617 = tpu.vector_load_idx %arg7[%add3A_616, %broadcast_in_dim3A_517] : memref<512x3xi32, #tpu.memory_space<vmem>>[vector<16xi32>, vector<16xi32>], vector<16xi32>,
    %swap3A_618 = arith.constant 1 : i32
    %swap3A_619 = arith.index_cast %swap3A_618 : i32 to index
    %swap3A_620 = arith.constant 64 : index
    %swap3A_621 = tpu.vector_load %arg10[%swap3A_619, %swap3A_620] {strides = array<i32>} : memref<4x128xi32, #tpu.memory_space<vmem>>, vector<16xi32>,
    tpu.vector_store %arg10[%swap3A_619, %swap3A_620], %gather3A_617 {strides = array<i32>} : memref<4x128xi32, #tpu.memory_space<vmem>>, vector<16xi32>,
    %add3A_622 = arith.constant 208 : i32
    %add3A_623 = vector.broadcast %add3A_622 : i32 to vector<16xi32>
    %add3A_624 = arith.addi %add3A_623, %iota3A : vector<16xi32>
    %gather3A_625 = tpu.vector_load_idx %arg7[%add3A_624, %broadcast_in_dim3A_517] : memref<512x3xi32, #tpu.memory_space<vmem>>[vector<16xi32>, vector<16xi32>], vector<16xi32>,
    %swap3A_626 = arith.constant 1 : i32
    %swap3A_627 = arith.index_cast %swap3A_626 : i32 to index
    %swap3A_628 = arith.constant 80 : index
    %swap3A_629 = tpu.vector_load %arg10[%swap3A_627, %swap3A_628] {strides = array<i32>} : memref<4x128xi32, #tpu.memory_space<vmem>>, vector<16xi32>,
    tpu.vector_store %arg10[%swap3A_627, %swap3A_628], %gather3A_625 {strides = array<i32>} : memref<4x128xi32, #tpu.memory_space<vmem>>, vector<16xi32>,
    %add3A_630 = arith.constant 224 : i32
    %add3A_631 = vector.broadcast %add3A_630 : i32 to vector<16xi32>
    %add3A_632 = arith.addi %add3A_631, %iota3A : vector<16xi32>
    %gather3A_633 = tpu.vector_load_idx %arg7[%add3A_632, %broadcast_in_dim3A_517] : memref<512x3xi32, #tpu.memory_space<vmem>>[vector<16xi32>, vector<16xi32>], vector<16xi32>,
    %swap3A_634 = arith.constant 1 : i32
    %swap3A_635 = arith.index_cast %swap3A_634 : i32 to index
    %swap3A_636 = arith.constant 96 : index
    %swap3A_637 = tpu.vector_load %arg10[%swap3A_635, %swap3A_636] {strides = array<i32>} : memref<4x128xi32, #tpu.memory_space<vmem>>, vector<16xi32>,
    tpu.vector_store %arg10[%swap3A_635, %swap3A_636], %gather3A_633 {strides = array<i32>} : memref<4x128xi32, #tpu.memory_space<vmem>>, vector<16xi32>,
    %add3A_638 = arith.constant 240 : i32
    %add3A_639 = vector.broadcast %add3A_638 : i32 to vector<16xi32>
    %add3A_640 = arith.addi %add3A_639, %iota3A : vector<16xi32>
    %gather3A_641 = tpu.vector_load_idx %arg7[%add3A_640, %broadcast_in_dim3A_517] : memref<512x3xi32, #tpu.memory_space<vmem>>[vector<16xi32>, vector<16xi32>], vector<16xi32>,
    %swap3A_642 = arith.constant 1 : i32
    %swap3A_643 = arith.index_cast %swap3A_642 : i32 to index
    %swap3A_644 = arith.constant 112 : index
    %swap3A_645 = tpu.vector_load %arg10[%swap3A_643, %swap3A_644] {strides = array<i32>} : memref<4x128xi32, #tpu.memory_space<vmem>>, vector<16xi32>,
    tpu.vector_store %arg10[%swap3A_643, %swap3A_644], %gather3A_641 {strides = array<i32>} : memref<4x128xi32, #tpu.memory_space<vmem>>, vector<16xi32>,
    %add3A_646 = arith.constant 256 : i32
    %add3A_647 = vector.broadcast %add3A_646 : i32 to vector<16xi32>
    %add3A_648 = arith.addi %add3A_647, %iota3A : vector<16xi32>
    %gather3A_649 = tpu.vector_load_idx %arg7[%add3A_648, %broadcast_in_dim3A_517] : memref<512x3xi32, #tpu.memory_space<vmem>>[vector<16xi32>, vector<16xi32>], vector<16xi32>,
    %swap3A_650 = arith.constant 2 : i32
    %swap3A_651 = arith.index_cast %swap3A_650 : i32 to index
    %swap3A_652 = arith.constant 0 : index
    %swap3A_653 = tpu.vector_load %arg10[%swap3A_651, %swap3A_652] {strides = array<i32>} : memref<4x128xi32, #tpu.memory_space<vmem>>, vector<16xi32>,
    tpu.vector_store %arg10[%swap3A_651, %swap3A_652], %gather3A_649 {strides = array<i32>} : memref<4x128xi32, #tpu.memory_space<vmem>>, vector<16xi32>,
    %add3A_654 = arith.constant 272 : i32
    %add3A_655 = vector.broadcast %add3A_654 : i32 to vector<16xi32>
    %add3A_656 = arith.addi %add3A_655, %iota3A : vector<16xi32>
    %gather3A_657 = tpu.vector_load_idx %arg7[%add3A_656, %broadcast_in_dim3A_517] : memref<512x3xi32, #tpu.memory_space<vmem>>[vector<16xi32>, vector<16xi32>], vector<16xi32>,
    %swap3A_658 = arith.constant 2 : i32
    %swap3A_659 = arith.index_cast %swap3A_658 : i32 to index
    %swap3A_660 = arith.constant 16 : index
    %swap3A_661 = tpu.vector_load %arg10[%swap3A_659, %swap3A_660] {strides = array<i32>} : memref<4x128xi32, #tpu.memory_space<vmem>>, vector<16xi32>,
    tpu.vector_store %arg10[%swap3A_659, %swap3A_660], %gather3A_657 {strides = array<i32>} : memref<4x128xi32, #tpu.memory_space<vmem>>, vector<16xi32>,
    %add3A_662 = arith.constant 288 : i32
    %add3A_663 = vector.broadcast %add3A_662 : i32 to vector<16xi32>
    %add3A_664 = arith.addi %add3A_663, %iota3A : vector<16xi32>
    %gather3A_665 = tpu.vector_load_idx %arg7[%add3A_664, %broadcast_in_dim3A_517] : memref<512x3xi32, #tpu.memory_space<vmem>>[vector<16xi32>, vector<16xi32>], vector<16xi32>,
    %swap3A_666 = arith.constant 2 : i32
    %swap3A_667 = arith.index_cast %swap3A_666 : i32 to index
    %swap3A_668 = arith.constant 32 : index
    %swap3A_669 = tpu.vector_load %arg10[%swap3A_667, %swap3A_668] {strides = array<i32>} : memref<4x128xi32, #tpu.memory_space<vmem>>, vector<16xi32>,
    tpu.vector_store %arg10[%swap3A_667, %swap3A_668], %gather3A_665 {strides = array<i32>} : memref<4x128xi32, #tpu.memory_space<vmem>>, vector<16xi32>,
    %add3A_670 = arith.constant 304 : i32
    %add3A_671 = vector.broadcast %add3A_670 : i32 to vector<16xi32>
    %add3A_672 = arith.addi %add3A_671, %iota3A : vector<16xi32>
    %gather3A_673 = tpu.vector_load_idx %arg7[%add3A_672, %broadcast_in_dim3A_517] : memref<512x3xi32, #tpu.memory_space<vmem>>[vector<16xi32>, vector<16xi32>], vector<16xi32>,
    %swap3A_674 = arith.constant 2 : i32
    %swap3A_675 = arith.index_cast %swap3A_674 : i32 to index
    %swap3A_676 = arith.constant 48 : index
    %swap3A_677 = tpu.vector_load %arg10[%swap3A_675, %swap3A_676] {strides = array<i32>} : memref<4x128xi32, #tpu.memory_space<vmem>>, vector<16xi32>,
    tpu.vector_store %arg10[%swap3A_675, %swap3A_676], %gather3A_673 {strides = array<i32>} : memref<4x128xi32, #tpu.memory_space<vmem>>, vector<16xi32>,
    %add3A_678 = arith.constant 320 : i32
    %add3A_679 = vector.broadcast %add3A_678 : i32 to vector<16xi32>
    %add3A_680 = arith.addi %add3A_679, %iota3A : vector<16xi32>
    %gather3A_681 = tpu.vector_load_idx %arg7[%add3A_680, %broadcast_in_dim3A_517] : memref<512x3xi32, #tpu.memory_space<vmem>>[vector<16xi32>, vector<16xi32>], vector<16xi32>,
    %swap3A_682 = arith.constant 2 : i32
    %swap3A_683 = arith.index_cast %swap3A_682 : i32 to index
    %swap3A_684 = arith.constant 64 : index
    %swap3A_685 = tpu.vector_load %arg10[%swap3A_683, %swap3A_684] {strides = array<i32>} : memref<4x128xi32, #tpu.memory_space<vmem>>, vector<16xi32>,
    tpu.vector_store %arg10[%swap3A_683, %swap3A_684], %gather3A_681 {strides = array<i32>} : memref<4x128xi32, #tpu.memory_space<vmem>>, vector<16xi32>,
    %add3A_686 = arith.constant 336 : i32
    %add3A_687 = vector.broadcast %add3A_686 : i32 to vector<16xi32>
    %add3A_688 = arith.addi %add3A_687, %iota3A : vector<16xi32>
    %gather3A_689 = tpu.vector_load_idx %arg7[%add3A_688, %broadcast_in_dim3A_517] : memref<512x3xi32, #tpu.memory_space<vmem>>[vector<16xi32>, vector<16xi32>], vector<16xi32>,
    %swap3A_690 = arith.constant 2 : i32
    %swap3A_691 = arith.index_cast %swap3A_690 : i32 to index
    %swap3A_692 = arith.constant 80 : index
    %swap3A_693 = tpu.vector_load %arg10[%swap3A_691, %swap3A_692] {strides = array<i32>} : memref<4x128xi32, #tpu.memory_space<vmem>>, vector<16xi32>,
    tpu.vector_store %arg10[%swap3A_691, %swap3A_692], %gather3A_689 {strides = array<i32>} : memref<4x128xi32, #tpu.memory_space<vmem>>, vector<16xi32>,
    %add3A_694 = arith.constant 352 : i32
    %add3A_695 = vector.broadcast %add3A_694 : i32 to vector<16xi32>
    %add3A_696 = arith.addi %add3A_695, %iota3A : vector<16xi32>
    %gather3A_697 = tpu.vector_load_idx %arg7[%add3A_696, %broadcast_in_dim3A_517] : memref<512x3xi32, #tpu.memory_space<vmem>>[vector<16xi32>, vector<16xi32>], vector<16xi32>,
    %swap3A_698 = arith.constant 2 : i32
    %swap3A_699 = arith.index_cast %swap3A_698 : i32 to index
    %swap3A_700 = arith.constant 96 : index
    %swap3A_701 = tpu.vector_load %arg10[%swap3A_699, %swap3A_700] {strides = array<i32>} : memref<4x128xi32, #tpu.memory_space<vmem>>, vector<16xi32>,
    tpu.vector_store %arg10[%swap3A_699, %swap3A_700], %gather3A_697 {strides = array<i32>} : memref<4x128xi32, #tpu.memory_space<vmem>>, vector<16xi32>,
    %add3A_702 = arith.constant 368 : i32
    %add3A_703 = vector.broadcast %add3A_702 : i32 to vector<16xi32>
    %add3A_704 = arith.addi %add3A_703, %iota3A : vector<16xi32>
    %gather3A_705 = tpu.vector_load_idx %arg7[%add3A_704, %broadcast_in_dim3A_517] : memref<512x3xi32, #tpu.memory_space<vmem>>[vector<16xi32>, vector<16xi32>], vector<16xi32>,
    %swap3A_706 = arith.constant 2 : i32
    %swap3A_707 = arith.index_cast %swap3A_706 : i32 to index
    %swap3A_708 = arith.constant 112 : index
    %swap3A_709 = tpu.vector_load %arg10[%swap3A_707, %swap3A_708] {strides = array<i32>} : memref<4x128xi32, #tpu.memory_space<vmem>>, vector<16xi32>,
    tpu.vector_store %arg10[%swap3A_707, %swap3A_708], %gather3A_705 {strides = array<i32>} : memref<4x128xi32, #tpu.memory_space<vmem>>, vector<16xi32>,
    %add3A_710 = arith.constant 384 : i32
    %add3A_711 = vector.broadcast %add3A_710 : i32 to vector<16xi32>
    %add3A_712 = arith.addi %add3A_711, %iota3A : vector<16xi32>
    %gather3A_713 = tpu.vector_load_idx %arg7[%add3A_712, %broadcast_in_dim3A_517] : memref<512x3xi32, #tpu.memory_space<vmem>>[vector<16xi32>, vector<16xi32>], vector<16xi32>,
    %swap3A_714 = arith.constant 3 : i32
    %swap3A_715 = arith.index_cast %swap3A_714 : i32 to index
    %swap3A_716 = arith.constant 0 : index
    %swap3A_717 = tpu.vector_load %arg10[%swap3A_715, %swap3A_716] {strides = array<i32>} : memref<4x128xi32, #tpu.memory_space<vmem>>, vector<16xi32>,
    tpu.vector_store %arg10[%swap3A_715, %swap3A_716], %gather3A_713 {strides = array<i32>} : memref<4x128xi32, #tpu.memory_space<vmem>>, vector<16xi32>,
    %add3A_718 = arith.constant 400 : i32
    %add3A_719 = vector.broadcast %add3A_718 : i32 to vector<16xi32>
    %add3A_720 = arith.addi %add3A_719, %iota3A : vector<16xi32>
    %gather3A_721 = tpu.vector_load_idx %arg7[%add3A_720, %broadcast_in_dim3A_517] : memref<512x3xi32, #tpu.memory_space<vmem>>[vector<16xi32>, vector<16xi32>], vector<16xi32>,
    %swap3A_722 = arith.constant 3 : i32
    %swap3A_723 = arith.index_cast %swap3A_722 : i32 to index
    %swap3A_724 = arith.constant 16 : index
    %swap3A_725 = tpu.vector_load %arg10[%swap3A_723, %swap3A_724] {strides = array<i32>} : memref<4x128xi32, #tpu.memory_space<vmem>>, vector<16xi32>,
    tpu.vector_store %arg10[%swap3A_723, %swap3A_724], %gather3A_721 {strides = array<i32>} : memref<4x128xi32, #tpu.memory_space<vmem>>, vector<16xi32>,
    %add3A_726 = arith.constant 416 : i32
    %add3A_727 = vector.broadcast %add3A_726 : i32 to vector<16xi32>
    %add3A_728 = arith.addi %add3A_727, %iota3A : vector<16xi32>
    %gather3A_729 = tpu.vector_load_idx %arg7[%add3A_728, %broadcast_in_dim3A_517] : memref<512x3xi32, #tpu.memory_space<vmem>>[vector<16xi32>, vector<16xi32>], vector<16xi32>,
    %swap3A_730 = arith.constant 3 : i32
    %swap3A_731 = arith.index_cast %swap3A_730 : i32 to index
    %swap3A_732 = arith.constant 32 : index
    %swap3A_733 = tpu.vector_load %arg10[%swap3A_731, %swap3A_732] {strides = array<i32>} : memref<4x128xi32, #tpu.memory_space<vmem>>, vector<16xi32>,
    tpu.vector_store %arg10[%swap3A_731, %swap3A_732], %gather3A_729 {strides = array<i32>} : memref<4x128xi32, #tpu.memory_space<vmem>>, vector<16xi32>,
    %add3A_734 = arith.constant 432 : i32
    %add3A_735 = vector.broadcast %add3A_734 : i32 to vector<16xi32>
    %add3A_736 = arith.addi %add3A_735, %iota3A : vector<16xi32>
    %gather3A_737 = tpu.vector_load_idx %arg7[%add3A_736, %broadcast_in_dim3A_517] : memref<512x3xi32, #tpu.memory_space<vmem>>[vector<16xi32>, vector<16xi32>], vector<16xi32>,
    %swap3A_738 = arith.constant 3 : i32
    %swap3A_739 = arith.index_cast %swap3A_738 : i32 to index
    %swap3A_740 = arith.constant 48 : index
    %swap3A_741 = tpu.vector_load %arg10[%swap3A_739, %swap3A_740] {strides = array<i32>} : memref<4x128xi32, #tpu.memory_space<vmem>>, vector<16xi32>,
    tpu.vector_store %arg10[%swap3A_739, %swap3A_740], %gather3A_737 {strides = array<i32>} : memref<4x128xi32, #tpu.memory_space<vmem>>, vector<16xi32>,
    %add3A_742 = arith.constant 448 : i32
    %add3A_743 = vector.broadcast %add3A_742 : i32 to vector<16xi32>
    %add3A_744 = arith.addi %add3A_743, %iota3A : vector<16xi32>
    %gather3A_745 = tpu.vector_load_idx %arg7[%add3A_744, %broadcast_in_dim3A_517] : memref<512x3xi32, #tpu.memory_space<vmem>>[vector<16xi32>, vector<16xi32>], vector<16xi32>,
    %swap3A_746 = arith.constant 3 : i32
    %swap3A_747 = arith.index_cast %swap3A_746 : i32 to index
    %swap3A_748 = arith.constant 64 : index
    %swap3A_749 = tpu.vector_load %arg10[%swap3A_747, %swap3A_748] {strides = array<i32>} : memref<4x128xi32, #tpu.memory_space<vmem>>, vector<16xi32>,
    tpu.vector_store %arg10[%swap3A_747, %swap3A_748], %gather3A_745 {strides = array<i32>} : memref<4x128xi32, #tpu.memory_space<vmem>>, vector<16xi32>,
    %add3A_750 = arith.constant 464 : i32
    %add3A_751 = vector.broadcast %add3A_750 : i32 to vector<16xi32>
    %add3A_752 = arith.addi %add3A_751, %iota3A : vector<16xi32>
    %gather3A_753 = tpu.vector_load_idx %arg7[%add3A_752, %broadcast_in_dim3A_517] : memref<512x3xi32, #tpu.memory_space<vmem>>[vector<16xi32>, vector<16xi32>], vector<16xi32>,
    %swap3A_754 = arith.constant 3 : i32
    %swap3A_755 = arith.index_cast %swap3A_754 : i32 to index
    %swap3A_756 = arith.constant 80 : index
    %swap3A_757 = tpu.vector_load %arg10[%swap3A_755, %swap3A_756] {strides = array<i32>} : memref<4x128xi32, #tpu.memory_space<vmem>>, vector<16xi32>,
    tpu.vector_store %arg10[%swap3A_755, %swap3A_756], %gather3A_753 {strides = array<i32>} : memref<4x128xi32, #tpu.memory_space<vmem>>, vector<16xi32>,
    %add3A_758 = arith.constant 480 : i32
    %add3A_759 = vector.broadcast %add3A_758 : i32 to vector<16xi32>
    %add3A_760 = arith.addi %add3A_759, %iota3A : vector<16xi32>
    %gather3A_761 = tpu.vector_load_idx %arg7[%add3A_760, %broadcast_in_dim3A_517] : memref<512x3xi32, #tpu.memory_space<vmem>>[vector<16xi32>, vector<16xi32>], vector<16xi32>,
    %swap3A_762 = arith.constant 3 : i32
    %swap3A_763 = arith.index_cast %swap3A_762 : i32 to index
    %swap3A_764 = arith.constant 96 : index
    %swap3A_765 = tpu.vector_load %arg10[%swap3A_763, %swap3A_764] {strides = array<i32>} : memref<4x128xi32, #tpu.memory_space<vmem>>, vector<16xi32>,
    tpu.vector_store %arg10[%swap3A_763, %swap3A_764], %gather3A_761 {strides = array<i32>} : memref<4x128xi32, #tpu.memory_space<vmem>>, vector<16xi32>,
    %add3A_766 = arith.constant 496 : i32
    %add3A_767 = vector.broadcast %add3A_766 : i32 to vector<16xi32>
    %add3A_768 = arith.addi %add3A_767, %iota3A : vector<16xi32>
    %gather3A_769 = tpu.vector_load_idx %arg7[%add3A_768, %broadcast_in_dim3A_517] : memref<512x3xi32, #tpu.memory_space<vmem>>[vector<16xi32>, vector<16xi32>], vector<16xi32>,
    %swap3A_770 = arith.constant 3 : i32
    %swap3A_771 = arith.index_cast %swap3A_770 : i32 to index
    %swap3A_772 = arith.constant 112 : index
    %swap3A_773 = tpu.vector_load %arg10[%swap3A_771, %swap3A_772] {strides = array<i32>} : memref<4x128xi32, #tpu.memory_space<vmem>>, vector<16xi32>,
    tpu.vector_store %arg10[%swap3A_771, %swap3A_772], %gather3A_769 {strides = array<i32>} : memref<4x128xi32, #tpu.memory_space<vmem>>, vector<16xi32>,
    %dma_start3A = arith.constant 0 : i32
    %dma_start3A_774 = arith.constant 0 : i32
    %dma_start3A_775 = arith.constant 0 : i32
    %dma_start3A_776 = tpu.memref_slice %arg11[%dma_start3A_774, %dma_start3A_775] : memref<512x32xf32, #tpu.memory_space<vmem>> -> memref<128x32xf32, #tpu.memory_space<vmem>>
    %dma_start3A_777 = arith.constant 0 : i32
    %dma_start3A_778 = tpu.memref_slice %arg8[%dma_start3A, %dma_start3A_777] : memref<4x128xi32, #tpu.memory_space<vmem>> -> memref<1x128xi32, #tpu.memory_space<vmem>>
    %dma_start3A_779 = tpu.memref_squeeze %dma_start3A_778 : memref<1x128xi32, #tpu.memory_space<vmem>> -> memref<128xi32, #tpu.memory_space<vmem>>
    %dma_start3A_780 = arith.constant 0 : i32
    %dma_start3A_781 = arith.constant 0 : i32
    %dma_start3A_782 = tpu.memref_slice %arg3[%dma_start3A_780, %dma_start3A_781] : memref<1000000x32xf32, #tpu.memory_space<hbm>> -> memref<1000000x32xf32, #tpu.memory_space<hbm>>
    tpu.enqueue_indirect_dma source(%dma_start3A_782 : memref<1000000x32xf32, #tpu.memory_space<hbm>>) target(%dma_start3A_776 : memref<128x32xf32, #tpu.memory_space<vmem>>) offsets(%dma_start3A_779 : memref<128xi32, #tpu.memory_space<vmem>>) semaphore(%arg18 : memref<!tpu.dma_semaphore, #tpu.memory_space<semaphore_mem>>)
    %dma_start3A_783 = arith.constant 0 : i32
    %dma_start3A_784 = arith.constant 0 : i32
    %dma_start3A_785 = arith.constant 0 : i32
    %dma_start3A_786 = tpu.memref_slice %arg12[%dma_start3A_784, %dma_start3A_785] : memref<512x32xf32, #tpu.memory_space<vmem>> -> memref<128x32xf32, #tpu.memory_space<vmem>>
    %dma_start3A_787 = arith.constant 0 : i32
    %dma_start3A_788 = tpu.memref_slice %arg8[%dma_start3A_783, %dma_start3A_787] : memref<4x128xi32, #tpu.memory_space<vmem>> -> memref<1x128xi32, #tpu.memory_space<vmem>>
    %dma_start3A_789 = tpu.memref_squeeze %dma_start3A_788 : memref<1x128xi32, #tpu.memory_space<vmem>> -> memref<128xi32, #tpu.memory_space<vmem>>
    %dma_start3A_790 = arith.constant 0 : i32
    %dma_start3A_791 = arith.constant 0 : i32
    %dma_start3A_792 = tpu.memref_slice %arg4[%dma_start3A_790, %dma_start3A_791] : memref<1000000x32xf32, #tpu.memory_space<hbm>> -> memref<1000000x32xf32, #tpu.memory_space<hbm>>
    tpu.enqueue_indirect_dma source(%dma_start3A_792 : memref<1000000x32xf32, #tpu.memory_space<hbm>>) target(%dma_start3A_786 : memref<128x32xf32, #tpu.memory_space<vmem>>) offsets(%dma_start3A_789 : memref<128xi32, #tpu.memory_space<vmem>>) semaphore(%arg18 : memref<!tpu.dma_semaphore, #tpu.memory_space<semaphore_mem>>)
    %dma_start3A_793 = arith.constant 0 : i32
    %dma_start3A_794 = arith.constant 0 : i32
    %dma_start3A_795 = arith.constant 0 : i32
    %dma_start3A_796 = tpu.memref_slice %arg13[%dma_start3A_794, %dma_start3A_795] : memref<512x32xf32, #tpu.memory_space<vmem>> -> memref<128x32xf32, #tpu.memory_space<vmem>>
    %dma_start3A_797 = arith.constant 0 : i32
    %dma_start3A_798 = tpu.memref_slice %arg9[%dma_start3A_793, %dma_start3A_797] : memref<4x128xi32, #tpu.memory_space<vmem>> -> memref<1x128xi32, #tpu.memory_space<vmem>>
    %dma_start3A_799 = tpu.memref_squeeze %dma_start3A_798 : memref<1x128xi32, #tpu.memory_space<vmem>> -> memref<128xi32, #tpu.memory_space<vmem>>
    %dma_start3A_800 = arith.constant 0 : i32
    %dma_start3A_801 = arith.constant 0 : i32
    %dma_start3A_802 = tpu.memref_slice %arg5[%dma_start3A_800, %dma_start3A_801] : memref<1000000x32xf32, #tpu.memory_space<hbm>> -> memref<1000000x32xf32, #tpu.memory_space<hbm>>
    tpu.enqueue_indirect_dma source(%dma_start3A_802 : memref<1000000x32xf32, #tpu.memory_space<hbm>>) target(%dma_start3A_796 : memref<128x32xf32, #tpu.memory_space<vmem>>) offsets(%dma_start3A_799 : memref<128xi32, #tpu.memory_space<vmem>>) semaphore(%arg18 : memref<!tpu.dma_semaphore, #tpu.memory_space<semaphore_mem>>)
    %dma_start3A_803 = arith.constant 0 : i32
    %dma_start3A_804 = arith.constant 0 : i32
    %dma_start3A_805 = arith.constant 0 : i32
    %dma_start3A_806 = tpu.memref_slice %arg14[%dma_start3A_804, %dma_start3A_805] : memref<512x32xf32, #tpu.memory_space<vmem>> -> memref<128x32xf32, #tpu.memory_space<vmem>>
    %dma_start3A_807 = arith.constant 0 : i32
    %dma_start3A_808 = tpu.memref_slice %arg10[%dma_start3A_803, %dma_start3A_807] : memref<4x128xi32, #tpu.memory_space<vmem>> -> memref<1x128xi32, #tpu.memory_space<vmem>>
    %dma_start3A_809 = tpu.memref_squeeze %dma_start3A_808 : memref<1x128xi32, #tpu.memory_space<vmem>> -> memref<128xi32, #tpu.memory_space<vmem>>
    %dma_start3A_810 = arith.constant 0 : i32
    %dma_start3A_811 = arith.constant 0 : i32
    %dma_start3A_812 = tpu.memref_slice %arg3[%dma_start3A_810, %dma_start3A_811] : memref<1000000x32xf32, #tpu.memory_space<hbm>> -> memref<1000000x32xf32, #tpu.memory_space<hbm>>
    tpu.enqueue_indirect_dma source(%dma_start3A_812 : memref<1000000x32xf32, #tpu.memory_space<hbm>>) target(%dma_start3A_806 : memref<128x32xf32, #tpu.memory_space<vmem>>) offsets(%dma_start3A_809 : memref<128xi32, #tpu.memory_space<vmem>>) semaphore(%arg18 : memref<!tpu.dma_semaphore, #tpu.memory_space<semaphore_mem>>)
    %dma_start3A_813 = arith.constant 0 : i32
    %dma_start3A_814 = arith.constant 0 : i32
    %dma_start3A_815 = arith.constant 0 : i32
    %dma_start3A_816 = tpu.memref_slice %arg15[%dma_start3A_814, %dma_start3A_815] : memref<512x32xf32, #tpu.memory_space<vmem>> -> memref<128x32xf32, #tpu.memory_space<vmem>>
    %dma_start3A_817 = arith.constant 0 : i32
    %dma_start3A_818 = tpu.memref_slice %arg10[%dma_start3A_813, %dma_start3A_817] : memref<4x128xi32, #tpu.memory_space<vmem>> -> memref<1x128xi32, #tpu.memory_space<vmem>>
    %dma_start3A_819 = tpu.memref_squeeze %dma_start3A_818 : memref<1x128xi32, #tpu.memory_space<vmem>> -> memref<128xi32, #tpu.memory_space<vmem>>
    %dma_start3A_820 = arith.constant 0 : i32
    %dma_start3A_821 = arith.constant 0 : i32
    %dma_start3A_822 = tpu.memref_slice %arg4[%dma_start3A_820, %dma_start3A_821] : memref<1000000x32xf32, #tpu.memory_space<hbm>> -> memref<1000000x32xf32, #tpu.memory_space<hbm>>
    tpu.enqueue_indirect_dma source(%dma_start3A_822 : memref<1000000x32xf32, #tpu.memory_space<hbm>>) target(%dma_start3A_816 : memref<128x32xf32, #tpu.memory_space<vmem>>) offsets(%dma_start3A_819 : memref<128xi32, #tpu.memory_space<vmem>>) semaphore(%arg18 : memref<!tpu.dma_semaphore, #tpu.memory_space<semaphore_mem>>)
    %dma_start3A_823 = arith.constant 1 : i32
    %dma_start3A_824 = arith.constant 128 : i32
    %dma_start3A_825 = arith.constant 0 : i32
    %dma_start3A_826 = tpu.memref_slice %arg11[%dma_start3A_824, %dma_start3A_825] : memref<512x32xf32, #tpu.memory_space<vmem>> -> memref<128x32xf32, #tpu.memory_space<vmem>>
    %dma_start3A_827 = arith.constant 0 : i32
    %dma_start3A_828 = tpu.memref_slice %arg8[%dma_start3A_823, %dma_start3A_827] : memref<4x128xi32, #tpu.memory_space<vmem>> -> memref<1x128xi32, #tpu.memory_space<vmem>>
    %dma_start3A_829 = tpu.memref_squeeze %dma_start3A_828 : memref<1x128xi32, #tpu.memory_space<vmem>> -> memref<128xi32, #tpu.memory_space<vmem>>
    %dma_start3A_830 = arith.constant 0 : i32
    %dma_start3A_831 = arith.constant 0 : i32
    %dma_start3A_832 = tpu.memref_slice %arg3[%dma_start3A_830, %dma_start3A_831] : memref<1000000x32xf32, #tpu.memory_space<hbm>> -> memref<1000000x32xf32, #tpu.memory_space<hbm>>
    tpu.enqueue_indirect_dma source(%dma_start3A_832 : memref<1000000x32xf32, #tpu.memory_space<hbm>>) target(%dma_start3A_826 : memref<128x32xf32, #tpu.memory_space<vmem>>) offsets(%dma_start3A_829 : memref<128xi32, #tpu.memory_space<vmem>>) semaphore(%arg18 : memref<!tpu.dma_semaphore, #tpu.memory_space<semaphore_mem>>)
    %dma_start3A_833 = arith.constant 1 : i32
    %dma_start3A_834 = arith.constant 128 : i32
    %dma_start3A_835 = arith.constant 0 : i32
    %dma_start3A_836 = tpu.memref_slice %arg12[%dma_start3A_834, %dma_start3A_835] : memref<512x32xf32, #tpu.memory_space<vmem>> -> memref<128x32xf32, #tpu.memory_space<vmem>>
    %dma_start3A_837 = arith.constant 0 : i32
    %dma_start3A_838 = tpu.memref_slice %arg8[%dma_start3A_833, %dma_start3A_837] : memref<4x128xi32, #tpu.memory_space<vmem>> -> memref<1x128xi32, #tpu.memory_space<vmem>>
    %dma_start3A_839 = tpu.memref_squeeze %dma_start3A_838 : memref<1x128xi32, #tpu.memory_space<vmem>> -> memref<128xi32, #tpu.memory_space<vmem>>
    %dma_start3A_840 = arith.constant 0 : i32
    %dma_start3A_841 = arith.constant 0 : i32
    %dma_start3A_842 = tpu.memref_slice %arg4[%dma_start3A_840, %dma_start3A_841] : memref<1000000x32xf32, #tpu.memory_space<hbm>> -> memref<1000000x32xf32, #tpu.memory_space<hbm>>
    tpu.enqueue_indirect_dma source(%dma_start3A_842 : memref<1000000x32xf32, #tpu.memory_space<hbm>>) target(%dma_start3A_836 : memref<128x32xf32, #tpu.memory_space<vmem>>) offsets(%dma_start3A_839 : memref<128xi32, #tpu.memory_space<vmem>>) semaphore(%arg18 : memref<!tpu.dma_semaphore, #tpu.memory_space<semaphore_mem>>)
    %dma_start3A_843 = arith.constant 1 : i32
    %dma_start3A_844 = arith.constant 128 : i32
    %dma_start3A_845 = arith.constant 0 : i32
    %dma_start3A_846 = tpu.memref_slice %arg13[%dma_start3A_844, %dma_start3A_845] : memref<512x32xf32, #tpu.memory_space<vmem>> -> memref<128x32xf32, #tpu.memory_space<vmem>>
    %dma_start3A_847 = arith.constant 0 : i32
    %dma_start3A_848 = tpu.memref_slice %arg9[%dma_start3A_843, %dma_start3A_847] : memref<4x128xi32, #tpu.memory_space<vmem>> -> memref<1x128xi32, #tpu.memory_space<vmem>>
    %dma_start3A_849 = tpu.memref_squeeze %dma_start3A_848 : memref<1x128xi32, #tpu.memory_space<vmem>> -> memref<128xi32, #tpu.memory_space<vmem>>
    %dma_start3A_850 = arith.constant 0 : i32
    %dma_start3A_851 = arith.constant 0 : i32
    %dma_start3A_852 = tpu.memref_slice %arg5[%dma_start3A_850, %dma_start3A_851] : memref<1000000x32xf32, #tpu.memory_space<hbm>> -> memref<1000000x32xf32, #tpu.memory_space<hbm>>
    tpu.enqueue_indirect_dma source(%dma_start3A_852 : memref<1000000x32xf32, #tpu.memory_space<hbm>>) target(%dma_start3A_846 : memref<128x32xf32, #tpu.memory_space<vmem>>) offsets(%dma_start3A_849 : memref<128xi32, #tpu.memory_space<vmem>>) semaphore(%arg18 : memref<!tpu.dma_semaphore, #tpu.memory_space<semaphore_mem>>)
    %dma_start3A_853 = arith.constant 1 : i32
    %dma_start3A_854 = arith.constant 128 : i32
    %dma_start3A_855 = arith.constant 0 : i32
    %dma_start3A_856 = tpu.memref_slice %arg14[%dma_start3A_854, %dma_start3A_855] : memref<512x32xf32, #tpu.memory_space<vmem>> -> memref<128x32xf32, #tpu.memory_space<vmem>>
    %dma_start3A_857 = arith.constant 0 : i32
    %dma_start3A_858 = tpu.memref_slice %arg10[%dma_start3A_853, %dma_start3A_857] : memref<4x128xi32, #tpu.memory_space<vmem>> -> memref<1x128xi32, #tpu.memory_space<vmem>>
    %dma_start3A_859 = tpu.memref_squeeze %dma_start3A_858 : memref<1x128xi32, #tpu.memory_space<vmem>> -> memref<128xi32, #tpu.memory_space<vmem>>
    %dma_start3A_860 = arith.constant 0 : i32
    %dma_start3A_861 = arith.constant 0 : i32
    %dma_start3A_862 = tpu.memref_slice %arg3[%dma_start3A_860, %dma_start3A_861] : memref<1000000x32xf32, #tpu.memory_space<hbm>> -> memref<1000000x32xf32, #tpu.memory_space<hbm>>
    tpu.enqueue_indirect_dma source(%dma_start3A_862 : memref<1000000x32xf32, #tpu.memory_space<hbm>>) target(%dma_start3A_856 : memref<128x32xf32, #tpu.memory_space<vmem>>) offsets(%dma_start3A_859 : memref<128xi32, #tpu.memory_space<vmem>>) semaphore(%arg18 : memref<!tpu.dma_semaphore, #tpu.memory_space<semaphore_mem>>)
    %dma_start3A_863 = arith.constant 1 : i32
    %dma_start3A_864 = arith.constant 128 : i32
    %dma_start3A_865 = arith.constant 0 : i32
    %dma_start3A_866 = tpu.memref_slice %arg15[%dma_start3A_864, %dma_start3A_865] : memref<512x32xf32, #tpu.memory_space<vmem>> -> memref<128x32xf32, #tpu.memory_space<vmem>>
    %dma_start3A_867 = arith.constant 0 : i32
    %dma_start3A_868 = tpu.memref_slice %arg10[%dma_start3A_863, %dma_start3A_867] : memref<4x128xi32, #tpu.memory_space<vmem>> -> memref<1x128xi32, #tpu.memory_space<vmem>>
    %dma_start3A_869 = tpu.memref_squeeze %dma_start3A_868 : memref<1x128xi32, #tpu.memory_space<vmem>> -> memref<128xi32, #tpu.memory_space<vmem>>
    %dma_start3A_870 = arith.constant 0 : i32
    %dma_start3A_871 = arith.constant 0 : i32
    %dma_start3A_872 = tpu.memref_slice %arg4[%dma_start3A_870, %dma_start3A_871] : memref<1000000x32xf32, #tpu.memory_space<hbm>> -> memref<1000000x32xf32, #tpu.memory_space<hbm>>
    tpu.enqueue_indirect_dma source(%dma_start3A_872 : memref<1000000x32xf32, #tpu.memory_space<hbm>>) target(%dma_start3A_866 : memref<128x32xf32, #tpu.memory_space<vmem>>) offsets(%dma_start3A_869 : memref<128xi32, #tpu.memory_space<vmem>>) semaphore(%arg18 : memref<!tpu.dma_semaphore, #tpu.memory_space<semaphore_mem>>)
    %dma_start3A_873 = arith.constant 2 : i32
    %dma_start3A_874 = arith.constant 256 : i32
    %dma_start3A_875 = arith.constant 0 : i32
    %dma_start3A_876 = tpu.memref_slice %arg11[%dma_start3A_874, %dma_start3A_875] : memref<512x32xf32, #tpu.memory_space<vmem>> -> memref<128x32xf32, #tpu.memory_space<vmem>>
    %dma_start3A_877 = arith.constant 0 : i32
    %dma_start3A_878 = tpu.memref_slice %arg8[%dma_start3A_873, %dma_start3A_877] : memref<4x128xi32, #tpu.memory_space<vmem>> -> memref<1x128xi32, #tpu.memory_space<vmem>>
    %dma_start3A_879 = tpu.memref_squeeze %dma_start3A_878 : memref<1x128xi32, #tpu.memory_space<vmem>> -> memref<128xi32, #tpu.memory_space<vmem>>
    %dma_start3A_880 = arith.constant 0 : i32
    %dma_start3A_881 = arith.constant 0 : i32
    %dma_start3A_882 = tpu.memref_slice %arg3[%dma_start3A_880, %dma_start3A_881] : memref<1000000x32xf32, #tpu.memory_space<hbm>> -> memref<1000000x32xf32, #tpu.memory_space<hbm>>
    tpu.enqueue_indirect_dma source(%dma_start3A_882 : memref<1000000x32xf32, #tpu.memory_space<hbm>>) target(%dma_start3A_876 : memref<128x32xf32, #tpu.memory_space<vmem>>) offsets(%dma_start3A_879 : memref<128xi32, #tpu.memory_space<vmem>>) semaphore(%arg18 : memref<!tpu.dma_semaphore, #tpu.memory_space<semaphore_mem>>)
    %dma_start3A_883 = arith.constant 2 : i32
    %dma_start3A_884 = arith.constant 256 : i32
    %dma_start3A_885 = arith.constant 0 : i32
    %dma_start3A_886 = tpu.memref_slice %arg12[%dma_start3A_884, %dma_start3A_885] : memref<512x32xf32, #tpu.memory_space<vmem>> -> memref<128x32xf32, #tpu.memory_space<vmem>>
    %dma_start3A_887 = arith.constant 0 : i32
    %dma_start3A_888 = tpu.memref_slice %arg8[%dma_start3A_883, %dma_start3A_887] : memref<4x128xi32, #tpu.memory_space<vmem>> -> memref<1x128xi32, #tpu.memory_space<vmem>>
    %dma_start3A_889 = tpu.memref_squeeze %dma_start3A_888 : memref<1x128xi32, #tpu.memory_space<vmem>> -> memref<128xi32, #tpu.memory_space<vmem>>
    %dma_start3A_890 = arith.constant 0 : i32
    %dma_start3A_891 = arith.constant 0 : i32
    %dma_start3A_892 = tpu.memref_slice %arg4[%dma_start3A_890, %dma_start3A_891] : memref<1000000x32xf32, #tpu.memory_space<hbm>> -> memref<1000000x32xf32, #tpu.memory_space<hbm>>
    tpu.enqueue_indirect_dma source(%dma_start3A_892 : memref<1000000x32xf32, #tpu.memory_space<hbm>>) target(%dma_start3A_886 : memref<128x32xf32, #tpu.memory_space<vmem>>) offsets(%dma_start3A_889 : memref<128xi32, #tpu.memory_space<vmem>>) semaphore(%arg18 : memref<!tpu.dma_semaphore, #tpu.memory_space<semaphore_mem>>)
    %dma_start3A_893 = arith.constant 2 : i32
    %dma_start3A_894 = arith.constant 256 : i32
    %dma_start3A_895 = arith.constant 0 : i32
    %dma_start3A_896 = tpu.memref_slice %arg13[%dma_start3A_894, %dma_start3A_895] : memref<512x32xf32, #tpu.memory_space<vmem>> -> memref<128x32xf32, #tpu.memory_space<vmem>>
    %dma_start3A_897 = arith.constant 0 : i32
    %dma_start3A_898 = tpu.memref_slice %arg9[%dma_start3A_893, %dma_start3A_897] : memref<4x128xi32, #tpu.memory_space<vmem>> -> memref<1x128xi32, #tpu.memory_space<vmem>>
    %dma_start3A_899 = tpu.memref_squeeze %dma_start3A_898 : memref<1x128xi32, #tpu.memory_space<vmem>> -> memref<128xi32, #tpu.memory_space<vmem>>
    %dma_start3A_900 = arith.constant 0 : i32
    %dma_start3A_901 = arith.constant 0 : i32
    %dma_start3A_902 = tpu.memref_slice %arg5[%dma_start3A_900, %dma_start3A_901] : memref<1000000x32xf32, #tpu.memory_space<hbm>> -> memref<1000000x32xf32, #tpu.memory_space<hbm>>
    tpu.enqueue_indirect_dma source(%dma_start3A_902 : memref<1000000x32xf32, #tpu.memory_space<hbm>>) target(%dma_start3A_896 : memref<128x32xf32, #tpu.memory_space<vmem>>) offsets(%dma_start3A_899 : memref<128xi32, #tpu.memory_space<vmem>>) semaphore(%arg18 : memref<!tpu.dma_semaphore, #tpu.memory_space<semaphore_mem>>)
    %dma_start3A_903 = arith.constant 2 : i32
    %dma_start3A_904 = arith.constant 256 : i32
    %dma_start3A_905 = arith.constant 0 : i32
    %dma_start3A_906 = tpu.memref_slice %arg14[%dma_start3A_904, %dma_start3A_905] : memref<512x32xf32, #tpu.memory_space<vmem>> -> memref<128x32xf32, #tpu.memory_space<vmem>>
    %dma_start3A_907 = arith.constant 0 : i32
    %dma_start3A_908 = tpu.memref_slice %arg10[%dma_start3A_903, %dma_start3A_907] : memref<4x128xi32, #tpu.memory_space<vmem>> -> memref<1x128xi32, #tpu.memory_space<vmem>>
    %dma_start3A_909 = tpu.memref_squeeze %dma_start3A_908 : memref<1x128xi32, #tpu.memory_space<vmem>> -> memref<128xi32, #tpu.memory_space<vmem>>
    %dma_start3A_910 = arith.constant 0 : i32
    %dma_start3A_911 = arith.constant 0 : i32
    %dma_start3A_912 = tpu.memref_slice %arg3[%dma_start3A_910, %dma_start3A_911] : memref<1000000x32xf32, #tpu.memory_space<hbm>> -> memref<1000000x32xf32, #tpu.memory_space<hbm>>
    tpu.enqueue_indirect_dma source(%dma_start3A_912 : memref<1000000x32xf32, #tpu.memory_space<hbm>>) target(%dma_start3A_906 : memref<128x32xf32, #tpu.memory_space<vmem>>) offsets(%dma_start3A_909 : memref<128xi32, #tpu.memory_space<vmem>>) semaphore(%arg18 : memref<!tpu.dma_semaphore, #tpu.memory_space<semaphore_mem>>)
    %dma_start3A_913 = arith.constant 2 : i32
    %dma_start3A_914 = arith.constant 256 : i32
    %dma_start3A_915 = arith.constant 0 : i32
    %dma_start3A_916 = tpu.memref_slice %arg15[%dma_start3A_914, %dma_start3A_915] : memref<512x32xf32, #tpu.memory_space<vmem>> -> memref<128x32xf32, #tpu.memory_space<vmem>>
    %dma_start3A_917 = arith.constant 0 : i32
    %dma_start3A_918 = tpu.memref_slice %arg10[%dma_start3A_913, %dma_start3A_917] : memref<4x128xi32, #tpu.memory_space<vmem>> -> memref<1x128xi32, #tpu.memory_space<vmem>>
    %dma_start3A_919 = tpu.memref_squeeze %dma_start3A_918 : memref<1x128xi32, #tpu.memory_space<vmem>> -> memref<128xi32, #tpu.memory_space<vmem>>
    %dma_start3A_920 = arith.constant 0 : i32
    %dma_start3A_921 = arith.constant 0 : i32
    %dma_start3A_922 = tpu.memref_slice %arg4[%dma_start3A_920, %dma_start3A_921] : memref<1000000x32xf32, #tpu.memory_space<hbm>> -> memref<1000000x32xf32, #tpu.memory_space<hbm>>
    tpu.enqueue_indirect_dma source(%dma_start3A_922 : memref<1000000x32xf32, #tpu.memory_space<hbm>>) target(%dma_start3A_916 : memref<128x32xf32, #tpu.memory_space<vmem>>) offsets(%dma_start3A_919 : memref<128xi32, #tpu.memory_space<vmem>>) semaphore(%arg18 : memref<!tpu.dma_semaphore, #tpu.memory_space<semaphore_mem>>)
    %dma_start3A_923 = arith.constant 3 : i32
    %dma_start3A_924 = arith.constant 384 : i32
    %dma_start3A_925 = arith.constant 0 : i32
    %dma_start3A_926 = tpu.memref_slice %arg11[%dma_start3A_924, %dma_start3A_925] : memref<512x32xf32, #tpu.memory_space<vmem>> -> memref<128x32xf32, #tpu.memory_space<vmem>>
    %dma_start3A_927 = arith.constant 0 : i32
    %dma_start3A_928 = tpu.memref_slice %arg8[%dma_start3A_923, %dma_start3A_927] : memref<4x128xi32, #tpu.memory_space<vmem>> -> memref<1x128xi32, #tpu.memory_space<vmem>>
    %dma_start3A_929 = tpu.memref_squeeze %dma_start3A_928 : memref<1x128xi32, #tpu.memory_space<vmem>> -> memref<128xi32, #tpu.memory_space<vmem>>
    %dma_start3A_930 = arith.constant 0 : i32
    %dma_start3A_931 = arith.constant 0 : i32
    %dma_start3A_932 = tpu.memref_slice %arg3[%dma_start3A_930, %dma_start3A_931] : memref<1000000x32xf32, #tpu.memory_space<hbm>> -> memref<1000000x32xf32, #tpu.memory_space<hbm>>
    tpu.enqueue_indirect_dma source(%dma_start3A_932 : memref<1000000x32xf32, #tpu.memory_space<hbm>>) target(%dma_start3A_926 : memref<128x32xf32, #tpu.memory_space<vmem>>) offsets(%dma_start3A_929 : memref<128xi32, #tpu.memory_space<vmem>>) semaphore(%arg18 : memref<!tpu.dma_semaphore, #tpu.memory_space<semaphore_mem>>)
    %dma_start3A_933 = arith.constant 3 : i32
    %dma_start3A_934 = arith.constant 384 : i32
    %dma_start3A_935 = arith.constant 0 : i32
    %dma_start3A_936 = tpu.memref_slice %arg12[%dma_start3A_934, %dma_start3A_935] : memref<512x32xf32, #tpu.memory_space<vmem>> -> memref<128x32xf32, #tpu.memory_space<vmem>>
    %dma_start3A_937 = arith.constant 0 : i32
    %dma_start3A_938 = tpu.memref_slice %arg8[%dma_start3A_933, %dma_start3A_937] : memref<4x128xi32, #tpu.memory_space<vmem>> -> memref<1x128xi32, #tpu.memory_space<vmem>>
    %dma_start3A_939 = tpu.memref_squeeze %dma_start3A_938 : memref<1x128xi32, #tpu.memory_space<vmem>> -> memref<128xi32, #tpu.memory_space<vmem>>
    %dma_start3A_940 = arith.constant 0 : i32
    %dma_start3A_941 = arith.constant 0 : i32
    %dma_start3A_942 = tpu.memref_slice %arg4[%dma_start3A_940, %dma_start3A_941] : memref<1000000x32xf32, #tpu.memory_space<hbm>> -> memref<1000000x32xf32, #tpu.memory_space<hbm>>
    tpu.enqueue_indirect_dma source(%dma_start3A_942 : memref<1000000x32xf32, #tpu.memory_space<hbm>>) target(%dma_start3A_936 : memref<128x32xf32, #tpu.memory_space<vmem>>) offsets(%dma_start3A_939 : memref<128xi32, #tpu.memory_space<vmem>>) semaphore(%arg18 : memref<!tpu.dma_semaphore, #tpu.memory_space<semaphore_mem>>)
    %dma_start3A_943 = arith.constant 3 : i32
    %dma_start3A_944 = arith.constant 384 : i32
    %dma_start3A_945 = arith.constant 0 : i32
    %dma_start3A_946 = tpu.memref_slice %arg13[%dma_start3A_944, %dma_start3A_945] : memref<512x32xf32, #tpu.memory_space<vmem>> -> memref<128x32xf32, #tpu.memory_space<vmem>>
    %dma_start3A_947 = arith.constant 0 : i32
    %dma_start3A_948 = tpu.memref_slice %arg9[%dma_start3A_943, %dma_start3A_947] : memref<4x128xi32, #tpu.memory_space<vmem>> -> memref<1x128xi32, #tpu.memory_space<vmem>>
    %dma_start3A_949 = tpu.memref_squeeze %dma_start3A_948 : memref<1x128xi32, #tpu.memory_space<vmem>> -> memref<128xi32, #tpu.memory_space<vmem>>
    %dma_start3A_950 = arith.constant 0 : i32
    %dma_start3A_951 = arith.constant 0 : i32
    %dma_start3A_952 = tpu.memref_slice %arg5[%dma_start3A_950, %dma_start3A_951] : memref<1000000x32xf32, #tpu.memory_space<hbm>> -> memref<1000000x32xf32, #tpu.memory_space<hbm>>
    tpu.enqueue_indirect_dma source(%dma_start3A_952 : memref<1000000x32xf32, #tpu.memory_space<hbm>>) target(%dma_start3A_946 : memref<128x32xf32, #tpu.memory_space<vmem>>) offsets(%dma_start3A_949 : memref<128xi32, #tpu.memory_space<vmem>>) semaphore(%arg18 : memref<!tpu.dma_semaphore, #tpu.memory_space<semaphore_mem>>)
    %dma_start3A_953 = arith.constant 3 : i32
    %dma_start3A_954 = arith.constant 384 : i32
    %dma_start3A_955 = arith.constant 0 : i32
    %dma_start3A_956 = tpu.memref_slice %arg14[%dma_start3A_954, %dma_start3A_955] : memref<512x32xf32, #tpu.memory_space<vmem>> -> memref<128x32xf32, #tpu.memory_space<vmem>>
    %dma_start3A_957 = arith.constant 0 : i32
    %dma_start3A_958 = tpu.memref_slice %arg10[%dma_start3A_953, %dma_start3A_957] : memref<4x128xi32, #tpu.memory_space<vmem>> -> memref<1x128xi32, #tpu.memory_space<vmem>>
    %dma_start3A_959 = tpu.memref_squeeze %dma_start3A_958 : memref<1x128xi32, #tpu.memory_space<vmem>> -> memref<128xi32, #tpu.memory_space<vmem>>
    %dma_start3A_960 = arith.constant 0 : i32
    %dma_start3A_961 = arith.constant 0 : i32
    %dma_start3A_962 = tpu.memref_slice %arg3[%dma_start3A_960, %dma_start3A_961] : memref<1000000x32xf32, #tpu.memory_space<hbm>> -> memref<1000000x32xf32, #tpu.memory_space<hbm>>
    tpu.enqueue_indirect_dma source(%dma_start3A_962 : memref<1000000x32xf32, #tpu.memory_space<hbm>>) target(%dma_start3A_956 : memref<128x32xf32, #tpu.memory_space<vmem>>) offsets(%dma_start3A_959 : memref<128xi32, #tpu.memory_space<vmem>>) semaphore(%arg18 : memref<!tpu.dma_semaphore, #tpu.memory_space<semaphore_mem>>)
    %dma_start3A_963 = arith.constant 3 : i32
    %dma_start3A_964 = arith.constant 384 : i32
    %dma_start3A_965 = arith.constant 0 : i32
    %dma_start3A_966 = tpu.memref_slice %arg15[%dma_start3A_964, %dma_start3A_965] : memref<512x32xf32, #tpu.memory_space<vmem>> -> memref<128x32xf32, #tpu.memory_space<vmem>>
    %dma_start3A_967 = arith.constant 0 : i32
    %dma_start3A_968 = tpu.memref_slice %arg10[%dma_start3A_963, %dma_start3A_967] : memref<4x128xi32, #tpu.memory_space<vmem>> -> memref<1x128xi32, #tpu.memory_space<vmem>>
    %dma_start3A_969 = tpu.memref_squeeze %dma_start3A_968 : memref<1x128xi32, #tpu.memory_space<vmem>> -> memref<128xi32, #tpu.memory_space<vmem>>
    %dma_start3A_970 = arith.constant 0 : i32
    %dma_start3A_971 = arith.constant 0 : i32
    %dma_start3A_972 = tpu.memref_slice %arg4[%dma_start3A_970, %dma_start3A_971] : memref<1000000x32xf32, #tpu.memory_space<hbm>> -> memref<1000000x32xf32, #tpu.memory_space<hbm>>
    tpu.enqueue_indirect_dma source(%dma_start3A_972 : memref<1000000x32xf32, #tpu.memory_space<hbm>>) target(%dma_start3A_966 : memref<128x32xf32, #tpu.memory_space<vmem>>) offsets(%dma_start3A_969 : memref<128xi32, #tpu.memory_space<vmem>>) semaphore(%arg18 : memref<!tpu.dma_semaphore, #tpu.memory_space<semaphore_mem>>)
    %dma_wait3A = arith.constant 0 : i32
    %dma_wait3A_973 = arith.constant 0 : i32
    %dma_wait3A_974 = arith.constant 0 : i32
    %dma_wait3A_975 = tpu.memref_slice %arg11[%dma_wait3A_973, %dma_wait3A_974] : memref<512x32xf32, #tpu.memory_space<vmem>> -> memref<128x32xf32, #tpu.memory_space<vmem>>
    %dma_wait3A_976 = arith.constant 0 : i32
    %dma_wait3A_977 = tpu.memref_slice %arg8[%dma_wait3A, %dma_wait3A_976] : memref<4x128xi32, #tpu.memory_space<vmem>> -> memref<1x128xi32, #tpu.memory_space<vmem>>
    %dma_wait3A_978 = tpu.memref_squeeze %dma_wait3A_977 : memref<1x128xi32, #tpu.memory_space<vmem>> -> memref<128xi32, #tpu.memory_space<vmem>>
    %dma_wait3A_979 = arith.constant 0 : i32
    %dma_wait3A_980 = arith.constant 0 : i32
    %dma_wait3A_981 = tpu.memref_slice %arg3[%dma_wait3A_979, %dma_wait3A_980] : memref<1000000x32xf32, #tpu.memory_space<hbm>> -> memref<1000000x32xf32, #tpu.memory_space<hbm>>
    tpu.wait_indirect_dma semaphore(%arg18 : memref<!tpu.dma_semaphore, #tpu.memory_space<semaphore_mem>>) src(%dma_wait3A_981 : memref<1000000x32xf32, #tpu.memory_space<hbm>>) dst(%dma_wait3A_975 : memref<128x32xf32, #tpu.memory_space<vmem>>)
    %dma_wait3A_982 = arith.constant 0 : i32
    %dma_wait3A_983 = arith.constant 0 : i32
    %dma_wait3A_984 = arith.constant 0 : i32
    %dma_wait3A_985 = tpu.memref_slice %arg12[%dma_wait3A_983, %dma_wait3A_984] : memref<512x32xf32, #tpu.memory_space<vmem>> -> memref<128x32xf32, #tpu.memory_space<vmem>>
    %dma_wait3A_986 = arith.constant 0 : i32
    %dma_wait3A_987 = tpu.memref_slice %arg8[%dma_wait3A_982, %dma_wait3A_986] : memref<4x128xi32, #tpu.memory_space<vmem>> -> memref<1x128xi32, #tpu.memory_space<vmem>>
    %dma_wait3A_988 = tpu.memref_squeeze %dma_wait3A_987 : memref<1x128xi32, #tpu.memory_space<vmem>> -> memref<128xi32, #tpu.memory_space<vmem>>
    %dma_wait3A_989 = arith.constant 0 : i32
    %dma_wait3A_990 = arith.constant 0 : i32
    %dma_wait3A_991 = tpu.memref_slice %arg4[%dma_wait3A_989, %dma_wait3A_990] : memref<1000000x32xf32, #tpu.memory_space<hbm>> -> memref<1000000x32xf32, #tpu.memory_space<hbm>>
    tpu.wait_indirect_dma semaphore(%arg18 : memref<!tpu.dma_semaphore, #tpu.memory_space<semaphore_mem>>) src(%dma_wait3A_991 : memref<1000000x32xf32, #tpu.memory_space<hbm>>) dst(%dma_wait3A_985 : memref<128x32xf32, #tpu.memory_space<vmem>>)
    %dma_wait3A_992 = arith.constant 0 : i32
    %dma_wait3A_993 = arith.constant 0 : i32
    %dma_wait3A_994 = arith.constant 0 : i32
    %dma_wait3A_995 = tpu.memref_slice %arg13[%dma_wait3A_993, %dma_wait3A_994] : memref<512x32xf32, #tpu.memory_space<vmem>> -> memref<128x32xf32, #tpu.memory_space<vmem>>
    %dma_wait3A_996 = arith.constant 0 : i32
    %dma_wait3A_997 = tpu.memref_slice %arg9[%dma_wait3A_992, %dma_wait3A_996] : memref<4x128xi32, #tpu.memory_space<vmem>> -> memref<1x128xi32, #tpu.memory_space<vmem>>
    %dma_wait3A_998 = tpu.memref_squeeze %dma_wait3A_997 : memref<1x128xi32, #tpu.memory_space<vmem>> -> memref<128xi32, #tpu.memory_space<vmem>>
    %dma_wait3A_999 = arith.constant 0 : i32
    %dma_wait3A_1000 = arith.constant 0 : i32
    %dma_wait3A_1001 = tpu.memref_slice %arg5[%dma_wait3A_999, %dma_wait3A_1000] : memref<1000000x32xf32, #tpu.memory_space<hbm>> -> memref<1000000x32xf32, #tpu.memory_space<hbm>>
    tpu.wait_indirect_dma semaphore(%arg18 : memref<!tpu.dma_semaphore, #tpu.memory_space<semaphore_mem>>) src(%dma_wait3A_1001 : memref<1000000x32xf32, #tpu.memory_space<hbm>>) dst(%dma_wait3A_995 : memref<128x32xf32, #tpu.memory_space<vmem>>)
    %dma_wait3A_1002 = arith.constant 0 : i32
    %dma_wait3A_1003 = arith.constant 0 : i32
    %dma_wait3A_1004 = arith.constant 0 : i32
    %dma_wait3A_1005 = tpu.memref_slice %arg14[%dma_wait3A_1003, %dma_wait3A_1004] : memref<512x32xf32, #tpu.memory_space<vmem>> -> memref<128x32xf32, #tpu.memory_space<vmem>>
    %dma_wait3A_1006 = arith.constant 0 : i32
    %dma_wait3A_1007 = tpu.memref_slice %arg10[%dma_wait3A_1002, %dma_wait3A_1006] : memref<4x128xi32, #tpu.memory_space<vmem>> -> memref<1x128xi32, #tpu.memory_space<vmem>>
    %dma_wait3A_1008 = tpu.memref_squeeze %dma_wait3A_1007 : memref<1x128xi32, #tpu.memory_space<vmem>> -> memref<128xi32, #tpu.memory_space<vmem>>
    %dma_wait3A_1009 = arith.constant 0 : i32
    %dma_wait3A_1010 = arith.constant 0 : i32
    %dma_wait3A_1011 = tpu.memref_slice %arg3[%dma_wait3A_1009, %dma_wait3A_1010] : memref<1000000x32xf32, #tpu.memory_space<hbm>> -> memref<1000000x32xf32, #tpu.memory_space<hbm>>
    tpu.wait_indirect_dma semaphore(%arg18 : memref<!tpu.dma_semaphore, #tpu.memory_space<semaphore_mem>>) src(%dma_wait3A_1011 : memref<1000000x32xf32, #tpu.memory_space<hbm>>) dst(%dma_wait3A_1005 : memref<128x32xf32, #tpu.memory_space<vmem>>)
    %dma_wait3A_1012 = arith.constant 0 : i32
    %dma_wait3A_1013 = arith.constant 0 : i32
    %dma_wait3A_1014 = arith.constant 0 : i32
    %dma_wait3A_1015 = tpu.memref_slice %arg15[%dma_wait3A_1013, %dma_wait3A_1014] : memref<512x32xf32, #tpu.memory_space<vmem>> -> memref<128x32xf32, #tpu.memory_space<vmem>>
    %dma_wait3A_1016 = arith.constant 0 : i32
    %dma_wait3A_1017 = tpu.memref_slice %arg10[%dma_wait3A_1012, %dma_wait3A_1016] : memref<4x128xi32, #tpu.memory_space<vmem>> -> memref<1x128xi32, #tpu.memory_space<vmem>>
    %dma_wait3A_1018 = tpu.memref_squeeze %dma_wait3A_1017 : memref<1x128xi32, #tpu.memory_space<vmem>> -> memref<128xi32, #tpu.memory_space<vmem>>
    %dma_wait3A_1019 = arith.constant 0 : i32
    %dma_wait3A_1020 = arith.constant 0 : i32
    %dma_wait3A_1021 = tpu.memref_slice %arg4[%dma_wait3A_1019, %dma_wait3A_1020] : memref<1000000x32xf32, #tpu.memory_space<hbm>> -> memref<1000000x32xf32, #tpu.memory_space<hbm>>
    tpu.wait_indirect_dma semaphore(%arg18 : memref<!tpu.dma_semaphore, #tpu.memory_space<semaphore_mem>>) src(%dma_wait3A_1021 : memref<1000000x32xf32, #tpu.memory_space<hbm>>) dst(%dma_wait3A_1015 : memref<128x32xf32, #tpu.memory_space<vmem>>)
    %dma_wait3A_1022 = arith.constant 1 : i32
    %dma_wait3A_1023 = arith.constant 128 : i32
    %dma_wait3A_1024 = arith.constant 0 : i32
    %dma_wait3A_1025 = tpu.memref_slice %arg11[%dma_wait3A_1023, %dma_wait3A_1024] : memref<512x32xf32, #tpu.memory_space<vmem>> -> memref<128x32xf32, #tpu.memory_space<vmem>>
    %dma_wait3A_1026 = arith.constant 0 : i32
    %dma_wait3A_1027 = tpu.memref_slice %arg8[%dma_wait3A_1022, %dma_wait3A_1026] : memref<4x128xi32, #tpu.memory_space<vmem>> -> memref<1x128xi32, #tpu.memory_space<vmem>>
    %dma_wait3A_1028 = tpu.memref_squeeze %dma_wait3A_1027 : memref<1x128xi32, #tpu.memory_space<vmem>> -> memref<128xi32, #tpu.memory_space<vmem>>
    %dma_wait3A_1029 = arith.constant 0 : i32
    %dma_wait3A_1030 = arith.constant 0 : i32
    %dma_wait3A_1031 = tpu.memref_slice %arg3[%dma_wait3A_1029, %dma_wait3A_1030] : memref<1000000x32xf32, #tpu.memory_space<hbm>> -> memref<1000000x32xf32, #tpu.memory_space<hbm>>
    tpu.wait_indirect_dma semaphore(%arg18 : memref<!tpu.dma_semaphore, #tpu.memory_space<semaphore_mem>>) src(%dma_wait3A_1031 : memref<1000000x32xf32, #tpu.memory_space<hbm>>) dst(%dma_wait3A_1025 : memref<128x32xf32, #tpu.memory_space<vmem>>)
    %dma_wait3A_1032 = arith.constant 1 : i32
    %dma_wait3A_1033 = arith.constant 128 : i32
    %dma_wait3A_1034 = arith.constant 0 : i32
    %dma_wait3A_1035 = tpu.memref_slice %arg12[%dma_wait3A_1033, %dma_wait3A_1034] : memref<512x32xf32, #tpu.memory_space<vmem>> -> memref<128x32xf32, #tpu.memory_space<vmem>>
    %dma_wait3A_1036 = arith.constant 0 : i32
    %dma_wait3A_1037 = tpu.memref_slice %arg8[%dma_wait3A_1032, %dma_wait3A_1036] : memref<4x128xi32, #tpu.memory_space<vmem>> -> memref<1x128xi32, #tpu.memory_space<vmem>>
    %dma_wait3A_1038 = tpu.memref_squeeze %dma_wait3A_1037 : memref<1x128xi32, #tpu.memory_space<vmem>> -> memref<128xi32, #tpu.memory_space<vmem>>
    %dma_wait3A_1039 = arith.constant 0 : i32
    %dma_wait3A_1040 = arith.constant 0 : i32
    %dma_wait3A_1041 = tpu.memref_slice %arg4[%dma_wait3A_1039, %dma_wait3A_1040] : memref<1000000x32xf32, #tpu.memory_space<hbm>> -> memref<1000000x32xf32, #tpu.memory_space<hbm>>
    tpu.wait_indirect_dma semaphore(%arg18 : memref<!tpu.dma_semaphore, #tpu.memory_space<semaphore_mem>>) src(%dma_wait3A_1041 : memref<1000000x32xf32, #tpu.memory_space<hbm>>) dst(%dma_wait3A_1035 : memref<128x32xf32, #tpu.memory_space<vmem>>)
    %dma_wait3A_1042 = arith.constant 1 : i32
    %dma_wait3A_1043 = arith.constant 128 : i32
    %dma_wait3A_1044 = arith.constant 0 : i32
    %dma_wait3A_1045 = tpu.memref_slice %arg13[%dma_wait3A_1043, %dma_wait3A_1044] : memref<512x32xf32, #tpu.memory_space<vmem>> -> memref<128x32xf32, #tpu.memory_space<vmem>>
    %dma_wait3A_1046 = arith.constant 0 : i32
    %dma_wait3A_1047 = tpu.memref_slice %arg9[%dma_wait3A_1042, %dma_wait3A_1046] : memref<4x128xi32, #tpu.memory_space<vmem>> -> memref<1x128xi32, #tpu.memory_space<vmem>>
    %dma_wait3A_1048 = tpu.memref_squeeze %dma_wait3A_1047 : memref<1x128xi32, #tpu.memory_space<vmem>> -> memref<128xi32, #tpu.memory_space<vmem>>
    %dma_wait3A_1049 = arith.constant 0 : i32
    %dma_wait3A_1050 = arith.constant 0 : i32
    %dma_wait3A_1051 = tpu.memref_slice %arg5[%dma_wait3A_1049, %dma_wait3A_1050] : memref<1000000x32xf32, #tpu.memory_space<hbm>> -> memref<1000000x32xf32, #tpu.memory_space<hbm>>
    tpu.wait_indirect_dma semaphore(%arg18 : memref<!tpu.dma_semaphore, #tpu.memory_space<semaphore_mem>>) src(%dma_wait3A_1051 : memref<1000000x32xf32, #tpu.memory_space<hbm>>) dst(%dma_wait3A_1045 : memref<128x32xf32, #tpu.memory_space<vmem>>)
    %dma_wait3A_1052 = arith.constant 1 : i32
    %dma_wait3A_1053 = arith.constant 128 : i32
    %dma_wait3A_1054 = arith.constant 0 : i32
    %dma_wait3A_1055 = tpu.memref_slice %arg14[%dma_wait3A_1053, %dma_wait3A_1054] : memref<512x32xf32, #tpu.memory_space<vmem>> -> memref<128x32xf32, #tpu.memory_space<vmem>>
    %dma_wait3A_1056 = arith.constant 0 : i32
    %dma_wait3A_1057 = tpu.memref_slice %arg10[%dma_wait3A_1052, %dma_wait3A_1056] : memref<4x128xi32, #tpu.memory_space<vmem>> -> memref<1x128xi32, #tpu.memory_space<vmem>>
    %dma_wait3A_1058 = tpu.memref_squeeze %dma_wait3A_1057 : memref<1x128xi32, #tpu.memory_space<vmem>> -> memref<128xi32, #tpu.memory_space<vmem>>
    %dma_wait3A_1059 = arith.constant 0 : i32
    %dma_wait3A_1060 = arith.constant 0 : i32
    %dma_wait3A_1061 = tpu.memref_slice %arg3[%dma_wait3A_1059, %dma_wait3A_1060] : memref<1000000x32xf32, #tpu.memory_space<hbm>> -> memref<1000000x32xf32, #tpu.memory_space<hbm>>
    tpu.wait_indirect_dma semaphore(%arg18 : memref<!tpu.dma_semaphore, #tpu.memory_space<semaphore_mem>>) src(%dma_wait3A_1061 : memref<1000000x32xf32, #tpu.memory_space<hbm>>) dst(%dma_wait3A_1055 : memref<128x32xf32, #tpu.memory_space<vmem>>)
    %dma_wait3A_1062 = arith.constant 1 : i32
    %dma_wait3A_1063 = arith.constant 128 : i32
    %dma_wait3A_1064 = arith.constant 0 : i32
    %dma_wait3A_1065 = tpu.memref_slice %arg15[%dma_wait3A_1063, %dma_wait3A_1064] : memref<512x32xf32, #tpu.memory_space<vmem>> -> memref<128x32xf32, #tpu.memory_space<vmem>>
    %dma_wait3A_1066 = arith.constant 0 : i32
    %dma_wait3A_1067 = tpu.memref_slice %arg10[%dma_wait3A_1062, %dma_wait3A_1066] : memref<4x128xi32, #tpu.memory_space<vmem>> -> memref<1x128xi32, #tpu.memory_space<vmem>>
    %dma_wait3A_1068 = tpu.memref_squeeze %dma_wait3A_1067 : memref<1x128xi32, #tpu.memory_space<vmem>> -> memref<128xi32, #tpu.memory_space<vmem>>
    %dma_wait3A_1069 = arith.constant 0 : i32
    %dma_wait3A_1070 = arith.constant 0 : i32
    %dma_wait3A_1071 = tpu.memref_slice %arg4[%dma_wait3A_1069, %dma_wait3A_1070] : memref<1000000x32xf32, #tpu.memory_space<hbm>> -> memref<1000000x32xf32, #tpu.memory_space<hbm>>
    tpu.wait_indirect_dma semaphore(%arg18 : memref<!tpu.dma_semaphore, #tpu.memory_space<semaphore_mem>>) src(%dma_wait3A_1071 : memref<1000000x32xf32, #tpu.memory_space<hbm>>) dst(%dma_wait3A_1065 : memref<128x32xf32, #tpu.memory_space<vmem>>)
    %dma_wait3A_1072 = arith.constant 2 : i32
    %dma_wait3A_1073 = arith.constant 256 : i32
    %dma_wait3A_1074 = arith.constant 0 : i32
    %dma_wait3A_1075 = tpu.memref_slice %arg11[%dma_wait3A_1073, %dma_wait3A_1074] : memref<512x32xf32, #tpu.memory_space<vmem>> -> memref<128x32xf32, #tpu.memory_space<vmem>>
    %dma_wait3A_1076 = arith.constant 0 : i32
    %dma_wait3A_1077 = tpu.memref_slice %arg8[%dma_wait3A_1072, %dma_wait3A_1076] : memref<4x128xi32, #tpu.memory_space<vmem>> -> memref<1x128xi32, #tpu.memory_space<vmem>>
    %dma_wait3A_1078 = tpu.memref_squeeze %dma_wait3A_1077 : memref<1x128xi32, #tpu.memory_space<vmem>> -> memref<128xi32, #tpu.memory_space<vmem>>
    %dma_wait3A_1079 = arith.constant 0 : i32
    %dma_wait3A_1080 = arith.constant 0 : i32
    %dma_wait3A_1081 = tpu.memref_slice %arg3[%dma_wait3A_1079, %dma_wait3A_1080] : memref<1000000x32xf32, #tpu.memory_space<hbm>> -> memref<1000000x32xf32, #tpu.memory_space<hbm>>
    tpu.wait_indirect_dma semaphore(%arg18 : memref<!tpu.dma_semaphore, #tpu.memory_space<semaphore_mem>>) src(%dma_wait3A_1081 : memref<1000000x32xf32, #tpu.memory_space<hbm>>) dst(%dma_wait3A_1075 : memref<128x32xf32, #tpu.memory_space<vmem>>)
    %dma_wait3A_1082 = arith.constant 2 : i32
    %dma_wait3A_1083 = arith.constant 256 : i32
    %dma_wait3A_1084 = arith.constant 0 : i32
    %dma_wait3A_1085 = tpu.memref_slice %arg12[%dma_wait3A_1083, %dma_wait3A_1084] : memref<512x32xf32, #tpu.memory_space<vmem>> -> memref<128x32xf32, #tpu.memory_space<vmem>>
    %dma_wait3A_1086 = arith.constant 0 : i32
    %dma_wait3A_1087 = tpu.memref_slice %arg8[%dma_wait3A_1082, %dma_wait3A_1086] : memref<4x128xi32, #tpu.memory_space<vmem>> -> memref<1x128xi32, #tpu.memory_space<vmem>>
    %dma_wait3A_1088 = tpu.memref_squeeze %dma_wait3A_1087 : memref<1x128xi32, #tpu.memory_space<vmem>> -> memref<128xi32, #tpu.memory_space<vmem>>
    %dma_wait3A_1089 = arith.constant 0 : i32
    %dma_wait3A_1090 = arith.constant 0 : i32
    %dma_wait3A_1091 = tpu.memref_slice %arg4[%dma_wait3A_1089, %dma_wait3A_1090] : memref<1000000x32xf32, #tpu.memory_space<hbm>> -> memref<1000000x32xf32, #tpu.memory_space<hbm>>
    tpu.wait_indirect_dma semaphore(%arg18 : memref<!tpu.dma_semaphore, #tpu.memory_space<semaphore_mem>>) src(%dma_wait3A_1091 : memref<1000000x32xf32, #tpu.memory_space<hbm>>) dst(%dma_wait3A_1085 : memref<128x32xf32, #tpu.memory_space<vmem>>)
    %dma_wait3A_1092 = arith.constant 2 : i32
    %dma_wait3A_1093 = arith.constant 256 : i32
    %dma_wait3A_1094 = arith.constant 0 : i32
    %dma_wait3A_1095 = tpu.memref_slice %arg13[%dma_wait3A_1093, %dma_wait3A_1094] : memref<512x32xf32, #tpu.memory_space<vmem>> -> memref<128x32xf32, #tpu.memory_space<vmem>>
    %dma_wait3A_1096 = arith.constant 0 : i32
    %dma_wait3A_1097 = tpu.memref_slice %arg9[%dma_wait3A_1092, %dma_wait3A_1096] : memref<4x128xi32, #tpu.memory_space<vmem>> -> memref<1x128xi32, #tpu.memory_space<vmem>>
    %dma_wait3A_1098 = tpu.memref_squeeze %dma_wait3A_1097 : memref<1x128xi32, #tpu.memory_space<vmem>> -> memref<128xi32, #tpu.memory_space<vmem>>
    %dma_wait3A_1099 = arith.constant 0 : i32
    %dma_wait3A_1100 = arith.constant 0 : i32
    %dma_wait3A_1101 = tpu.memref_slice %arg5[%dma_wait3A_1099, %dma_wait3A_1100] : memref<1000000x32xf32, #tpu.memory_space<hbm>> -> memref<1000000x32xf32, #tpu.memory_space<hbm>>
    tpu.wait_indirect_dma semaphore(%arg18 : memref<!tpu.dma_semaphore, #tpu.memory_space<semaphore_mem>>) src(%dma_wait3A_1101 : memref<1000000x32xf32, #tpu.memory_space<hbm>>) dst(%dma_wait3A_1095 : memref<128x32xf32, #tpu.memory_space<vmem>>)
    %dma_wait3A_1102 = arith.constant 2 : i32
    %dma_wait3A_1103 = arith.constant 256 : i32
    %dma_wait3A_1104 = arith.constant 0 : i32
    %dma_wait3A_1105 = tpu.memref_slice %arg14[%dma_wait3A_1103, %dma_wait3A_1104] : memref<512x32xf32, #tpu.memory_space<vmem>> -> memref<128x32xf32, #tpu.memory_space<vmem>>
    %dma_wait3A_1106 = arith.constant 0 : i32
    %dma_wait3A_1107 = tpu.memref_slice %arg10[%dma_wait3A_1102, %dma_wait3A_1106] : memref<4x128xi32, #tpu.memory_space<vmem>> -> memref<1x128xi32, #tpu.memory_space<vmem>>
    %dma_wait3A_1108 = tpu.memref_squeeze %dma_wait3A_1107 : memref<1x128xi32, #tpu.memory_space<vmem>> -> memref<128xi32, #tpu.memory_space<vmem>>
    %dma_wait3A_1109 = arith.constant 0 : i32
    %dma_wait3A_1110 = arith.constant 0 : i32
    %dma_wait3A_1111 = tpu.memref_slice %arg3[%dma_wait3A_1109, %dma_wait3A_1110] : memref<1000000x32xf32, #tpu.memory_space<hbm>> -> memref<1000000x32xf32, #tpu.memory_space<hbm>>
    tpu.wait_indirect_dma semaphore(%arg18 : memref<!tpu.dma_semaphore, #tpu.memory_space<semaphore_mem>>) src(%dma_wait3A_1111 : memref<1000000x32xf32, #tpu.memory_space<hbm>>) dst(%dma_wait3A_1105 : memref<128x32xf32, #tpu.memory_space<vmem>>)
    %dma_wait3A_1112 = arith.constant 2 : i32
    %dma_wait3A_1113 = arith.constant 256 : i32
    %dma_wait3A_1114 = arith.constant 0 : i32
    %dma_wait3A_1115 = tpu.memref_slice %arg15[%dma_wait3A_1113, %dma_wait3A_1114] : memref<512x32xf32, #tpu.memory_space<vmem>> -> memref<128x32xf32, #tpu.memory_space<vmem>>
    %dma_wait3A_1116 = arith.constant 0 : i32
    %dma_wait3A_1117 = tpu.memref_slice %arg10[%dma_wait3A_1112, %dma_wait3A_1116] : memref<4x128xi32, #tpu.memory_space<vmem>> -> memref<1x128xi32, #tpu.memory_space<vmem>>
    %dma_wait3A_1118 = tpu.memref_squeeze %dma_wait3A_1117 : memref<1x128xi32, #tpu.memory_space<vmem>> -> memref<128xi32, #tpu.memory_space<vmem>>
    %dma_wait3A_1119 = arith.constant 0 : i32
    %dma_wait3A_1120 = arith.constant 0 : i32
    %dma_wait3A_1121 = tpu.memref_slice %arg4[%dma_wait3A_1119, %dma_wait3A_1120] : memref<1000000x32xf32, #tpu.memory_space<hbm>> -> memref<1000000x32xf32, #tpu.memory_space<hbm>>
    tpu.wait_indirect_dma semaphore(%arg18 : memref<!tpu.dma_semaphore, #tpu.memory_space<semaphore_mem>>) src(%dma_wait3A_1121 : memref<1000000x32xf32, #tpu.memory_space<hbm>>) dst(%dma_wait3A_1115 : memref<128x32xf32, #tpu.memory_space<vmem>>)
    %dma_wait3A_1122 = arith.constant 3 : i32
    %dma_wait3A_1123 = arith.constant 384 : i32
    %dma_wait3A_1124 = arith.constant 0 : i32
    %dma_wait3A_1125 = tpu.memref_slice %arg11[%dma_wait3A_1123, %dma_wait3A_1124] : memref<512x32xf32, #tpu.memory_space<vmem>> -> memref<128x32xf32, #tpu.memory_space<vmem>>
    %dma_wait3A_1126 = arith.constant 0 : i32
    %dma_wait3A_1127 = tpu.memref_slice %arg8[%dma_wait3A_1122, %dma_wait3A_1126] : memref<4x128xi32, #tpu.memory_space<vmem>> -> memref<1x128xi32, #tpu.memory_space<vmem>>
    %dma_wait3A_1128 = tpu.memref_squeeze %dma_wait3A_1127 : memref<1x128xi32, #tpu.memory_space<vmem>> -> memref<128xi32, #tpu.memory_space<vmem>>
    %dma_wait3A_1129 = arith.constant 0 : i32
    %dma_wait3A_1130 = arith.constant 0 : i32
    %dma_wait3A_1131 = tpu.memref_slice %arg3[%dma_wait3A_1129, %dma_wait3A_1130] : memref<1000000x32xf32, #tpu.memory_space<hbm>> -> memref<1000000x32xf32, #tpu.memory_space<hbm>>
    tpu.wait_indirect_dma semaphore(%arg18 : memref<!tpu.dma_semaphore, #tpu.memory_space<semaphore_mem>>) src(%dma_wait3A_1131 : memref<1000000x32xf32, #tpu.memory_space<hbm>>) dst(%dma_wait3A_1125 : memref<128x32xf32, #tpu.memory_space<vmem>>)
    %dma_wait3A_1132 = arith.constant 3 : i32
    %dma_wait3A_1133 = arith.constant 384 : i32
    %dma_wait3A_1134 = arith.constant 0 : i32
    %dma_wait3A_1135 = tpu.memref_slice %arg12[%dma_wait3A_1133, %dma_wait3A_1134] : memref<512x32xf32, #tpu.memory_space<vmem>> -> memref<128x32xf32, #tpu.memory_space<vmem>>
    %dma_wait3A_1136 = arith.constant 0 : i32
    %dma_wait3A_1137 = tpu.memref_slice %arg8[%dma_wait3A_1132, %dma_wait3A_1136] : memref<4x128xi32, #tpu.memory_space<vmem>> -> memref<1x128xi32, #tpu.memory_space<vmem>>
    %dma_wait3A_1138 = tpu.memref_squeeze %dma_wait3A_1137 : memref<1x128xi32, #tpu.memory_space<vmem>> -> memref<128xi32, #tpu.memory_space<vmem>>
    %dma_wait3A_1139 = arith.constant 0 : i32
    %dma_wait3A_1140 = arith.constant 0 : i32
    %dma_wait3A_1141 = tpu.memref_slice %arg4[%dma_wait3A_1139, %dma_wait3A_1140] : memref<1000000x32xf32, #tpu.memory_space<hbm>> -> memref<1000000x32xf32, #tpu.memory_space<hbm>>
    tpu.wait_indirect_dma semaphore(%arg18 : memref<!tpu.dma_semaphore, #tpu.memory_space<semaphore_mem>>) src(%dma_wait3A_1141 : memref<1000000x32xf32, #tpu.memory_space<hbm>>) dst(%dma_wait3A_1135 : memref<128x32xf32, #tpu.memory_space<vmem>>)
    %dma_wait3A_1142 = arith.constant 3 : i32
    %dma_wait3A_1143 = arith.constant 384 : i32
    %dma_wait3A_1144 = arith.constant 0 : i32
    %dma_wait3A_1145 = tpu.memref_slice %arg13[%dma_wait3A_1143, %dma_wait3A_1144] : memref<512x32xf32, #tpu.memory_space<vmem>> -> memref<128x32xf32, #tpu.memory_space<vmem>>
    %dma_wait3A_1146 = arith.constant 0 : i32
    %dma_wait3A_1147 = tpu.memref_slice %arg9[%dma_wait3A_1142, %dma_wait3A_1146] : memref<4x128xi32, #tpu.memory_space<vmem>> -> memref<1x128xi32, #tpu.memory_space<vmem>>
    %dma_wait3A_1148 = tpu.memref_squeeze %dma_wait3A_1147 : memref<1x128xi32, #tpu.memory_space<vmem>> -> memref<128xi32, #tpu.memory_space<vmem>>
    %dma_wait3A_1149 = arith.constant 0 : i32
    %dma_wait3A_1150 = arith.constant 0 : i32
    %dma_wait3A_1151 = tpu.memref_slice %arg5[%dma_wait3A_1149, %dma_wait3A_1150] : memref<1000000x32xf32, #tpu.memory_space<hbm>> -> memref<1000000x32xf32, #tpu.memory_space<hbm>>
    tpu.wait_indirect_dma semaphore(%arg18 : memref<!tpu.dma_semaphore, #tpu.memory_space<semaphore_mem>>) src(%dma_wait3A_1151 : memref<1000000x32xf32, #tpu.memory_space<hbm>>) dst(%dma_wait3A_1145 : memref<128x32xf32, #tpu.memory_space<vmem>>)
    %dma_wait3A_1152 = arith.constant 3 : i32
    %dma_wait3A_1153 = arith.constant 384 : i32
    %dma_wait3A_1154 = arith.constant 0 : i32
    %dma_wait3A_1155 = tpu.memref_slice %arg14[%dma_wait3A_1153, %dma_wait3A_1154] : memref<512x32xf32, #tpu.memory_space<vmem>> -> memref<128x32xf32, #tpu.memory_space<vmem>>
    %dma_wait3A_1156 = arith.constant 0 : i32
    %dma_wait3A_1157 = tpu.memref_slice %arg10[%dma_wait3A_1152, %dma_wait3A_1156] : memref<4x128xi32, #tpu.memory_space<vmem>> -> memref<1x128xi32, #tpu.memory_space<vmem>>
    %dma_wait3A_1158 = tpu.memref_squeeze %dma_wait3A_1157 : memref<1x128xi32, #tpu.memory_space<vmem>> -> memref<128xi32, #tpu.memory_space<vmem>>
    %dma_wait3A_1159 = arith.constant 0 : i32
    %dma_wait3A_1160 = arith.constant 0 : i32
    %dma_wait3A_1161 = tpu.memref_slice %arg3[%dma_wait3A_1159, %dma_wait3A_1160] : memref<1000000x32xf32, #tpu.memory_space<hbm>> -> memref<1000000x32xf32, #tpu.memory_space<hbm>>
    tpu.wait_indirect_dma semaphore(%arg18 : memref<!tpu.dma_semaphore, #tpu.memory_space<semaphore_mem>>) src(%dma_wait3A_1161 : memref<1000000x32xf32, #tpu.memory_space<hbm>>) dst(%dma_wait3A_1155 : memref<128x32xf32, #tpu.memory_space<vmem>>)
    %dma_wait3A_1162 = arith.constant 3 : i32
    %dma_wait3A_1163 = arith.constant 384 : i32
    %dma_wait3A_1164 = arith.constant 0 : i32
    %dma_wait3A_1165 = tpu.memref_slice %arg15[%dma_wait3A_1163, %dma_wait3A_1164] : memref<512x32xf32, #tpu.memory_space<vmem>> -> memref<128x32xf32, #tpu.memory_space<vmem>>
    %dma_wait3A_1166 = arith.constant 0 : i32
    %dma_wait3A_1167 = tpu.memref_slice %arg10[%dma_wait3A_1162, %dma_wait3A_1166] : memref<4x128xi32, #tpu.memory_space<vmem>> -> memref<1x128xi32, #tpu.memory_space<vmem>>
    %dma_wait3A_1168 = tpu.memref_squeeze %dma_wait3A_1167 : memref<1x128xi32, #tpu.memory_space<vmem>> -> memref<128xi32, #tpu.memory_space<vmem>>
    %dma_wait3A_1169 = arith.constant 0 : i32
    %dma_wait3A_1170 = arith.constant 0 : i32
    %dma_wait3A_1171 = tpu.memref_slice %arg4[%dma_wait3A_1169, %dma_wait3A_1170] : memref<1000000x32xf32, #tpu.memory_space<hbm>> -> memref<1000000x32xf32, #tpu.memory_space<hbm>>
    tpu.wait_indirect_dma semaphore(%arg18 : memref<!tpu.dma_semaphore, #tpu.memory_space<semaphore_mem>>) src(%dma_wait3A_1171 : memref<1000000x32xf32, #tpu.memory_space<hbm>>) dst(%dma_wait3A_1165 : memref<128x32xf32, #tpu.memory_space<vmem>>)
    %scan3A = arith.constant 0 : i32
    %scan3A_1172 = arith.constant 0 : i32
    %scan3A_1173 = arith.constant 512 : i32
    %scan3A_1174 = arith.addi %scan3A_1172, %scan3A_1173 : i32
    %scan3A_1175 = arith.constant 1 : i32
    scf.for %scan3A_1183 = %scan3A_1172 to %scan3A_1174 step %scan3A_1175  : i32 {
      %get3A = arith.index_cast %scan3A_1183 : i32 to index
      %get3A_1184 = arith.constant 0 : index
      %get3A_1185 = tpu.vector_load %arg13[%get3A, %get3A_1184] {strides = array<i32>} : memref<512x32xf32, #tpu.memory_space<vmem>>, vector<16xf32>,
      %mul3A_1186 = arith.mulf %get3A_1185, %get3A_1185 : vector<16xf32>
      %mul3A_1187 = arith.constant -2.08726654E-8 : f32
      %mul3A_1188 = vector.broadcast %mul3A_1187 : f32 to vector<16xf32>
      %mul3A_1189 = arith.mulf %mul3A_1188, %mul3A_1186 : vector<16xf32>
      %add3A_1190 = arith.constant 2.71279987E-6 : f32
      %add3A_1191 = vector.broadcast %add3A_1190 : f32 to vector<16xf32>
      %add3A_1192 = arith.addf %mul3A_1189, %add3A_1191 : vector<16xf32>
      %mul3A_1193 = arith.mulf %add3A_1192, %mul3A_1186 : vector<16xf32>
      %add3A_1194 = arith.constant -1.98207563E-4 : f32
      %add3A_1195 = vector.broadcast %add3A_1194 : f32 to vector<16xf32>
      %add3A_1196 = arith.addf %mul3A_1193, %add3A_1195 : vector<16xf32>
      %mul3A_1197 = arith.mulf %add3A_1196, %mul3A_1186 : vector<16xf32>
      %add3A_1198 = arith.constant 8.332890e-03 : f32
      %add3A_1199 = vector.broadcast %add3A_1198 : f32 to vector<16xf32>
      %add3A_1200 = arith.addf %mul3A_1197, %add3A_1199 : vector<16xf32>
      %mul3A_1201 = arith.mulf %add3A_1200, %mul3A_1186 : vector<16xf32>
      %add3A_1202 = arith.constant -0.166666314 : f32
      %add3A_1203 = vector.broadcast %add3A_1202 : f32 to vector<16xf32>
      %add3A_1204 = arith.addf %mul3A_1201, %add3A_1203 : vector<16xf32>
      %mul3A_1205 = arith.mulf %add3A_1204, %mul3A_1186 : vector<16xf32>
      %add3A_1206 = arith.constant 0.99999994 : f32
      %add3A_1207 = vector.broadcast %add3A_1206 : f32 to vector<16xf32>
      %add3A_1208 = arith.addf %mul3A_1205, %add3A_1207 : vector<16xf32>
      %mul3A_1209 = arith.mulf %add3A_1208, %get3A_1185 : vector<16xf32>
      %mul3A_1210 = arith.constant 1.73689962E-9 : f32
      %mul3A_1211 = vector.broadcast %mul3A_1210 : f32 to vector<16xf32>
      %mul3A_1212 = arith.mulf %mul3A_1211, %mul3A_1186 : vector<16xf32>
      %add3A_1213 = arith.constant -2.71133388E-7 : f32
      %add3A_1214 = vector.broadcast %add3A_1213 : f32 to vector<16xf32>
      %add3A_1215 = arith.addf %mul3A_1212, %add3A_1214 : vector<16xf32>
      %mul3A_1216 = arith.mulf %add3A_1215, %mul3A_1186 : vector<16xf32>
      %add3A_1217 = arith.constant 2.47734206E-5 : f32
      %add3A_1218 = vector.broadcast %add3A_1217 : f32 to vector<16xf32>
      %add3A_1219 = arith.addf %mul3A_1216, %add3A_1218 : vector<16xf32>
      %mul3A_1220 = arith.mulf %add3A_1219, %mul3A_1186 : vector<16xf32>
      %add3A_1221 = arith.constant -0.00138879707 : f32
      %add3A_1222 = vector.broadcast %add3A_1221 : f32 to vector<16xf32>
      %add3A_1223 = arith.addf %mul3A_1220, %add3A_1222 : vector<16xf32>
      %mul3A_1224 = arith.mulf %add3A_1223, %mul3A_1186 : vector<16xf32>
      %add3A_1225 = arith.constant 0.0416665226 : f32
      %add3A_1226 = vector.broadcast %add3A_1225 : f32 to vector<16xf32>
      %add3A_1227 = arith.addf %mul3A_1224, %add3A_1226 : vector<16xf32>
      %mul3A_1228 = arith.mulf %add3A_1227, %mul3A_1186 : vector<16xf32>
      %add3A_1229 = arith.constant -0.499999911 : f32
      %add3A_1230 = vector.broadcast %add3A_1229 : f32 to vector<16xf32>
      %add3A_1231 = arith.addf %mul3A_1228, %add3A_1230 : vector<16xf32>
      %mul3A_1232 = arith.mulf %add3A_1231, %mul3A_1186 : vector<16xf32>
      %add3A_1233 = arith.constant 1.000000e+00 : f32
      %add3A_1234 = vector.broadcast %add3A_1233 : f32 to vector<16xf32>
      %add3A_1235 = arith.addf %mul3A_1232, %add3A_1234 : vector<16xf32>
      %get3A_1236 = arith.index_cast %scan3A_1183 : i32 to index
      %get3A_1237 = arith.constant 0 : index
      %get3A_1238 = tpu.vector_load %arg11[%get3A_1236, %get3A_1237] {strides = array<i32>} : memref<512x32xf32, #tpu.memory_space<vmem>>, vector<16xf32>,
      %get3A_1239 = arith.index_cast %scan3A_1183 : i32 to index
      %get3A_1240 = arith.constant 0 : index
      %get3A_1241 = tpu.vector_load %arg12[%get3A_1239, %get3A_1240] {strides = array<i32>} : memref<512x32xf32, #tpu.memory_space<vmem>>, vector<16xf32>,
      %mul3A_1242 = arith.mulf %get3A_1238, %add3A_1235 : vector<16xf32>
      %mul3A_1243 = arith.mulf %get3A_1241, %mul3A_1209 : vector<16xf32>
      %sub3A = arith.subf %mul3A_1242, %mul3A_1243 : vector<16xf32>
      %get3A_1244 = arith.index_cast %scan3A_1183 : i32 to index
      %get3A_1245 = arith.constant 0 : index
      %get3A_1246 = tpu.vector_load %arg14[%get3A_1244, %get3A_1245] {strides = array<i32>} : memref<512x32xf32, #tpu.memory_space<vmem>>, vector<16xf32>,
      %sub3A_1247 = arith.subf %sub3A, %get3A_1246 : vector<16xf32>
      %mul3A_1248 = arith.mulf %get3A_1238, %mul3A_1209 : vector<16xf32>
      %mul3A_1249 = arith.mulf %get3A_1241, %add3A_1235 : vector<16xf32>
      %add3A_1250 = arith.addf %mul3A_1248, %mul3A_1249 : vector<16xf32>
      %get3A_1251 = arith.index_cast %scan3A_1183 : i32 to index
      %get3A_1252 = arith.constant 0 : index
      %get3A_1253 = tpu.vector_load %arg15[%get3A_1251, %get3A_1252] {strides = array<i32>} : memref<512x32xf32, #tpu.memory_space<vmem>>, vector<16xf32>,
      %sub3A_1254 = arith.subf %add3A_1250, %get3A_1253 : vector<16xf32>
      %mul3A_1255 = arith.mulf %sub3A_1247, %sub3A_1247 : vector<16xf32>
      %mul3A_1256 = arith.mulf %sub3A_1254, %sub3A_1254 : vector<16xf32>
      %add3A_1257 = arith.addf %mul3A_1255, %mul3A_1256 : vector<16xf32>
      %bitcast_convert_type3A = tpu.bitcast %add3A_1257 : vector<16xf32> -> vector<16xi32>
      %shift_right_arithmetic3A = arith.constant 1 : i32
      %shift_right_arithmetic3A_1258 = vector.broadcast %shift_right_arithmetic3A : i32 to vector<16xi32>
      %shift_right_arithmetic3A_1259 = arith.shrsi %bitcast_convert_type3A, %shift_right_arithmetic3A_1258 : vector<16xi32>
      %sub3A_1260 = arith.constant 1597463007 : i32
      %sub3A_1261 = vector.broadcast %sub3A_1260 : i32 to vector<16xi32>
      %sub3A_1262 = arith.subi %sub3A_1261, %shift_right_arithmetic3A_1259 : vector<16xi32>
      %bitcast_convert_type3A_1263 = tpu.bitcast %sub3A_1262 : vector<16xi32> -> vector<16xf32>
      %mul3A_1264 = arith.constant 5.000000e-01 : f32
      %mul3A_1265 = vector.broadcast %mul3A_1264 : f32 to vector<16xf32>
      %mul3A_1266 = arith.mulf %mul3A_1265, %add3A_1257 : vector<16xf32>
      %mul3A_1267 = arith.mulf %mul3A_1266, %bitcast_convert_type3A_1263 : vector<16xf32>
      %mul3A_1268 = arith.mulf %mul3A_1267, %bitcast_convert_type3A_1263 : vector<16xf32>
      %sub3A_1269 = arith.constant 1.500000e+00 : f32
      %sub3A_1270 = vector.broadcast %sub3A_1269 : f32 to vector<16xf32>
      %sub3A_1271 = arith.subf %sub3A_1270, %mul3A_1268 : vector<16xf32>
      %mul3A_1272 = arith.mulf %bitcast_convert_type3A_1263, %sub3A_1271 : vector<16xf32>
      %mul3A_1273 = arith.constant 5.000000e-01 : f32
      %mul3A_1274 = vector.broadcast %mul3A_1273 : f32 to vector<16xf32>
      %mul3A_1275 = arith.mulf %mul3A_1274, %add3A_1257 : vector<16xf32>
      %mul3A_1276 = arith.mulf %mul3A_1275, %mul3A_1272 : vector<16xf32>
      %mul3A_1277 = arith.mulf %mul3A_1276, %mul3A_1272 : vector<16xf32>
      %sub3A_1278 = arith.constant 1.500000e+00 : f32
      %sub3A_1279 = vector.broadcast %sub3A_1278 : f32 to vector<16xf32>
      %sub3A_1280 = arith.subf %sub3A_1279, %mul3A_1277 : vector<16xf32>
      %mul3A_1281 = arith.mulf %mul3A_1272, %sub3A_1280 : vector<16xf32>
      %mul3A_1282 = arith.constant 5.000000e-01 : f32
      %mul3A_1283 = vector.broadcast %mul3A_1282 : f32 to vector<16xf32>
      %mul3A_1284 = arith.mulf %mul3A_1283, %add3A_1257 : vector<16xf32>
      %mul3A_1285 = arith.mulf %mul3A_1284, %mul3A_1281 : vector<16xf32>
      %mul3A_1286 = arith.mulf %mul3A_1285, %mul3A_1281 : vector<16xf32>
      %sub3A_1287 = arith.constant 1.500000e+00 : f32
      %sub3A_1288 = vector.broadcast %sub3A_1287 : f32 to vector<16xf32>
      %sub3A_1289 = arith.subf %sub3A_1288, %mul3A_1286 : vector<16xf32>
      %mul3A_1290 = arith.mulf %mul3A_1281, %sub3A_1289 : vector<16xf32>
      %mul3A_1291 = arith.mulf %add3A_1257, %mul3A_1290 : vector<16xf32>
      %get3A_1292 = arith.index_cast %scan3A_1183 : i32 to index
      %get3A_1293 = arith.constant 16 : index
      %get3A_1294 = tpu.vector_load %arg13[%get3A_1292, %get3A_1293] {strides = array<i32>} : memref<512x32xf32, #tpu.memory_space<vmem>>, vector<16xf32>,
      %mul3A_1295 = arith.mulf %get3A_1294, %get3A_1294 : vector<16xf32>
      %mul3A_1296 = arith.constant -2.08726654E-8 : f32
      %mul3A_1297 = vector.broadcast %mul3A_1296 : f32 to vector<16xf32>
      %mul3A_1298 = arith.mulf %mul3A_1297, %mul3A_1295 : vector<16xf32>
      %add3A_1299 = arith.constant 2.71279987E-6 : f32
      %add3A_1300 = vector.broadcast %add3A_1299 : f32 to vector<16xf32>
      %add3A_1301 = arith.addf %mul3A_1298, %add3A_1300 : vector<16xf32>
      %mul3A_1302 = arith.mulf %add3A_1301, %mul3A_1295 : vector<16xf32>
      %add3A_1303 = arith.constant -1.98207563E-4 : f32
      %add3A_1304 = vector.broadcast %add3A_1303 : f32 to vector<16xf32>
      %add3A_1305 = arith.addf %mul3A_1302, %add3A_1304 : vector<16xf32>
      %mul3A_1306 = arith.mulf %add3A_1305, %mul3A_1295 : vector<16xf32>
      %add3A_1307 = arith.constant 8.332890e-03 : f32
      %add3A_1308 = vector.broadcast %add3A_1307 : f32 to vector<16xf32>
      %add3A_1309 = arith.addf %mul3A_1306, %add3A_1308 : vector<16xf32>
      %mul3A_1310 = arith.mulf %add3A_1309, %mul3A_1295 : vector<16xf32>
      %add3A_1311 = arith.constant -0.166666314 : f32
      %add3A_1312 = vector.broadcast %add3A_1311 : f32 to vector<16xf32>
      %add3A_1313 = arith.addf %mul3A_1310, %add3A_1312 : vector<16xf32>
      %mul3A_1314 = arith.mulf %add3A_1313, %mul3A_1295 : vector<16xf32>
      %add3A_1315 = arith.constant 0.99999994 : f32
      %add3A_1316 = vector.broadcast %add3A_1315 : f32 to vector<16xf32>
      %add3A_1317 = arith.addf %mul3A_1314, %add3A_1316 : vector<16xf32>
      %mul3A_1318 = arith.mulf %add3A_1317, %get3A_1294 : vector<16xf32>
      %mul3A_1319 = arith.constant 1.73689962E-9 : f32
      %mul3A_1320 = vector.broadcast %mul3A_1319 : f32 to vector<16xf32>
      %mul3A_1321 = arith.mulf %mul3A_1320, %mul3A_1295 : vector<16xf32>
      %add3A_1322 = arith.constant -2.71133388E-7 : f32
      %add3A_1323 = vector.broadcast %add3A_1322 : f32 to vector<16xf32>
      %add3A_1324 = arith.addf %mul3A_1321, %add3A_1323 : vector<16xf32>
      %mul3A_1325 = arith.mulf %add3A_1324, %mul3A_1295 : vector<16xf32>
      %add3A_1326 = arith.constant 2.47734206E-5 : f32
      %add3A_1327 = vector.broadcast %add3A_1326 : f32 to vector<16xf32>
      %add3A_1328 = arith.addf %mul3A_1325, %add3A_1327 : vector<16xf32>
      %mul3A_1329 = arith.mulf %add3A_1328, %mul3A_1295 : vector<16xf32>
      %add3A_1330 = arith.constant -0.00138879707 : f32
      %add3A_1331 = vector.broadcast %add3A_1330 : f32 to vector<16xf32>
      %add3A_1332 = arith.addf %mul3A_1329, %add3A_1331 : vector<16xf32>
      %mul3A_1333 = arith.mulf %add3A_1332, %mul3A_1295 : vector<16xf32>
      %add3A_1334 = arith.constant 0.0416665226 : f32
      %add3A_1335 = vector.broadcast %add3A_1334 : f32 to vector<16xf32>
      %add3A_1336 = arith.addf %mul3A_1333, %add3A_1335 : vector<16xf32>
      %mul3A_1337 = arith.mulf %add3A_1336, %mul3A_1295 : vector<16xf32>
      %add3A_1338 = arith.constant -0.499999911 : f32
      %add3A_1339 = vector.broadcast %add3A_1338 : f32 to vector<16xf32>
      %add3A_1340 = arith.addf %mul3A_1337, %add3A_1339 : vector<16xf32>
      %mul3A_1341 = arith.mulf %add3A_1340, %mul3A_1295 : vector<16xf32>
      %add3A_1342 = arith.constant 1.000000e+00 : f32
      %add3A_1343 = vector.broadcast %add3A_1342 : f32 to vector<16xf32>
      %add3A_1344 = arith.addf %mul3A_1341, %add3A_1343 : vector<16xf32>
      %get3A_1345 = arith.index_cast %scan3A_1183 : i32 to index
      %get3A_1346 = arith.constant 16 : index
      %get3A_1347 = tpu.vector_load %arg11[%get3A_1345, %get3A_1346] {strides = array<i32>} : memref<512x32xf32, #tpu.memory_space<vmem>>, vector<16xf32>,
      %get3A_1348 = arith.index_cast %scan3A_1183 : i32 to index
      %get3A_1349 = arith.constant 16 : index
      %get3A_1350 = tpu.vector_load %arg12[%get3A_1348, %get3A_1349] {strides = array<i32>} : memref<512x32xf32, #tpu.memory_space<vmem>>, vector<16xf32>,
      %mul3A_1351 = arith.mulf %get3A_1347, %add3A_1344 : vector<16xf32>
      %mul3A_1352 = arith.mulf %get3A_1350, %mul3A_1318 : vector<16xf32>
      %sub3A_1353 = arith.subf %mul3A_1351, %mul3A_1352 : vector<16xf32>
      %get3A_1354 = arith.index_cast %scan3A_1183 : i32 to index
      %get3A_1355 = arith.constant 16 : index
      %get3A_1356 = tpu.vector_load %arg14[%get3A_1354, %get3A_1355] {strides = array<i32>} : memref<512x32xf32, #tpu.memory_space<vmem>>, vector<16xf32>,
      %sub3A_1357 = arith.subf %sub3A_1353, %get3A_1356 : vector<16xf32>
      %mul3A_1358 = arith.mulf %get3A_1347, %mul3A_1318 : vector<16xf32>
      %mul3A_1359 = arith.mulf %get3A_1350, %add3A_1344 : vector<16xf32>
      %add3A_1360 = arith.addf %mul3A_1358, %mul3A_1359 : vector<16xf32>
      %get3A_1361 = arith.index_cast %scan3A_1183 : i32 to index
      %get3A_1362 = arith.constant 16 : index
      %get3A_1363 = tpu.vector_load %arg15[%get3A_1361, %get3A_1362] {strides = array<i32>} : memref<512x32xf32, #tpu.memory_space<vmem>>, vector<16xf32>,
      %sub3A_1364 = arith.subf %add3A_1360, %get3A_1363 : vector<16xf32>
      %mul3A_1365 = arith.mulf %sub3A_1357, %sub3A_1357 : vector<16xf32>
      %mul3A_1366 = arith.mulf %sub3A_1364, %sub3A_1364 : vector<16xf32>
      %add3A_1367 = arith.addf %mul3A_1365, %mul3A_1366 : vector<16xf32>
      %bitcast_convert_type3A_1368 = tpu.bitcast %add3A_1367 : vector<16xf32> -> vector<16xi32>
      %shift_right_arithmetic3A_1369 = arith.constant 1 : i32
      %shift_right_arithmetic3A_1370 = vector.broadcast %shift_right_arithmetic3A_1369 : i32 to vector<16xi32>
      %shift_right_arithmetic3A_1371 = arith.shrsi %bitcast_convert_type3A_1368, %shift_right_arithmetic3A_1370 : vector<16xi32>
      %sub3A_1372 = arith.constant 1597463007 : i32
      %sub3A_1373 = vector.broadcast %sub3A_1372 : i32 to vector<16xi32>
      %sub3A_1374 = arith.subi %sub3A_1373, %shift_right_arithmetic3A_1371 : vector<16xi32>
      %bitcast_convert_type3A_1375 = tpu.bitcast %sub3A_1374 : vector<16xi32> -> vector<16xf32>
      %mul3A_1376 = arith.constant 5.000000e-01 : f32
      %mul3A_1377 = vector.broadcast %mul3A_1376 : f32 to vector<16xf32>
      %mul3A_1378 = arith.mulf %mul3A_1377, %add3A_1367 : vector<16xf32>
      %mul3A_1379 = arith.mulf %mul3A_1378, %bitcast_convert_type3A_1375 : vector<16xf32>
      %mul3A_1380 = arith.mulf %mul3A_1379, %bitcast_convert_type3A_1375 : vector<16xf32>
      %sub3A_1381 = arith.constant 1.500000e+00 : f32
      %sub3A_1382 = vector.broadcast %sub3A_1381 : f32 to vector<16xf32>
      %sub3A_1383 = arith.subf %sub3A_1382, %mul3A_1380 : vector<16xf32>
      %mul3A_1384 = arith.mulf %bitcast_convert_type3A_1375, %sub3A_1383 : vector<16xf32>
      %mul3A_1385 = arith.constant 5.000000e-01 : f32
      %mul3A_1386 = vector.broadcast %mul3A_1385 : f32 to vector<16xf32>
      %mul3A_1387 = arith.mulf %mul3A_1386, %add3A_1367 : vector<16xf32>
      %mul3A_1388 = arith.mulf %mul3A_1387, %mul3A_1384 : vector<16xf32>
      %mul3A_1389 = arith.mulf %mul3A_1388, %mul3A_1384 : vector<16xf32>
      %sub3A_1390 = arith.constant 1.500000e+00 : f32
      %sub3A_1391 = vector.broadcast %sub3A_1390 : f32 to vector<16xf32>
      %sub3A_1392 = arith.subf %sub3A_1391, %mul3A_1389 : vector<16xf32>
      %mul3A_1393 = arith.mulf %mul3A_1384, %sub3A_1392 : vector<16xf32>
      %mul3A_1394 = arith.constant 5.000000e-01 : f32
      %mul3A_1395 = vector.broadcast %mul3A_1394 : f32 to vector<16xf32>
      %mul3A_1396 = arith.mulf %mul3A_1395, %add3A_1367 : vector<16xf32>
      %mul3A_1397 = arith.mulf %mul3A_1396, %mul3A_1393 : vector<16xf32>
      %mul3A_1398 = arith.mulf %mul3A_1397, %mul3A_1393 : vector<16xf32>
      %sub3A_1399 = arith.constant 1.500000e+00 : f32
      %sub3A_1400 = vector.broadcast %sub3A_1399 : f32 to vector<16xf32>
      %sub3A_1401 = arith.subf %sub3A_1400, %mul3A_1398 : vector<16xf32>
      %mul3A_1402 = arith.mulf %mul3A_1393, %sub3A_1401 : vector<16xf32>
      %mul3A_1403 = arith.mulf %add3A_1367, %mul3A_1402 : vector<16xf32>
      %add3A_1404 = arith.addf %mul3A_1291, %mul3A_1403 : vector<16xf32>
      %mul3A_1405 = arith.constant 512 : i32
      %mul3A_1406 = vector.broadcast %mul3A_1405 : i32 to vector<16xi32>
      %mul3A_1407 = arith.muli %iota3A, %mul3A_1406 : vector<16xi32>
      %add3A_1408 = vector.broadcast %scan3A_1183 : i32 to vector<16xi32>
      %add3A_1409 = arith.addi %mul3A_1407, %add3A_1408 : vector<16xi32>
      tpu.vector_store_idx %arg16[%add3A_1409], %add3A_1404 : memref<8192xf32, #tpu.memory_space<vmem>>[vector<16xi32>], vector<16xf32>,
    }
    %scan3A_1176 = arith.constant 512 : i32
    %scan3A_1177 = arith.constant 0 : i32
    %scan3A_1178 = arith.constant 0 : i32
    %scan3A_1179 = arith.constant 32 : i32
    %scan3A_1180 = arith.addi %scan3A_1178, %scan3A_1179 : i32
    %scan3A_1181 = arith.constant 1 : i32
    scf.for %scan3A_1183 = %scan3A_1178 to %scan3A_1180 step %scan3A_1181  : i32 {
      %mul3A_1184 = arith.constant 16 : i32
      %mul3A_1185 = arith.muli %scan3A_1183, %mul3A_1184 : i32
      %get3A = arith.index_cast %mul3A_1185 : i32 to index
      %get3A_1186 = tpu.vector_load %arg16[%get3A] {strides = array<i32>} : memref<8192xf32, #tpu.memory_space<vmem>>, vector<16xf32>,
      %mul3A_1187 = arith.constant 16 : i32
      %mul3A_1188 = arith.muli %scan3A_1183, %mul3A_1187 : i32
      %add3A_1189 = arith.constant 512 : i32
      %add3A_1190 = arith.addi %add3A_1189, %mul3A_1188 : i32
      %get3A_1191 = arith.index_cast %add3A_1190 : i32 to index
      %get3A_1192 = tpu.vector_load %arg16[%get3A_1191] {strides = array<i32>} : memref<8192xf32, #tpu.memory_space<vmem>>, vector<16xf32>,
      %add3A_1193 = arith.addf %get3A_1186, %get3A_1192 : vector<16xf32>
      %mul3A_1194 = arith.constant 16 : i32
      %mul3A_1195 = arith.muli %scan3A_1183, %mul3A_1194 : i32
      %add3A_1196 = arith.constant 1024 : i32
      %add3A_1197 = arith.addi %add3A_1196, %mul3A_1195 : i32
      %get3A_1198 = arith.index_cast %add3A_1197 : i32 to index
      %get3A_1199 = tpu.vector_load %arg16[%get3A_1198] {strides = array<i32>} : memref<8192xf32, #tpu.memory_space<vmem>>, vector<16xf32>,
      %add3A_1200 = arith.addf %add3A_1193, %get3A_1199 : vector<16xf32>
      %mul3A_1201 = arith.constant 16 : i32
      %mul3A_1202 = arith.muli %scan3A_1183, %mul3A_1201 : i32
      %add3A_1203 = arith.constant 1536 : i32
      %add3A_1204 = arith.addi %add3A_1203, %mul3A_1202 : i32
      %get3A_1205 = arith.index_cast %add3A_1204 : i32 to index
      %get3A_1206 = tpu.vector_load %arg16[%get3A_1205] {strides = array<i32>} : memref<8192xf32, #tpu.memory_space<vmem>>, vector<16xf32>,
      %add3A_1207 = arith.addf %add3A_1200, %get3A_1206 : vector<16xf32>
      %mul3A_1208 = arith.constant 16 : i32
      %mul3A_1209 = arith.muli %scan3A_1183, %mul3A_1208 : i32
      %add3A_1210 = arith.constant 2048 : i32
      %add3A_1211 = arith.addi %add3A_1210, %mul3A_1209 : i32
      %get3A_1212 = arith.index_cast %add3A_1211 : i32 to index
      %get3A_1213 = tpu.vector_load %arg16[%get3A_1212] {strides = array<i32>} : memref<8192xf32, #tpu.memory_space<vmem>>, vector<16xf32>,
      %add3A_1214 = arith.addf %add3A_1207, %get3A_1213 : vector<16xf32>
      %mul3A_1215 = arith.constant 16 : i32
      %mul3A_1216 = arith.muli %scan3A_1183, %mul3A_1215 : i32
      %add3A_1217 = arith.constant 2560 : i32
      %add3A_1218 = arith.addi %add3A_1217, %mul3A_1216 : i32
      %get3A_1219 = arith.index_cast %add3A_1218 : i32 to index
      %get3A_1220 = tpu.vector_load %arg16[%get3A_1219] {strides = array<i32>} : memref<8192xf32, #tpu.memory_space<vmem>>, vector<16xf32>,
      %add3A_1221 = arith.addf %add3A_1214, %get3A_1220 : vector<16xf32>
      %mul3A_1222 = arith.constant 16 : i32
      %mul3A_1223 = arith.muli %scan3A_1183, %mul3A_1222 : i32
      %add3A_1224 = arith.constant 3072 : i32
      %add3A_1225 = arith.addi %add3A_1224, %mul3A_1223 : i32
      %get3A_1226 = arith.index_cast %add3A_1225 : i32 to index
      %get3A_1227 = tpu.vector_load %arg16[%get3A_1226] {strides = array<i32>} : memref<8192xf32, #tpu.memory_space<vmem>>, vector<16xf32>,
      %add3A_1228 = arith.addf %add3A_1221, %get3A_1227 : vector<16xf32>
      %mul3A_1229 = arith.constant 16 : i32
      %mul3A_1230 = arith.muli %scan3A_1183, %mul3A_1229 : i32
      %add3A_1231 = arith.constant 3584 : i32
      %add3A_1232 = arith.addi %add3A_1231, %mul3A_1230 : i32
      %get3A_1233 = arith.index_cast %add3A_1232 : i32 to index
      %get3A_1234 = tpu.vector_load %arg16[%get3A_1233] {strides = array<i32>} : memref<8192xf32, #tpu.memory_space<vmem>>, vector<16xf32>,
      %add3A_1235 = arith.addf %add3A_1228, %get3A_1234 : vector<16xf32>
      %mul3A_1236 = arith.constant 16 : i32
      %mul3A_1237 = arith.muli %scan3A_1183, %mul3A_1236 : i32
      %add3A_1238 = arith.constant 4096 : i32
      %add3A_1239 = arith.addi %add3A_1238, %mul3A_1237 : i32
      %get3A_1240 = arith.index_cast %add3A_1239 : i32 to index
      %get3A_1241 = tpu.vector_load %arg16[%get3A_1240] {strides = array<i32>} : memref<8192xf32, #tpu.memory_space<vmem>>, vector<16xf32>,
      %add3A_1242 = arith.addf %add3A_1235, %get3A_1241 : vector<16xf32>
      %mul3A_1243 = arith.constant 16 : i32
      %mul3A_1244 = arith.muli %scan3A_1183, %mul3A_1243 : i32
      %add3A_1245 = arith.constant 4608 : i32
      %add3A_1246 = arith.addi %add3A_1245, %mul3A_1244 : i32
      %get3A_1247 = arith.index_cast %add3A_1246 : i32 to index
      %get3A_1248 = tpu.vector_load %arg16[%get3A_1247] {strides = array<i32>} : memref<8192xf32, #tpu.memory_space<vmem>>, vector<16xf32>,
      %add3A_1249 = arith.addf %add3A_1242, %get3A_1248 : vector<16xf32>
      %mul3A_1250 = arith.constant 16 : i32
      %mul3A_1251 = arith.muli %scan3A_1183, %mul3A_1250 : i32
      %add3A_1252 = arith.constant 5120 : i32
      %add3A_1253 = arith.addi %add3A_1252, %mul3A_1251 : i32
      %get3A_1254 = arith.index_cast %add3A_1253 : i32 to index
      %get3A_1255 = tpu.vector_load %arg16[%get3A_1254] {strides = array<i32>} : memref<8192xf32, #tpu.memory_space<vmem>>, vector<16xf32>,
      %add3A_1256 = arith.addf %add3A_1249, %get3A_1255 : vector<16xf32>
      %mul3A_1257 = arith.constant 16 : i32
      %mul3A_1258 = arith.muli %scan3A_1183, %mul3A_1257 : i32
      %add3A_1259 = arith.constant 5632 : i32
      %add3A_1260 = arith.addi %add3A_1259, %mul3A_1258 : i32
      %get3A_1261 = arith.index_cast %add3A_1260 : i32 to index
      %get3A_1262 = tpu.vector_load %arg16[%get3A_1261] {strides = array<i32>} : memref<8192xf32, #tpu.memory_space<vmem>>, vector<16xf32>,
      %add3A_1263 = arith.addf %add3A_1256, %get3A_1262 : vector<16xf32>
      %mul3A_1264 = arith.constant 16 : i32
      %mul3A_1265 = arith.muli %scan3A_1183, %mul3A_1264 : i32
      %add3A_1266 = arith.constant 6144 : i32
      %add3A_1267 = arith.addi %add3A_1266, %mul3A_1265 : i32
      %get3A_1268 = arith.index_cast %add3A_1267 : i32 to index
      %get3A_1269 = tpu.vector_load %arg16[%get3A_1268] {strides = array<i32>} : memref<8192xf32, #tpu.memory_space<vmem>>, vector<16xf32>,
      %add3A_1270 = arith.addf %add3A_1263, %get3A_1269 : vector<16xf32>
      %mul3A_1271 = arith.constant 16 : i32
      %mul3A_1272 = arith.muli %scan3A_1183, %mul3A_1271 : i32
      %add3A_1273 = arith.constant 6656 : i32
      %add3A_1274 = arith.addi %add3A_1273, %mul3A_1272 : i32
      %get3A_1275 = arith.index_cast %add3A_1274 : i32 to index
      %get3A_1276 = tpu.vector_load %arg16[%get3A_1275] {strides = array<i32>} : memref<8192xf32, #tpu.memory_space<vmem>>, vector<16xf32>,
      %add3A_1277 = arith.addf %add3A_1270, %get3A_1276 : vector<16xf32>
      %mul3A_1278 = arith.constant 16 : i32
      %mul3A_1279 = arith.muli %scan3A_1183, %mul3A_1278 : i32
      %add3A_1280 = arith.constant 7168 : i32
      %add3A_1281 = arith.addi %add3A_1280, %mul3A_1279 : i32
      %get3A_1282 = arith.index_cast %add3A_1281 : i32 to index
      %get3A_1283 = tpu.vector_load %arg16[%get3A_1282] {strides = array<i32>} : memref<8192xf32, #tpu.memory_space<vmem>>, vector<16xf32>,
      %add3A_1284 = arith.addf %add3A_1277, %get3A_1283 : vector<16xf32>
      %mul3A_1285 = arith.constant 16 : i32
      %mul3A_1286 = arith.muli %scan3A_1183, %mul3A_1285 : i32
      %add3A_1287 = arith.constant 7680 : i32
      %add3A_1288 = arith.addi %add3A_1287, %mul3A_1286 : i32
      %get3A_1289 = arith.index_cast %add3A_1288 : i32 to index
      %get3A_1290 = tpu.vector_load %arg16[%get3A_1289] {strides = array<i32>} : memref<8192xf32, #tpu.memory_space<vmem>>, vector<16xf32>,
      %add3A_1291 = arith.addf %add3A_1284, %get3A_1290 : vector<16xf32>
      %sub3A = arith.constant 1.200000e+01 : f32
      %sub3A_1292 = vector.broadcast %sub3A : f32 to vector<16xf32>
      %sub3A_1293 = arith.subf %add3A_1291, %sub3A_1292 : vector<16xf32>
      %mul3A_1294 = arith.constant 16 : i32
      %mul3A_1295 = arith.muli %scan3A_1183, %mul3A_1294 : i32
      %swap3A_1296 = arith.index_cast %mul3A_1295 : i32 to index
      %swap3A_1297 = tpu.vector_load %arg17[%swap3A_1296] {strides = array<i32>} : memref<512xf32, #tpu.memory_space<vmem>>, vector<16xf32>,
      tpu.vector_store %arg17[%swap3A_1296], %sub3A_1293 {strides = array<i32>} : memref<512xf32, #tpu.memory_space<vmem>>, vector<16xf32>,
    }
    %scan3A_1182 = arith.constant 32 : i32
    "tpu.region"() ({
      %run_scoped3A = tpu.sem_alloc : memref<!tpu.dma_semaphore, #tpu.memory_space<semaphore_mem>>
      %dma_start3A_1183 = tpu.memref_slice %arg6[%mul3A_2] : memref<16384xf32, #tpu.memory_space<hbm>> -> memref<512xf32, #tpu.memory_space<hbm>>
      %dma_start3A_1184 = tpu.memref_slice %arg6[%mul3A_2] : memref<16384xf32, #tpu.memory_space<hbm>> -> memref<512xf32, #tpu.memory_space<hbm>>
      tpu.enqueue_dma source(%arg17 : memref<512xf32, #tpu.memory_space<vmem>>) target(%dma_start3A_1184 : memref<512xf32, #tpu.memory_space<hbm>>) target_semaphore(%run_scoped3A : memref<!tpu.dma_semaphore, #tpu.memory_space<semaphore_mem>>)
      %dma_wait3A_1185 = tpu.memref_slice %arg6[%mul3A_2] : memref<16384xf32, #tpu.memory_space<hbm>> -> memref<512xf32, #tpu.memory_space<hbm>>
      %dma_wait3A_1186 = tpu.memref_slice %arg6[%mul3A_2] : memref<16384xf32, #tpu.memory_space<hbm>> -> memref<512xf32, #tpu.memory_space<hbm>>
      tpu.wait_dma2 semaphore(%run_scoped3A : memref<!tpu.dma_semaphore, #tpu.memory_space<semaphore_mem>>) src(%arg17 : memref<512xf32, #tpu.memory_space<vmem>>) dst(%dma_wait3A_1186 : memref<512xf32, #tpu.memory_space<hbm>>)
      tpu.yield
    }) : () -> ()
    return
  }
}

</mosaic_0001>

<sc_bundles>
// kernel: kernel.3.cloned.1.call-start
scs
__scs_entry_jumppad:
0x0: {  	(pc) =	sbr.rel $0x88, $3  }
0x1: {  	(tag) =	ssettag $0x0;
	lr =	simm.s32 $0x1  }
0x2: {  	[smem:$0x3F9D] =	sst lr;
	_ =	strace $0xD0000000  }
0x3: {  	_ = 	snop  }
0x4: {  	_ = 	snop  }
0x5: {  	_ = 	snop  }
0x6: {  	_ = 	snop  }
0x7: {  	_ = 	snop  }
__scs_overlays_trampoline_lowered:
0x8: {  	[smem:$0x3FAC] =	sst s0  }
0x9: {  	[smem:$0x3FAD] =	sst s1  }
0xa: {  	[smem:$0x3FAE] =	sst s2  }
0xb: {  	[smem:$0x3FAF] =	sst s3  }
0xc: {  	[smem:$0x3FB0] =	sst s4  }
0xd: {  	[smem:$0x3FB1] =	sst s5  }
0xe: {  	[smem:$0x3FB2] =	sst s6  }
0xf: {  	[smem:$0x3FB3] =	sst s7  }
0x10: {  	[smem:$0x3FB4] =	sst s8  }
0x11: {  	[smem:$0x3FB5] =	sst s9;
	s0 =	simm.s32 @!p0 $0x0  }
0x12: {  	s1 =	sld [smem:$0x3F9B];
	s0 =	simm.s32 @p0 $0x1  }
0x13: {  	[smem:$0x3FB6] =	sst s0;
	s0 =	simm.s32 @!p1 $0x0  }
0x14: {  	s2 =	sld [smem:$0x3F9A];
	s0 =	simm.s32 @p1 $0x1  }
0x15: {  	[smem:$0x3FB7] =	sst s0;
	s0 =	simm.s32 @!p2 $0x0  }
0x16: {  	s3 =	sld [smem:$0x3FDB];
	s0 =	simm.s32 @p2 $0x1  }
0x17: {  	s4 =	simm.s32 $0x1BF5;
	[smem:$0x3FB9] =	sst s0  }
0x18: {  	s0 =	sld [smem:$0x3F9C];
	_ =	swait.ge [sflag:s4], $0x0  }
0x19: {  	s7 =	sld [smem:$0x3F9D]  }
0x1a: {  	s8 =	sadd.s32 $0xFFFFE003, lr  }
0x1b: {  	s9 =	sadd.s32 $0xFFFFFEF7, lr;
	s5 =	simm.s32 $0xFFFFFFFF;
	p2 =	slt.u32 s8, $0xFFFFF086  }
0x1c: {  	p1 =	slt.u32 s9, $0xF7A;
	s5 =	simm.s32 @!p2 $0x0  }
0x1d: {  	s5 =	simm.s32 @p1 $0x1;
	p0 =	seq.s32 s7, s2  }
0x1e: {  	s7 =	smul.u32 @!p0 $0xF7A, s2;
	p2 =	seq.s32 @!p0 s5, $0x0  }
0x1f: {  	s9 =	smul.u32 $0xF7A, s1;
	s8 =	simm.s32 @!p0 $0x1BF5;
	p2 =	por !p2, p0  }
0x20: {  	[sflag:s8] =	ssyncset.s32 @!p0 $0xFFFFF086;
	s6 =	sadd.s32 @!p0 s3, s7;
	s7 =	simm.s32 @!p0 $0x108  }
0x21: {  	s3 =	sadd.s32 s3, s9;
	s6 =	sadd.s32 @!p0 $0x88, s6;
	s7 =	simm.s32 @p2 $0x1082  }
0x22: {  	[simem:s7], [sflag:s8] =	dma.local @!p0 [hbm:s6], $0xF7A  }
0x23: {  	s9 =	sor.u32 $0xD0000000, s2;
	s6 =	simm.s32 $0x108;
	_ =	swait.ge @!p0 [sflag:s8], $0x0  }
0x24: {  	s3 =	sadd.s32 $0x88, s3;
	s6 =	simm.s32 @!p1 $0x1082;
	[sflag:s4] =	ssyncset.s32 $0xFFFFF086  }
0x25: {  	[simem:s6], [sflag:s4] =	dma.local [hbm:s3], $0xF7A  }
0x26: {  	[smem:$0x3F9D] =	sst s1;
	(tag) =	ssettag s2;
	_ =	strace s9  }
0x27: {  	s1 =	sld [smem:$0x3FAD]  }
0x28: {  	s2 =	sld [smem:$0x3FAE]  }
0x29: {  	s4 =	sld [smem:$0x3FB0]  }
0x2a: {  	p0 =	seq.s32 s5, $0x0;
	s5 =	sld [smem:$0x3FB1]  }
0x2b: {  	s6 =	sld [smem:$0x3FB2]  }
0x2c: {  	s7 =	sld [smem:$0x3FB3]  }
0x2d: {  	s3 =	simm.s32 $0x108;
	s8 =	sld [smem:$0x3FB4]  }
0x2e: {  	s3 =	simm.s32 @!p0 $0x1082;
	s9 =	sld [smem:$0x3FB5]  }
0x2f: {  	lr =	sadd.s32 s0, s3;
	s0 =	sld [smem:$0x3FAC]  }
0x30: {  	s3 =	sld [smem:$0x3FAF]  }
0x31: {  	[smem:$0x3FB8] =	sst s10  }
0x32: {  	s10 =	sld [smem:$0x3FB6];
	_ =	sdelay $0x3  }
0x33: {  	p0 =	seq.s32 s10, $0x1;
	s10 =	sld [smem:$0x3FB8];
	_ =	sdelay $0x3  }
0x34: {  	[smem:$0x3FB8] =	sst s10  }
0x35: {  	s10 =	sld [smem:$0x3FB7];
	_ =	sdelay $0x3  }
0x36: {  	p1 =	seq.s32 s10, $0x1;
	s10 =	sld [smem:$0x3FB8];
	_ =	sdelay $0x3  }
0x37: {  	[smem:$0x3FB8] =	sst s10  }
0x38: {  	s10 =	sld [smem:$0x3FB9]  }
0x39: {  	_ = 	snop;
	(pc) =	sbr.ind lr, $3  }
0x3a: {  	_ = 	snop  }
0x3b: {  	_ = 	snop  }
0x3c: {  	p2 =	seq.s32 s10, $0x1;
	s10 =	sld [smem:$0x3FB8]  }
0x3d: {  	_ =	shalt  }
0x3e: {  	_ =	shalt  }
0x3f: {  	_ =	shalt  }
0x40: {  	_ =	shalt  }
0x41: {  	_ =	shalt  }
0x42: {  	_ =	shalt  }
0x43: {  	_ =	shalt  }
0x44: {  	_ =	shalt  }
0x45: {  	_ =	shalt  }
0x46: {  	_ =	shalt  }
0x47: {  	_ =	shalt  }
0x48: {  	_ =	shalt  }
0x49: {  	_ =	shalt  }
0x4a: {  	_ =	shalt  }
0x4b: {  	_ =	shalt  }
0x4c: {  	_ =	shalt  }
0x4d: {  	_ =	shalt  }
0x4e: {  	_ =	shalt  }
0x4f: {  	_ =	shalt  }
0x50: {  	_ =	shalt  }
0x51: {  	_ =	shalt  }
0x52: {  	_ =	shalt  }
0x53: {  	_ =	shalt  }
0x54: {  	_ =	shalt  }
0x55: {  	_ =	shalt  }
0x56: {  	_ =	shalt  }
0x57: {  	_ =	shalt  }
0x58: {  	_ =	shalt  }
0x59: {  	_ =	shalt  }
0x5a: {  	_ =	shalt  }
0x5b: {  	_ =	shalt  }
0x5c: {  	_ =	shalt  }
0x5d: {  	_ =	shalt  }
0x5e: {  	_ =	shalt  }
0x5f: {  	_ =	shalt  }
0x60: {  	_ =	shalt  }
0x61: {  	_ =	shalt  }
0x62: {  	_ =	shalt  }
0x63: {  	_ =	shalt  }
0x64: {  	_ =	shalt  }
0x65: {  	_ =	shalt  }
0x66: {  	_ =	shalt  }
0x67: {  	_ =	shalt  }
0x68: {  	_ =	shalt  }
0x69: {  	_ =	shalt  }
0x6a: {  	_ =	shalt  }
0x6b: {  	_ =	shalt  }
0x6c: {  	_ =	shalt  }
0x6d: {  	_ =	shalt  }
0x6e: {  	_ =	shalt  }
0x6f: {  	_ =	shalt  }
0x70: {  	_ =	shalt  }
0x71: {  	_ =	shalt  }
0x72: {  	_ =	shalt  }
0x73: {  	_ =	shalt  }
0x74: {  	_ =	shalt  }
0x75: {  	_ =	shalt  }
0x76: {  	_ =	shalt  }
0x77: {  	_ =	shalt  }
0x78: {  	_ =	shalt  }
0x79: {  	_ =	shalt  }
0x7a: {  	_ =	shalt  }
0x7b: {  	_ =	shalt  }
0x7c: {  	_ =	shalt  }
0x7d: {  	_ =	shalt  }
0x7e: {  	_ =	shalt  }
0x7f: {  	_ =	shalt  }
0x80: {  	_ =	shalt  }
0x81: {  	_ =	shalt  }
0x82: {  	_ =	shalt  }
0x83: {  	_ =	shalt  }
0x84: {  	_ =	shalt  }
0x85: {  	_ =	shalt  }
0x86: {  	_ =	shalt  }
0x87: {  	_ =	shalt  }
.Lfunc_end0:
.L_simem_size_0:
called_computation_lowered:
.L_overlay_start_0:
0x88: {  	s2 =	sld [smem:$0x3FD9]  }
0x89: {  	s3 =	sld [smem:$0x3FFE];
	_ =	sdelay $0x1  }
0x8a: {  	s1 =	srdreg.scid  }
0x8b: {  	s0 =	sand.u32 $0x1, s1  }
0x8c: {  	s17 =	sshll.u32 s0, $0xA;
	s2 =	sadd.s32 s3, s2  }
0x8d: {  	s2 =	sadd.s32 s2, s17  }
0x8e: {  	[smem:$0x3FC4] =	sst s2  }
0x8f: {  	_ = 	snop  }
0x90: {  	s2 =	sld [smem:$0x3FD0];
	(tm) =	ssettm $0x1  }
0x91: {  	s18 =	sld [smem:$0x3FFB];
	_ =	sdelay $0x3  }
0x92: {  	_ =	strace s18  }
0x93: {  	s3 =	sld [smem:$0x3FFC];
	_ =	sdelay $0x3  }
0x94: {  	_ =	strace s3  }
0x95: {  	s3 =	sld [smem:$0x3FFD];
	_ =	sdelay $0x3  }
0x96: {  	_ =	strace s3  }
0x97: {  	_ =	strace $0x8FFFFFFF  }
0x98: {  	s19 =	sld [smem:$0x3FDB];
	_ =	sdelay $0x1  }
0x99: {  	s4 =	simm.s32 $_scs_section_size  }
0x9a: {  	s5 =	simm.s32 $_size__tile_overlayer_lowered;
	s6 =	simm.s32 $_tile_overlayer_lowered  }
0x9b: {  	s22 =	simm.s32 $0x1BFF;
	s21 =	sshll.u32 s6, $0x1;
	s3 =	sadd.s32 s4, s19  }
0x9c: {  	s7 =	simm.s32 $0x0;
	s20 =	sshll.u32 s5, $0x1;
	s5 =	sadd.s32 s21, s3  }
0x9d: {  	[timem:s7], [sflag:s22] =	dma.local [hbm:s5], s20  }
0x9e: {  	_ =	swait.ge [sflag:s22], s20  }
0x9f: {  	s4 =	ssub.s32 $0x0, s20;
	[sflag:s22] =	ssyncset.done $0x0  }
0xa0: {  	[sflag:s22] =	ssyncadd.s32 s4;
	_ =	sdelay $0x1  }
0xa1: {  	s23 =	simm.s32 $0x1B8B  }
0xa2: {  	_ =	swait.ge [sflag:s23], $0x1  }
0xa3: {  	[sflag:s23] =	ssyncset.done $0x0  }
0xa4: {  	s25 =	simm.s32 $0x1B8E;
	s24 =	sld [smem:$0x3FFE];
	[sflag:s23] =	ssyncadd.s32 $0xFFFFFFFF  }
0xa5: {  	s26 =	simm.s32 $execute0_lowered;
	[smem:$0x3FD2] =	sst s25  }
0xa6: {  	s5 =	sshll.u32 s26, $0x1;
	_ =	strace $0x80000046;
	[dreg:$0x1] =	wrdreg $0xFFFFFFFF  }
0xa7: {  	s28 =	simm.s32 $_size_execute0_lowered;
	s3 =	sadd.s32 s3, s5;
	[dreg:$0x0] =	wrdreg $0x0  }
0xa8: {  	s5 =	sshll.u32 s28, $0x1;
	[dreg:$0x2] =	wrdreg s3  }
0xa9: {  	[dreg:$0x3] =	wrdreg s5  }
0xaa: {  	[dreg:$0x4] =	wrdreg $0xC0  }
0xab: {  	_ =	task [dreg:s7], $0x5FFFF  }
0xac: {  	[dreg:$0x1] =	wrdreg $0xFFFFFFFF  }
0xad: {  	[dreg:$0x0] =	wrdreg $0x60  }
0xae: {  	[dreg:$0x2] =	wrdreg s24  }
0xaf: {  	[dreg:$0x3] =	wrdreg s2  }
0xb0: {  	[dreg:$0x4] =	wrdreg $0x9  }
0xb1: {  	_ =	task.clear_ibuf [dreg:s7], $0x5FFFF;
	_ =	strace $0x90000046  }
0xb2: {  	s29 =	simm.s32 $0x9;
	_ =	strace $0x80000048  }
0xb3: {  	_ =	swait.ge [sflag:s29], $0x1  }
0xb4: {  	[sflag:s29] =	ssyncadd.s32 $0xFFFFFFFF  }
0xb5: {  	_ =	strace $0x90000048  }
0xb6: {  	_ =	sfence  }
0xb7: {  	s30 =	sld [smem:$0x0];
	_ =	sdelay $0x2  }
0xb8: {  	s31 =	sshll.u32 s1, $0xD;
	s1 =	sshrl.u32 s1, $0x2  }
0xb9: {  	s3 =	sand.u32 $0x4000, s31;
	s1 =	sadd.s32 s1, s30  }
0xba: {  	s0 =	sor.u32 s3, s0;
	s1 =	sshll.u32 s1, $0x11  }
0xbb: {  	s0 =	sor.u32 s1, s0  }
0xbc: {  	s0 =	sadd.s32 $0x8F2B, s0  }
0xbd: {  	[sflag:s0] =	ssyncadd.remote.s32 $0x1  }
0xbe: {  	_ =	sfence.sel $0xFFFF  }
0xbf: {  	[dreg:$0x0] =	wrdreg $0xFFFFFFFF;
	(pc) =	sbr.abs _section_cstart, $3  }
0xc0: {  	[dreg:$0x1] =	wrdreg $0xFFFFFFFF  }
0xc1: {  	_ =	task.clear_ibuf [dreg:s7], $0x2FFFF;
	_ =	strace $0x9FFFFFFF  }
0xc2: {  	(tm) =	ssettm $0x7FFFFFFF  }
0xc3: {  	_ =	shalt  }
tec
execute0_lowered:
.L_overlay_start_1:
0x0: {  	(tag) =	ssettag $0x1  }
0x1: {  	v0 =	vlaneseq.u32  }
0x2: {  	v1 =	vmul.u32 $0x8, v0;
	_ =	sdelay $0x1  }
0x3: {  	v2 =	vor.u32 $0x80, v1;
	v19 =	vor.u32 $0x900, v1;
	v20 =	vor.u32 $0x980, v1  }
0x4: {  	v21 =	vor.u32 $0xA00, v1;
	v22 =	vor.u32 $0xA80, v1;
	v23 =	vor.u32 $0xB00, v1  }
0x5: {  	v24 =	vor.u32 $0xB80, v1;
	v25 =	vor.u32 $0xC00, v1;
	v26 =	vor.u32 $0xC80, v1  }
0x6: {  	v27 =	vor.u32 $0xD00, v1;
	v28 =	vor.u32 $0xD80, v1;
	v29 =	vor.u32 $0xE00, v1  }
0x7: {  	v30 =	vor.u32 $0xE80, v1;
	v31 =	vor.u32 $0xF00, v1;
	[tilespmem:$0x1FEF0] =	vst v2;
	v2 =	vor.u32 $0x100, v1  }
0x8: {  	v32 =	vor.u32 $0xF80, v1;
	v33 =	vor.u32 $0x1, v1;
	[tilespmem:$0x1FF00] =	vst v2;
	v2 =	vor.u32 $0x180, v1  }
0x9: {  	v34 =	vor.u32 $0x81, v1;
	v35 =	vor.u32 $0x101, v1;
	[tilespmem:$0x1FF10] =	vst v2;
	v2 =	vor.u32 $0x200, v1  }
0xa: {  	s11 =	simm.s32 $0x1000;
	v36 =	vor.u32 $0x181, v1;
	v37 =	vor.u32 $0x201, v1;
	[tilespmem:$0x1FF20] =	vst v2;
	v2 =	vor.u32 $0x280, v1  }
0xb: {  	s16 =	simm.s32 $0x1400;
	s19 =	simm.s32 $0x1080;
	v38 =	vor.u32 $0x281, v1;
	v39 =	vor.u32 $0x301, v1;
	[tilespmem:$0x1FF30] =	vst v2;
	v2 =	vor.u32 $0x300, v1  }
0xc: {  	s0 =	rddreg [dreg:$0x0];
	s24 =	simm.s32 $0x1480;
	s28 =	simm.s32 $0x1100;
	v40 =	vor.u32 $0x381, v1;
	v41 =	vor.u32 $0x401, v1;
	[tilespmem:$0x1FF40] =	vst v2;
	v2 =	vor.u32 $0x380, v1  }
0xd: {  	s1 =	rddreg [dreg:$0x1];
	s14 =	simm.s32 $0x1180;
	s21 =	simm.s32 $0x1580;
	v42 =	vor.u32 $0x481, v1;
	v43 =	vor.u32 $0x501, v1;
	[tilespmem:$0x1FF50] =	vst v2;
	v2 =	vor.u32 $0x400, v1  }
0xe: {  	s2 =	simm.s32 $0x0;
	s22 =	simm.s32 $0x10600;
	s23 =	simm.s32 $0x14600;
	v44 =	vor.u32 $0x581, v1;
	v45 =	vor.u32 $0x601, v1;
	[tilespmem:$0x1FF60] =	vst v2;
	v2 =	vor.u32 $0x480, v1  }
0xf: {  	s29 =	simm.s32 $0x17600;
	[smem:$0x7FF] =	sst s2;
	v46 =	vor.u32 $0x681, v1;
	v47 =	vor.u32 $0x701, v1;
	[tilespmem:$0x1FF70] =	vst v2;
	v2 =	vor.u32 $0x500, v1  }
0x10: {  	s3 =	srdreg.scid;
	s4 =	stileid.u32;
	v48 =	vor.u32 $0x781, v1;
	v49 =	vor.u32 $0x801, v1;
	_ =	strace $0x80000047;
	[tilespmem:$0x1FF80] =	vst v2;
	v2 =	vor.u32 $0x580, v1  }
0x11: {  	s10 =	simm.s32 $0x80;
	s5 =	sand.u32 $0x1, s3;
	s3 =	sadd.s32 $0x16E3E00, s0;
	v50 =	vor.u32 $0x881, v1;
	v51 =	vor.u32 $0x901, v1;
	[tilespmem:$0x1FF90] =	vst v2;
	v2 =	vor.u32 $0x600, v1  }
0x12: {  	s30 =	simm.s32 $0x0;
	s25 =	sshll.u32 s4, $0x1;
	s4 =	sadd.s32 $0x1313400, s0;
	v52 =	vor.u32 $0x981, v1;
	v53 =	vor.u32 $0xA01, v1;
	[tilespmem:$0x1FFA0] =	vst v2;
	v2 =	vor.u32 $0x680, v1  }
0x13: {  	s6 =	sor.u32 s5, s25;
	s8 =	ssub.s32 $0x2, s5;
	s5 =	sadd.s32 $0xF42A00, s0;
	v54 =	vor.u32 $0xA81, v1;
	v55 =	vor.u32 $0xB01, v1;
	[tilespmem:$0x1FFB0] =	vst v2;
	v2 =	vor.u32 $0x700, v1  }
0x14: {  	s25 =	simm.s32 $0x1;
	s26 =	sshll.u32 s6, $0x9;
	s31 =	sshrl.u32 s8, $0x1;
	v56 =	vor.u32 $0xB81, v1;
	v57 =	vor.u32 $0xC01, v1;
	[tilespmem:$0x1FFC0] =	vst v2;
	v2 =	vor.u32 $0x780, v1  }
0x15: {  	s9 =	sshll.u32 s6, $0x6;
	v58 =	vor.u32 $0xC81, v1;
	v59 =	vor.u32 $0xD01, v1;
	s7 =	sadd.s32 s26, s0;
	s0 =	ssub.s32 s8, s31;
	[tilespmem:$0x1FFD0] =	vst v2;
	v2 =	vor.u32 $0x800, v1  }
0x16: {  	v60 =	vor.u32 $0xD81, v1;
	v61 =	vor.u32 $0xE01, v1;
	s26 =	simm.s32 $0x15600;
	s6 =	sadd.s32 $0x600, s7;
	s7 =	sadd.s32 s1, s9;
	[tilespmem:$0x1FFE0] =	vst v2;
	v2 =	vor.u32 $0x880, v1  }
0x17: {  	v62 =	vor.u32 $0xE81, v1;
	v63 =	vor.u32 $0xF01, v1;
	s8 =	smax.u32 s0, $0x1;
	s9 =	simm.s32 $0x2;
	s1 =	simm.s32 $0x1500;
	[tilespmem:$0x1FFF0] =	vst v2;
	v2 =	vor.u32 $0xF81, v1  }
.LBB2_1:
0x18: {  	[tilespmem:s2], [sflag:$0x2] =	stream.linear.gather [hbm4b:s6+s2], $0x1000, $0x38;
	[tilespmem:$0x17800] =	vst v63  }
0x19: {  	_ =	swait.ge [sflag:s9], $0x1000  }
0x1a: {  	[sflag:s9] =	ssyncset.done $0x0  }
0x1b: {  	[sflag:s9] =	ssyncadd.s32 $0xFFFFF000  }
0x1c: {  	v3 =	vld.idx.msk [tilespmem:v1+s2+$0x0], $0xffff;
	_ =	sdelay $0x4  }
0x1d: {  	[tilespmem:$0x1000] =	vst v3;
	v3 =	vld [tilespmem:$0x1FEF0];
	_ =	sdelay $0x7  }
0x1e: {  	v3 =	vld.idx.msk [tilespmem:v3+s2+$0x0], $0xffff;
	_ =	sdelay $0x4  }
0x1f: {  	[tilespmem:$0x1010] =	vst v3;
	v3 =	vld [tilespmem:$0x1FF00];
	_ =	sdelay $0x7  }
0x20: {  	v3 =	vld.idx.msk [tilespmem:v3+s2+$0x0], $0xffff;
	_ =	sdelay $0x4  }
0x21: {  	[tilespmem:$0x1020] =	vst v3;
	v3 =	vld [tilespmem:$0x1FF10];
	_ =	sdelay $0x7  }
0x22: {  	v3 =	vld.idx.msk [tilespmem:v3+s2+$0x0], $0xffff;
	_ =	sdelay $0x4  }
0x23: {  	[tilespmem:$0x1030] =	vst v3;
	v3 =	vld [tilespmem:$0x1FF20];
	_ =	sdelay $0x7  }
0x24: {  	v3 =	vld.idx.msk [tilespmem:v3+s2+$0x0], $0xffff;
	_ =	sdelay $0x4  }
0x25: {  	[tilespmem:$0x1040] =	vst v3;
	v3 =	vld [tilespmem:$0x1FF30];
	_ =	sdelay $0x7  }
0x26: {  	v3 =	vld.idx.msk [tilespmem:v3+s2+$0x0], $0xffff;
	_ =	sdelay $0x4  }
0x27: {  	[tilespmem:$0x1050] =	vst v3;
	v3 =	vld [tilespmem:$0x1FF40];
	_ =	sdelay $0x7  }
0x28: {  	v3 =	vld.idx.msk [tilespmem:v3+s2+$0x0], $0xffff;
	_ =	sdelay $0x4  }
0x29: {  	[tilespmem:$0x1060] =	vst v3;
	v3 =	vld [tilespmem:$0x1FF50];
	_ =	sdelay $0x7  }
0x2a: {  	v3 =	vld.idx.msk [tilespmem:v3+s2+$0x0], $0xffff;
	_ =	sdelay $0x4  }
0x2b: {  	[tilespmem:$0x1070] =	vst v3;
	v3 =	vld [tilespmem:$0x1FF60];
	_ =	sdelay $0x7  }
0x2c: {  	v3 =	vld.idx.msk [tilespmem:v3+s2+$0x0], $0xffff;
	_ =	sdelay $0x4  }
0x2d: {  	[tilespmem:$0x1080] =	vst v3;
	v3 =	vld [tilespmem:$0x1FF70];
	_ =	sdelay $0x7  }
0x2e: {  	v3 =	vld.idx.msk [tilespmem:v3+s2+$0x0], $0xffff;
	_ =	sdelay $0x4  }
0x2f: {  	[tilespmem:$0x1090] =	vst v3;
	v3 =	vld [tilespmem:$0x1FF80];
	_ =	sdelay $0x7  }
0x30: {  	v3 =	vld.idx.msk [tilespmem:v3+s2+$0x0], $0xffff;
	_ =	sdelay $0x4  }
0x31: {  	[tilespmem:$0x10A0] =	vst v3;
	v3 =	vld [tilespmem:$0x1FF90];
	_ =	sdelay $0x7  }
0x32: {  	v3 =	vld.idx.msk [tilespmem:v3+s2+$0x0], $0xffff;
	_ =	sdelay $0x4  }
0x33: {  	[tilespmem:$0x10B0] =	vst v3;
	v3 =	vld [tilespmem:$0x1FFA0];
	_ =	sdelay $0x7  }
0x34: {  	v3 =	vld.idx.msk [tilespmem:v3+s2+$0x0], $0xffff;
	_ =	sdelay $0x4  }
0x35: {  	[tilespmem:$0x10C0] =	vst v3;
	v3 =	vld [tilespmem:$0x1FFB0];
	_ =	sdelay $0x7  }
0x36: {  	v3 =	vld.idx.msk [tilespmem:v3+s2+$0x0], $0xffff;
	_ =	sdelay $0x4  }
0x37: {  	[tilespmem:$0x10D0] =	vst v3;
	v3 =	vld [tilespmem:$0x1FFC0];
	_ =	sdelay $0x7  }
0x38: {  	v3 =	vld.idx.msk [tilespmem:v3+s2+$0x0], $0xffff;
	_ =	sdelay $0x4  }
0x39: {  	[tilespmem:$0x10E0] =	vst v3;
	v3 =	vld [tilespmem:$0x1FFD0];
	_ =	sdelay $0x7  }
0x3a: {  	v3 =	vld.idx.msk [tilespmem:v3+s2+$0x0], $0xffff;
	_ =	sdelay $0x4  }
0x3b: {  	[tilespmem:$0x10F0] =	vst v3;
	v3 =	vld [tilespmem:$0x1FFE0];
	_ =	sdelay $0x7  }
0x3c: {  	v3 =	vld.idx.msk [tilespmem:v3+s2+$0x0], $0xffff;
	_ =	sdelay $0x4  }
0x3d: {  	[tilespmem:$0x1100] =	vst v3;
	v3 =	vld [tilespmem:$0x1FFF0];
	_ =	sdelay $0x7  }
0x3e: {  	v3 =	vld.idx.msk [tilespmem:v3+s2+$0x0], $0xffff;
	_ =	sdelay $0x4  }
0x3f: {  	[tilespmem:$0x1110] =	vst v3  }
0x40: {  	v3 =	vld.idx.msk [tilespmem:v19+s2+$0x0], $0xffff;
	_ =	sdelay $0x4  }
0x41: {  	[tilespmem:$0x1120] =	vst v3  }
0x42: {  	v3 =	vld.idx.msk [tilespmem:v20+s2+$0x0], $0xffff;
	_ =	sdelay $0x4  }
0x43: {  	[tilespmem:$0x1130] =	vst v3  }
0x44: {  	v3 =	vld.idx.msk [tilespmem:v21+s2+$0x0], $0xffff;
	_ =	sdelay $0x4  }
0x45: {  	[tilespmem:$0x1140] =	vst v3  }
0x46: {  	v3 =	vld.idx.msk [tilespmem:v22+s2+$0x0], $0xffff;
	_ =	sdelay $0x4  }
0x47: {  	[tilespmem:$0x1150] =	vst v3  }
0x48: {  	v3 =	vld.idx.msk [tilespmem:v23+s2+$0x0], $0xffff;
	_ =	sdelay $0x4  }
0x49: {  	[tilespmem:$0x1160] =	vst v3  }
0x4a: {  	v3 =	vld.idx.msk [tilespmem:v24+s2+$0x0], $0xffff;
	_ =	sdelay $0x4  }
0x4b: {  	[tilespmem:$0x1170] =	vst v3  }
0x4c: {  	v3 =	vld.idx.msk [tilespmem:v25+s2+$0x0], $0xffff;
	_ =	sdelay $0x4  }
0x4d: {  	[tilespmem:$0x1180] =	vst v3  }
0x4e: {  	v3 =	vld.idx.msk [tilespmem:v26+s2+$0x0], $0xffff;
	_ =	sdelay $0x4  }
0x4f: {  	[tilespmem:$0x1190] =	vst v3  }
0x50: {  	v3 =	vld.idx.msk [tilespmem:v27+s2+$0x0], $0xffff;
	_ =	sdelay $0x4  }
0x51: {  	[tilespmem:$0x11A0] =	vst v3  }
0x52: {  	v3 =	vld.idx.msk [tilespmem:v28+s2+$0x0], $0xffff;
	_ =	sdelay $0x4  }
0x53: {  	[tilespmem:$0x11B0] =	vst v3  }
0x54: {  	v3 =	vld.idx.msk [tilespmem:v29+s2+$0x0], $0xffff;
	_ =	sdelay $0x4  }
0x55: {  	[tilespmem:$0x11C0] =	vst v3  }
0x56: {  	v3 =	vld.idx.msk [tilespmem:v30+s2+$0x0], $0xffff;
	_ =	sdelay $0x4  }
0x57: {  	[tilespmem:$0x11D0] =	vst v3  }
0x58: {  	v3 =	vld.idx.msk [tilespmem:v31+s2+$0x0], $0xffff;
	_ =	sdelay $0x4  }
0x59: {  	[tilespmem:$0x11E0] =	vst v3  }
0x5a: {  	v3 =	vld.idx.msk [tilespmem:v32+s2+$0x0], $0xffff;
	_ =	sdelay $0x4  }
0x5b: {  	[tilespmem:$0x11F0] =	vst v3  }
0x5c: {  	v3 =	vld.idx.msk [tilespmem:v33+s2+$0x0], $0xffff;
	_ =	sdelay $0x4  }
0x5d: {  	[tilespmem:$0x1200] =	vst v3  }
0x5e: {  	v3 =	vld.idx.msk [tilespmem:v34+s2+$0x0], $0xffff;
	_ =	sdelay $0x4  }
0x5f: {  	[tilespmem:$0x1210] =	vst v3  }
0x60: {  	v3 =	vld.idx.msk [tilespmem:v35+s2+$0x0], $0xffff;
	_ =	sdelay $0x4  }
0x61: {  	[tilespmem:$0x1220] =	vst v3  }
0x62: {  	v3 =	vld.idx.msk [tilespmem:v36+s2+$0x0], $0xffff;
	_ =	sdelay $0x4  }
0x63: {  	[tilespmem:$0x1230] =	vst v3  }
0x64: {  	v3 =	vld.idx.msk [tilespmem:v37+s2+$0x0], $0xffff;
	_ =	sdelay $0x4  }
0x65: {  	[tilespmem:$0x1240] =	vst v3  }
0x66: {  	v3 =	vld.idx.msk [tilespmem:v38+s2+$0x0], $0xffff;
	_ =	sdelay $0x4  }
0x67: {  	[tilespmem:$0x1250] =	vst v3  }
0x68: {  	v3 =	vld.idx.msk [tilespmem:v39+s2+$0x0], $0xffff;
	_ =	sdelay $0x4  }
0x69: {  	[tilespmem:$0x1260] =	vst v3  }
0x6a: {  	v3 =	vld.idx.msk [tilespmem:v40+s2+$0x0], $0xffff;
	_ =	sdelay $0x4  }
0x6b: {  	[tilespmem:$0x1270] =	vst v3  }
0x6c: {  	v3 =	vld.idx.msk [tilespmem:v41+s2+$0x0], $0xffff;
	_ =	sdelay $0x4  }
0x6d: {  	[tilespmem:$0x1280] =	vst v3  }
0x6e: {  	v3 =	vld.idx.msk [tilespmem:v42+s2+$0x0], $0xffff;
	_ =	sdelay $0x4  }
0x6f: {  	[tilespmem:$0x1290] =	vst v3  }
0x70: {  	v3 =	vld.idx.msk [tilespmem:v43+s2+$0x0], $0xffff;
	_ =	sdelay $0x4  }
0x71: {  	[tilespmem:$0x12A0] =	vst v3  }
0x72: {  	v3 =	vld.idx.msk [tilespmem:v44+s2+$0x0], $0xffff;
	_ =	sdelay $0x4  }
0x73: {  	[tilespmem:$0x12B0] =	vst v3  }
0x74: {  	v3 =	vld.idx.msk [tilespmem:v45+s2+$0x0], $0xffff;
	_ =	sdelay $0x4  }
0x75: {  	[tilespmem:$0x12C0] =	vst v3  }
0x76: {  	v3 =	vld.idx.msk [tilespmem:v46+s2+$0x0], $0xffff;
	_ =	sdelay $0x4  }
0x77: {  	[tilespmem:$0x12D0] =	vst v3  }
0x78: {  	v3 =	vld.idx.msk [tilespmem:v47+s2+$0x0], $0xffff;
	_ =	sdelay $0x4  }
0x79: {  	[tilespmem:$0x12E0] =	vst v3  }
0x7a: {  	v3 =	vld.idx.msk [tilespmem:v48+s2+$0x0], $0xffff;
	_ =	sdelay $0x4  }
0x7b: {  	[tilespmem:$0x12F0] =	vst v3  }
0x7c: {  	v3 =	vld.idx.msk [tilespmem:v49+s2+$0x0], $0xffff;
	_ =	sdelay $0x4  }
0x7d: {  	[tilespmem:$0x1300] =	vst v3  }
0x7e: {  	v3 =	vld.idx.msk [tilespmem:v50+s2+$0x0], $0xffff;
	_ =	sdelay $0x4  }
0x7f: {  	[tilespmem:$0x1310] =	vst v3  }
0x80: {  	v3 =	vld.idx.msk [tilespmem:v51+s2+$0x0], $0xffff;
	_ =	sdelay $0x4  }
0x81: {  	[tilespmem:$0x1320] =	vst v3  }
0x82: {  	v3 =	vld.idx.msk [tilespmem:v52+s2+$0x0], $0xffff;
	_ =	sdelay $0x4  }
0x83: {  	[tilespmem:$0x1330] =	vst v3  }
0x84: {  	v3 =	vld.idx.msk [tilespmem:v53+s2+$0x0], $0xffff;
	_ =	sdelay $0x4  }
0x85: {  	[tilespmem:$0x1340] =	vst v3  }
0x86: {  	v3 =	vld.idx.msk [tilespmem:v54+s2+$0x0], $0xffff;
	_ =	sdelay $0x4  }
0x87: {  	[tilespmem:$0x1350] =	vst v3  }
0x88: {  	v3 =	vld.idx.msk [tilespmem:v55+s2+$0x0], $0xffff;
	_ =	sdelay $0x4  }
0x89: {  	[tilespmem:$0x1360] =	vst v3  }
0x8a: {  	v3 =	vld.idx.msk [tilespmem:v56+s2+$0x0], $0xffff;
	_ =	sdelay $0x4  }
0x8b: {  	[tilespmem:$0x1370] =	vst v3  }
0x8c: {  	v3 =	vld.idx.msk [tilespmem:v57+s2+$0x0], $0xffff;
	_ =	sdelay $0x4  }
0x8d: {  	[tilespmem:$0x1380] =	vst v3  }
0x8e: {  	v3 =	vld.idx.msk [tilespmem:v58+s2+$0x0], $0xffff;
	_ =	sdelay $0x4  }
0x8f: {  	[tilespmem:$0x1390] =	vst v3  }
0x90: {  	v3 =	vld.idx.msk [tilespmem:v59+s2+$0x0], $0xffff;
	_ =	sdelay $0x4  }
0x91: {  	[tilespmem:$0x13A0] =	vst v3  }
0x92: {  	v3 =	vld.idx.msk [tilespmem:v60+s2+$0x0], $0xffff;
	_ =	sdelay $0x4  }
0x93: {  	[tilespmem:$0x13B0] =	vst v3  }
0x94: {  	v3 =	vld.idx.msk [tilespmem:v61+s2+$0x0], $0xffff;
	_ =	sdelay $0x4  }
0x95: {  	[tilespmem:$0x13C0] =	vst v3  }
0x96: {  	v3 =	vld.idx.msk [tilespmem:v62+s2+$0x0], $0xffff;
	_ =	sdelay $0x4  }
0x97: {  	[tilespmem:$0x13D0] =	vst v3  }
0x98: {  	v3 =	vld.idx.msk [tilespmem:v63+s2+$0x0], $0xffff;
	_ =	sdelay $0x4  }
0x99: {  	[tilespmem:$0x13E0] =	vst v3  }
0x9a: {  	v3 =	vld.idx.msk [tilespmem:v2+s2+$0x0], $0xffff  }
0x9b: {  	v4 =	vor.u32 $0x2, v1;
	_ =	sdelay $0x3  }
0x9c: {  	[tilespmem:$0x13F0] =	vst v3  }
0x9d: {  	v3 =	vld.idx.msk [tilespmem:v4+s2+$0x0], $0xffff  }
0x9e: {  	v4 =	vor.u32 $0x82, v1;
	_ =	sdelay $0x3  }
0x9f: {  	[tilespmem:$0x1400] =	vst v3  }
0xa0: {  	v3 =	vld.idx.msk [tilespmem:v4+s2+$0x0], $0xffff  }
0xa1: {  	v4 =	vor.u32 $0x102, v1;
	_ =	sdelay $0x3  }
0xa2: {  	[tilespmem:$0x1410] =	vst v3  }
0xa3: {  	v3 =	vld.idx.msk [tilespmem:v4+s2+$0x0], $0xffff  }
0xa4: {  	v4 =	vor.u32 $0x182, v1;
	_ =	sdelay $0x3  }
0xa5: {  	[tilespmem:$0x1420] =	vst v3  }
0xa6: {  	v3 =	vld.idx.msk [tilespmem:v4+s2+$0x0], $0xffff  }
0xa7: {  	v4 =	vor.u32 $0x202, v1;
	_ =	sdelay $0x3  }
0xa8: {  	[tilespmem:$0x1430] =	vst v3  }
0xa9: {  	v3 =	vld.idx.msk [tilespmem:v4+s2+$0x0], $0xffff  }
0xaa: {  	v4 =	vor.u32 $0x282, v1;
	_ =	sdelay $0x3  }
0xab: {  	[tilespmem:$0x1440] =	vst v3  }
0xac: {  	v3 =	vld.idx.msk [tilespmem:v4+s2+$0x0], $0xffff  }
0xad: {  	v4 =	vor.u32 $0x302, v1;
	_ =	sdelay $0x3  }
0xae: {  	[tilespmem:$0x1450] =	vst v3  }
0xaf: {  	v3 =	vld.idx.msk [tilespmem:v4+s2+$0x0], $0xffff  }
0xb0: {  	v4 =	vor.u32 $0x382, v1;
	_ =	sdelay $0x3  }
0xb1: {  	[tilespmem:$0x1460] =	vst v3  }
0xb2: {  	v3 =	vld.idx.msk [tilespmem:v4+s2+$0x0], $0xffff  }
0xb3: {  	v4 =	vor.u32 $0x402, v1;
	_ =	sdelay $0x3  }
0xb4: {  	[tilespmem:$0x1470] =	vst v3  }
0xb5: {  	v3 =	vld.idx.msk [tilespmem:v4+s2+$0x0], $0xffff  }
0xb6: {  	v4 =	vor.u32 $0x482, v1;
	_ =	sdelay $0x3  }
0xb7: {  	[tilespmem:$0x1480] =	vst v3  }
0xb8: {  	v3 =	vld.idx.msk [tilespmem:v4+s2+$0x0], $0xffff  }
0xb9: {  	v4 =	vor.u32 $0x502, v1;
	_ =	sdelay $0x3  }
0xba: {  	[tilespmem:$0x1490] =	vst v3  }
0xbb: {  	v3 =	vld.idx.msk [tilespmem:v4+s2+$0x0], $0xffff  }
0xbc: {  	v4 =	vor.u32 $0x582, v1;
	_ =	sdelay $0x3  }
0xbd: {  	[tilespmem:$0x14A0] =	vst v3  }
0xbe: {  	v3 =	vld.idx.msk [tilespmem:v4+s2+$0x0], $0xffff  }
0xbf: {  	v4 =	vor.u32 $0x602, v1;
	_ =	sdelay $0x3  }
0xc0: {  	[tilespmem:$0x14B0] =	vst v3  }
0xc1: {  	v3 =	vld.idx.msk [tilespmem:v4+s2+$0x0], $0xffff  }
0xc2: {  	v4 =	vor.u32 $0x682, v1;
	_ =	sdelay $0x3  }
0xc3: {  	[tilespmem:$0x14C0] =	vst v3  }
0xc4: {  	v3 =	vld.idx.msk [tilespmem:v4+s2+$0x0], $0xffff  }
0xc5: {  	v4 =	vor.u32 $0x702, v1;
	_ =	sdelay $0x3  }
0xc6: {  	[tilespmem:$0x14D0] =	vst v3  }
0xc7: {  	v3 =	vld.idx.msk [tilespmem:v4+s2+$0x0], $0xffff  }
0xc8: {  	v4 =	vor.u32 $0x782, v1;
	_ =	sdelay $0x3  }
0xc9: {  	[tilespmem:$0x14E0] =	vst v3  }
0xca: {  	v3 =	vld.idx.msk [tilespmem:v4+s2+$0x0], $0xffff  }
0xcb: {  	v4 =	vor.u32 $0x802, v1;
	_ =	sdelay $0x3  }
0xcc: {  	[tilespmem:$0x14F0] =	vst v3  }
0xcd: {  	v3 =	vld.idx.msk [tilespmem:v4+s2+$0x0], $0xffff  }
0xce: {  	v4 =	vor.u32 $0x882, v1;
	_ =	sdelay $0x3  }
0xcf: {  	[tilespmem:$0x1500] =	vst v3  }
0xd0: {  	v3 =	vld.idx.msk [tilespmem:v4+s2+$0x0], $0xffff  }
0xd1: {  	v4 =	vor.u32 $0x902, v1;
	_ =	sdelay $0x3  }
0xd2: {  	[tilespmem:$0x1510] =	vst v3  }
0xd3: {  	v3 =	vld.idx.msk [tilespmem:v4+s2+$0x0], $0xffff  }
0xd4: {  	v4 =	vor.u32 $0x982, v1;
	_ =	sdelay $0x3  }
0xd5: {  	[tilespmem:$0x1520] =	vst v3  }
0xd6: {  	v3 =	vld.idx.msk [tilespmem:v4+s2+$0x0], $0xffff  }
0xd7: {  	v4 =	vor.u32 $0xA02, v1;
	_ =	sdelay $0x3  }
0xd8: {  	[tilespmem:$0x1530] =	vst v3  }
0xd9: {  	v3 =	vld.idx.msk [tilespmem:v4+s2+$0x0], $0xffff  }
0xda: {  	v4 =	vor.u32 $0xA82, v1;
	_ =	sdelay $0x3  }
0xdb: {  	[tilespmem:$0x1540] =	vst v3  }
0xdc: {  	v3 =	vld.idx.msk [tilespmem:v4+s2+$0x0], $0xffff  }
0xdd: {  	v4 =	vor.u32 $0xB02, v1;
	_ =	sdelay $0x3  }
0xde: {  	[tilespmem:$0x1550] =	vst v3  }
0xdf: {  	v3 =	vld.idx.msk [tilespmem:v4+s2+$0x0], $0xffff  }
0xe0: {  	v4 =	vor.u32 $0xB82, v1;
	_ =	sdelay $0x3  }
0xe1: {  	[tilespmem:$0x1560] =	vst v3  }
0xe2: {  	v3 =	vld.idx.msk [tilespmem:v4+s2+$0x0], $0xffff  }
0xe3: {  	v4 =	vor.u32 $0xC02, v1;
	_ =	sdelay $0x3  }
0xe4: {  	[tilespmem:$0x1570] =	vst v3  }
0xe5: {  	v3 =	vld.idx.msk [tilespmem:v4+s2+$0x0], $0xffff  }
0xe6: {  	v4 =	vor.u32 $0xC82, v1;
	_ =	sdelay $0x3  }
0xe7: {  	[tilespmem:$0x1580] =	vst v3  }
0xe8: {  	v3 =	vld.idx.msk [tilespmem:v4+s2+$0x0], $0xffff  }
0xe9: {  	v4 =	vor.u32 $0xD02, v1;
	_ =	sdelay $0x3  }
0xea: {  	[tilespmem:$0x1590] =	vst v3  }
0xeb: {  	v3 =	vld.idx.msk [tilespmem:v4+s2+$0x0], $0xffff  }
0xec: {  	v4 =	vor.u32 $0xD82, v1;
	_ =	sdelay $0x3  }
0xed: {  	[tilespmem:$0x15A0] =	vst v3  }
0xee: {  	v3 =	vld.idx.msk [tilespmem:v4+s2+$0x0], $0xffff  }
0xef: {  	v4 =	vor.u32 $0xE02, v1;
	_ =	sdelay $0x3  }
0xf0: {  	[tilespmem:$0x15B0] =	vst v3  }
0xf1: {  	v3 =	vld.idx.msk [tilespmem:v4+s2+$0x0], $0xffff  }
0xf2: {  	v4 =	vor.u32 $0xE82, v1;
	_ =	sdelay $0x3  }
0xf3: {  	[tilespmem:$0x15C0] =	vst v3  }
0xf4: {  	v3 =	vld.idx.msk [tilespmem:v4+s2+$0x0], $0xffff  }
0xf5: {  	v4 =	vor.u32 $0xF02, v1;
	_ =	sdelay $0x3  }
0xf6: {  	[tilespmem:$0x15D0] =	vst v3  }
0xf7: {  	v3 =	vld.idx.msk [tilespmem:v4+s2+$0x0], $0xffff  }
0xf8: {  	v4 =	vor.u32 $0xF82, v1;
	_ =	sdelay $0x3  }
0xf9: {  	[tilespmem:$0x15E0] =	vst v3  }
0xfa: {  	v3 =	vld.idx.msk [tilespmem:v4+s2+$0x0], $0xffff;
	_ =	sdelay $0x4  }
0xfb: {  	s0 =	simm.s32 $0x1600;
	[tilespmem:$0x15F0] =	vst v3  }
0xfc: {  	[tilespmem:s0], [sflag:$0x1] =	stream.indirect.gather [hbm4b:s3+s10], $0x20, s11, s10, $0xb8;
	[tilespmem:$0x17800] =	vst v63  }
0xfd: {  	s17 =	simm.s32 $0x5600  }
0xfe: {  	[tilespmem:s17], [sflag:$0x1] =	stream.indirect.gather [hbm4b:s4+s10], $0x20, s11, s10, $0xb8;
	[tilespmem:$0x17800] =	vst v63  }
0xff: {  	s18 =	simm.s32 $0x1200;
	s12 =	simm.s32 $0x9600  }
0x100: {  	[tilespmem:s12], [sflag:$0x1] =	stream.indirect.gather [hbm4b:s5+s10], $0x20, s18, s10, $0xb8;
	[tilespmem:$0x17800] =	vst v63  }
0x101: {  	s20 =	simm.s32 $0xD600  }
0x102: {  	[tilespmem:s20], [sflag:$0x1] =	stream.indirect.gather [hbm4b:s3+s10], $0x20, s16, s10, $0xb8;
	[tilespmem:$0x17800] =	vst v63  }
0x103: {  	s12 =	simm.s32 $0x11600  }
0x104: {  	[tilespmem:s12], [sflag:$0x1] =	stream.indirect.gather [hbm4b:s4+s10], $0x20, s16, s10, $0xb8;
	[tilespmem:$0x17800] =	vst v63  }
0x105: {  	s13 =	simm.s32 $0x2600  }
0x106: {  	[tilespmem:s13], [sflag:$0x1] =	stream.indirect.gather [hbm4b:s3+s10], $0x20, s19, s10, $0xb8;
	[tilespmem:$0x17800] =	vst v63  }
0x107: {  	s15 =	simm.s32 $0x6600  }
0x108: {  	[tilespmem:s15], [sflag:$0x1] =	stream.indirect.gather [hbm4b:s4+s10], $0x20, s19, s10, $0xb8;
	[tilespmem:$0x17800] =	vst v63  }
0x109: {  	s17 =	simm.s32 $0x1280;
	s18 =	simm.s32 $0xA600  }
0x10a: {  	[tilespmem:s18], [sflag:$0x1] =	stream.indirect.gather [hbm4b:s5+s10], $0x20, s17, s10, $0xb8;
	[tilespmem:$0x17800] =	vst v63  }
0x10b: {  	s20 =	simm.s32 $0xE600  }
0x10c: {  	[tilespmem:s20], [sflag:$0x1] =	stream.indirect.gather [hbm4b:s3+s10], $0x20, s24, s10, $0xb8;
	[tilespmem:$0x17800] =	vst v63  }
0x10d: {  	s12 =	simm.s32 $0x12600  }
0x10e: {  	[tilespmem:s12], [sflag:$0x1] =	stream.indirect.gather [hbm4b:s4+s10], $0x20, s24, s10, $0xb8;
	[tilespmem:$0x17800] =	vst v63  }
0x10f: {  	s13 =	simm.s32 $0x3600  }
0x110: {  	[tilespmem:s13], [sflag:$0x1] =	stream.indirect.gather [hbm4b:s3+s10], $0x20, s28, s10, $0xb8;
	[tilespmem:$0x17800] =	vst v63  }
0x111: {  	s15 =	simm.s32 $0x7600  }
0x112: {  	[tilespmem:s15], [sflag:$0x1] =	stream.indirect.gather [hbm4b:s4+s10], $0x20, s28, s10, $0xb8;
	[tilespmem:$0x17800] =	vst v63  }
0x113: {  	s17 =	simm.s32 $0x1300;
	s18 =	simm.s32 $0xB600  }
0x114: {  	[tilespmem:s18], [sflag:$0x1] =	stream.indirect.gather [hbm4b:s5+s10], $0x20, s17, s10, $0xb8;
	[tilespmem:$0x17800] =	vst v63  }
0x115: {  	s20 =	simm.s32 $0xF600  }
0x116: {  	[tilespmem:s20], [sflag:$0x1] =	stream.indirect.gather [hbm4b:s3+s10], $0x20, s1, s10, $0xb8;
	[tilespmem:$0x17800] =	vst v63  }
0x117: {  	s12 =	simm.s32 $0x13600  }
0x118: {  	[tilespmem:s12], [sflag:$0x1] =	stream.indirect.gather [hbm4b:s4+s10], $0x20, s1, s10, $0xb8;
	[tilespmem:$0x17800] =	vst v63  }
0x119: {  	s13 =	simm.s32 $0x4600  }
0x11a: {  	[tilespmem:s13], [sflag:$0x1] =	stream.indirect.gather [hbm4b:s3+s10], $0x20, s14, s10, $0xb8;
	[tilespmem:$0x17800] =	vst v63  }
0x11b: {  	s15 =	simm.s32 $0x8600  }
0x11c: {  	[tilespmem:s15], [sflag:$0x1] =	stream.indirect.gather [hbm4b:s4+s10], $0x20, s14, s10, $0xb8;
	[tilespmem:$0x17800] =	vst v63  }
0x11d: {  	s17 =	simm.s32 $0x1380;
	s18 =	simm.s32 $0xC600  }
0x11e: {  	[tilespmem:s18], [sflag:$0x1] =	stream.indirect.gather [hbm4b:s5+s10], $0x20, s17, s10, $0xb8;
	[tilespmem:$0x17800] =	vst v63  }
0x11f: {  	_ = 	snop  }
0x120: {  	[tilespmem:s22], [sflag:$0x1] =	stream.indirect.gather [hbm4b:s3+s10], $0x20, s21, s10, $0xb8;
	[tilespmem:$0x17800] =	vst v63  }
0x121: {  	_ = 	snop  }
0x122: {  	[tilespmem:s23], [sflag:$0x1] =	stream.indirect.gather [hbm4b:s4+s10], $0x20, s21, s10, $0xb8;
	[tilespmem:$0x17800] =	vst v63  }
0x123: {  	_ =	swait.ge [sflag:s25], $0x1000  }
0x124: {  	[sflag:s25] =	ssyncset.done $0x0  }
0x125: {  	[sflag:s25] =	ssyncadd.s32 $0xFFFFF000  }
0x126: {  	_ =	swait.ge [sflag:s25], $0x1000  }
0x127: {  	[sflag:s25] =	ssyncset.done $0x0  }
0x128: {  	[sflag:s25] =	ssyncadd.s32 $0xFFFFF000  }
0x129: {  	_ =	swait.ge [sflag:s25], $0x1000  }
0x12a: {  	[sflag:s25] =	ssyncset.done $0x0  }
0x12b: {  	[sflag:s25] =	ssyncadd.s32 $0xFFFFF000  }
0x12c: {  	_ =	swait.ge [sflag:s25], $0x1000  }
0x12d: {  	[sflag:s25] =	ssyncset.done $0x0  }
0x12e: {  	[sflag:s25] =	ssyncadd.s32 $0xFFFFF000  }
0x12f: {  	_ =	swait.ge [sflag:s25], $0x1000  }
0x130: {  	[sflag:s25] =	ssyncset.done $0x0  }
0x131: {  	[sflag:s25] =	ssyncadd.s32 $0xFFFFF000  }
0x132: {  	_ =	swait.ge [sflag:s25], $0x1000  }
0x133: {  	[sflag:s25] =	ssyncset.done $0x0  }
0x134: {  	[sflag:s25] =	ssyncadd.s32 $0xFFFFF000  }
0x135: {  	_ =	swait.ge [sflag:s25], $0x1000  }
0x136: {  	[sflag:s25] =	ssyncset.done $0x0  }
0x137: {  	[sflag:s25] =	ssyncadd.s32 $0xFFFFF000  }
0x138: {  	_ =	swait.ge [sflag:s25], $0x1000  }
0x139: {  	[sflag:s25] =	ssyncset.done $0x0  }
0x13a: {  	[sflag:s25] =	ssyncadd.s32 $0xFFFFF000  }
0x13b: {  	_ =	swait.ge [sflag:s25], $0x1000  }
0x13c: {  	[sflag:s25] =	ssyncset.done $0x0  }
0x13d: {  	[sflag:s25] =	ssyncadd.s32 $0xFFFFF000  }
0x13e: {  	_ =	swait.ge [sflag:s25], $0x1000  }
0x13f: {  	[sflag:s25] =	ssyncset.done $0x0  }
0x140: {  	[sflag:s25] =	ssyncadd.s32 $0xFFFFF000  }
0x141: {  	_ =	swait.ge [sflag:s25], $0x1000  }
0x142: {  	[sflag:s25] =	ssyncset.done $0x0  }
0x143: {  	[sflag:s25] =	ssyncadd.s32 $0xFFFFF000  }
0x144: {  	_ =	swait.ge [sflag:s25], $0x1000  }
0x145: {  	[sflag:s25] =	ssyncset.done $0x0  }
0x146: {  	[sflag:s25] =	ssyncadd.s32 $0xFFFFF000  }
0x147: {  	_ =	swait.ge [sflag:s25], $0x1000  }
0x148: {  	[sflag:s25] =	ssyncset.done $0x0  }
0x149: {  	[sflag:s25] =	ssyncadd.s32 $0xFFFFF000  }
0x14a: {  	_ =	swait.ge [sflag:s25], $0x1000  }
0x14b: {  	[sflag:s25] =	ssyncset.done $0x0  }
0x14c: {  	[sflag:s25] =	ssyncadd.s32 $0xFFFFF000  }
0x14d: {  	_ =	swait.ge [sflag:s25], $0x1000  }
0x14e: {  	[sflag:s25] =	ssyncset.done $0x0  }
0x14f: {  	[sflag:s25] =	ssyncadd.s32 $0xFFFFF000  }
0x150: {  	_ =	swait.ge [sflag:s25], $0x1000  }
0x151: {  	[sflag:s25] =	ssyncset.done $0x0  }
0x152: {  	[sflag:s25] =	ssyncadd.s32 $0xFFFFF000  }
0x153: {  	_ =	swait.ge [sflag:s25], $0x1000  }
0x154: {  	[sflag:s25] =	ssyncset.done $0x0  }
0x155: {  	[sflag:s25] =	ssyncadd.s32 $0xFFFFF000  }
0x156: {  	_ =	swait.ge [sflag:s25], $0x1000  }
0x157: {  	[sflag:s25] =	ssyncset.done $0x0  }
0x158: {  	[sflag:s25] =	ssyncadd.s32 $0xFFFFF000  }
0x159: {  	_ =	swait.ge [sflag:s25], $0x1000  }
0x15a: {  	[sflag:s25] =	ssyncset.done $0x0  }
0x15b: {  	[sflag:s25] =	ssyncadd.s32 $0xFFFFF000  }
0x15c: {  	_ =	swait.ge [sflag:s25], $0x1000  }
0x15d: {  	[sflag:s25] =	ssyncset.done $0x0  }
0x15e: {  	s31 =	simm.s32 $0x9610;
	[sflag:s25] =	ssyncadd.s32 $0xFFFFF000  }
0x15f: {  	v3 =	vld [tilespmem:s31+$0x0]  }
0x160: {  	v8 =	vld [tilespmem:s31+$0xFFFFFFF0];
	_ =	sdelay $0x3  }
0x161: {  	v6 =	vmul.f32 v3, v3  }
0x162: {  	v10 =	vmul.f32 v8, v8  }
0x163: {  	v4 =	vmul.f32 $2.087266540e-08, v6;
	v5 =	vmul.f32 $1.736899620e-09, v6  }
0x164: {  	v7 =	vmul.f32 $2.087266540e-08, v10;
	v9 =	vmul.f32 $1.736899620e-09, v10  }
0x165: {  	v4 =	vsub.f32 $2.712799870e-06, v4;
	v5 =	vadd.f32 $-2.711333880e-07, v5  }
0x166: {  	v7 =	vsub.f32 $2.712799870e-06, v7;
	v9 =	vadd.f32 $-2.711333880e-07, v9  }
0x167: {  	v4 =	vmul.f32 v4, v6;
	v5 =	vmul.f32 v5, v6  }
0x168: {  	v7 =	vmul.f32 v7, v10;
	v9 =	vmul.f32 v9, v10  }
0x169: {  	v4 =	vadd.f32 $-1.982075630e-04, v4;
	v5 =	vadd.f32 $2.477342060e-05, v5  }
0x16a: {  	v7 =	vadd.f32 $-1.982075630e-04, v7;
	v9 =	vadd.f32 $2.477342060e-05, v9  }
0x16b: {  	v4 =	vmul.f32 v4, v6;
	v5 =	vmul.f32 v5, v6  }
0x16c: {  	v7 =	vmul.f32 v7, v10;
	v9 =	vmul.f32 v9, v10  }
0x16d: {  	v4 =	vadd.f32 $8.332890460e-03, v4;
	v5 =	vadd.f32 $-1.388797070e-03, v5  }
0x16e: {  	v7 =	vadd.f32 $8.332890460e-03, v7;
	v9 =	vadd.f32 $-1.388797070e-03, v9  }
0x16f: {  	v4 =	vmul.f32 v4, v6;
	v5 =	vmul.f32 v5, v6  }
0x170: {  	v7 =	vmul.f32 v7, v10;
	v9 =	vmul.f32 v9, v10  }
0x171: {  	s12 =	simm.s32 $0x5610;
	v11 =	vadd.f32 $-1.666663140e-01, v4;
	v5 =	vadd.f32 $4.166652260e-02, v5  }
0x172: {  	v7 =	vadd.f32 $-1.666663140e-01, v7;
	v9 =	vadd.f32 $4.166652260e-02, v9;
	v4 =	vld [tilespmem:s12+$0xFFFFFFF0]  }
0x173: {  	s13 =	simm.s32 $0x1610;
	v11 =	vmul.f32 v11, v6;
	v12 =	vmul.f32 v5, v6;
	v5 =	vld [tilespmem:s12+$0x0]  }
0x174: {  	v13 =	vmul.f32 v7, v10;
	v14 =	vmul.f32 v9, v10;
	v9 =	vld [tilespmem:s13+$0x0]  }
0x175: {  	v7 =	vld [tilespmem:s13+$0xFFFFFFF0];
	v11 =	vadd.f32 $9.999999400e-01, v11;
	v12 =	vadd.f32 $-4.999999110e-01, v12  }
0x176: {  	s20 =	simm.s32 $0x11610;
	v13 =	vadd.f32 $9.999999400e-01, v13;
	v14 =	vadd.f32 $-4.999999110e-01, v14  }
0x177: {  	s17 =	simm.s32 $0xD610;
	v3 =	vmul.f32 v11, v3;
	v11 =	vmul.f32 v12, v6;
	v6 =	vld [tilespmem:s20+$0x0]  }
0x178: {  	v15 =	vmul.f32 v13, v8;
	v14 =	vmul.f32 v14, v10;
	v10 =	vld [tilespmem:s17+$0x0]  }
0x179: {  	s0 =	simm.s32 $0x0;
	v8 =	vld [tilespmem:s20+$0xFFFFFFF0];
	v17 =	vadd.f32 $1.000000000e+00, v11;
	v12 =	vmul.f32 v3, v5;
	v13 =	vmul.f32 v3, v9  }
0x17a: {  	s15 =	simm.s32 $0x1;
	s18 =	simm.s32 $0x11630;
	v16 =	vadd.f32 $1.000000000e+00, v14;
	v14 =	vmul.f32 v15, v4;
	v11 =	vld [tilespmem:s17+$0xFFFFFFF0];
	v15 =	vmul.f32 v15, v7;
	s17 =	simm.s32 $0xD630  }
.LBB2_2:
0x17b: {  	v3 =	vmul.f32 v17, v9;
	v5 =	vmul.f32 v17, v5;
	s31 =	sadd.s32 $0x20, s31;
	s13 =	sadd.s32 $0x20, s13;
	s12 =	sadd.s32 $0x20, s12  }
0x17c: {  	p0 =	sne.s32 s15, $0x1FF;
	s20 =	smov.u32 s15;
	s15 =	sadd.s32 $0x1, s15;
	v7 =	vmul.f32 v16, v7;
	v4 =	vmul.f32 v16, v4  }
0x17d: {  	v3 =	vsub.f32 v3, v12;
	v5 =	vadd.f32 v5, v13  }
0x17e: {  	v7 =	vsub.f32 v7, v14;
	v4 =	vadd.f32 v4, v15  }
0x17f: {  	v3 =	vsub.f32 v3, v10;
	v5 =	vsub.f32 v5, v6  }
0x180: {  	v6 =	vsub.f32 v7, v11;
	v4 =	vsub.f32 v4, v8  }
0x181: {  	v3 =	vmul.f32 v3, v3;
	v5 =	vmul.f32 v5, v5  }
0x182: {  	v6 =	vmul.f32 v6, v6;
	v4 =	vmul.f32 v4, v4  }
0x183: {  	v5 =	vadd.f32 v5, v3  }
0x184: {  	v4 =	vadd.f32 v4, v6  }
0x185: {  	v3 =	vshra.s32 v5, $0x1;
	v6 =	vmul.f32 $5.000000000e-01, v5  }
0x186: {  	v7 =	vshra.s32 v4, $0x1;
	v8 =	vmul.f32 $5.000000000e-01, v4;
	v3 =	vsub.s32 $0x5F3759DF, v3  }
0x187: {  	v7 =	vsub.s32 $0x5F3759DF, v7;
	v9 =	vmul.f32 v3, v6  }
0x188: {  	v10 =	vmul.f32 v7, v8  }
0x189: {  	v9 =	vmul.f32 v3, v9  }
0x18a: {  	v10 =	vmul.f32 v7, v10  }
0x18b: {  	v9 =	vsub.f32 $1.500000000e+00, v9  }
0x18c: {  	v10 =	vsub.f32 $1.500000000e+00, v10  }
0x18d: {  	v3 =	vmul.f32 v3, v9  }
0x18e: {  	v7 =	vmul.f32 v7, v10  }
0x18f: {  	v9 =	vmul.f32 v3, v6  }
0x190: {  	v10 =	vmul.f32 v7, v8  }
0x191: {  	v9 =	vmul.f32 v9, v3  }
0x192: {  	v10 =	vmul.f32 v10, v7  }
0x193: {  	v9 =	vsub.f32 $1.500000000e+00, v9  }
0x194: {  	v10 =	vsub.f32 $1.500000000e+00, v10  }
0x195: {  	v9 =	vmul.f32 v9, v3  }
0x196: {  	v7 =	vmul.f32 v10, v7  }
0x197: {  	v3 =	vmul.f32 v9, v6  }
0x198: {  	v6 =	vmul.f32 v7, v8  }
0x199: {  	v3 =	vmul.f32 v3, v9  }
0x19a: {  	v6 =	vmul.f32 v6, v7  }
0x19b: {  	v8 =	vsub.f32 $1.500000000e+00, v3  }
0x19c: {  	v3 =	vmul.u32 $0x200, v0;
	v6 =	vsub.f32 $1.500000000e+00, v6  }
0x19d: {  	v8 =	vmul.f32 v8, v9  }
0x19e: {  	v6 =	vmul.f32 v6, v7;
	v7 =	vor.u32 s0, v3;
	s0 =	smov.u32 s20  }
0x19f: {  	v5 =	vmul.f32 v8, v5  }
0x1a0: {  	v4 =	vmul.f32 v6, v4;
	_ =	sdelay $0x1  }
0x1a1: {  	v4 =	vadd.f32 v5, v4;
	_ =	sdelay $0x1  }
0x1a2: {  	[tilespmem:v7+s26+$0x0] =	vst.idx.msk $0xffff, v4  }
0x1a3: {  	v6 =	vld [tilespmem:s31+$0x0]  }
0x1a4: {  	v8 =	vld [tilespmem:s31+$0xFFFFFFF0];
	_ =	sdelay $0x3  }
0x1a5: {  	v10 =	vmul.f32 v6, v6  }
0x1a6: {  	v11 =	vmul.f32 v8, v8  }
0x1a7: {  	v4 =	vmul.f32 $2.087266540e-08, v10;
	v5 =	vmul.f32 $1.736899620e-09, v10  }
0x1a8: {  	v7 =	vmul.f32 $2.087266540e-08, v11;
	v9 =	vmul.f32 $1.736899620e-09, v11  }
0x1a9: {  	v4 =	vsub.f32 $2.712799870e-06, v4;
	v5 =	vadd.f32 $-2.711333880e-07, v5  }
0x1aa: {  	v7 =	vsub.f32 $2.712799870e-06, v7;
	v9 =	vadd.f32 $-2.711333880e-07, v9  }
0x1ab: {  	v4 =	vmul.f32 v4, v10;
	v5 =	vmul.f32 v5, v10  }
0x1ac: {  	v7 =	vmul.f32 v7, v11;
	v9 =	vmul.f32 v9, v11  }
0x1ad: {  	v4 =	vadd.f32 $-1.982075630e-04, v4;
	v5 =	vadd.f32 $2.477342060e-05, v5  }
0x1ae: {  	v7 =	vadd.f32 $-1.982075630e-04, v7;
	v9 =	vadd.f32 $2.477342060e-05, v9  }
0x1af: {  	v4 =	vmul.f32 v4, v10;
	v5 =	vmul.f32 v5, v10  }
0x1b0: {  	v7 =	vmul.f32 v7, v11;
	v9 =	vmul.f32 v9, v11  }
0x1b1: {  	v4 =	vadd.f32 $8.332890460e-03, v4;
	v5 =	vadd.f32 $-1.388797070e-03, v5  }
0x1b2: {  	v7 =	vadd.f32 $8.332890460e-03, v7;
	v9 =	vadd.f32 $-1.388797070e-03, v9  }
0x1b3: {  	v4 =	vmul.f32 v4, v10;
	v5 =	vmul.f32 v5, v10  }
0x1b4: {  	v7 =	vmul.f32 v7, v11;
	v9 =	vmul.f32 v9, v11  }
0x1b5: {  	v12 =	vadd.f32 $-1.666663140e-01, v4;
	v5 =	vadd.f32 $4.166652260e-02, v5  }
0x1b6: {  	v7 =	vadd.f32 $-1.666663140e-01, v7;
	v9 =	vadd.f32 $4.166652260e-02, v9;
	v4 =	vld [tilespmem:s12+$0xFFFFFFF0]  }
0x1b7: {  	v12 =	vmul.f32 v12, v10;
	v13 =	vmul.f32 v5, v10;
	v5 =	vld [tilespmem:s12+$0x0]  }
0x1b8: {  	v14 =	vmul.f32 v7, v11;
	v15 =	vmul.f32 v9, v11;
	v9 =	vld [tilespmem:s13+$0x0]  }
0x1b9: {  	v7 =	vld [tilespmem:s13+$0xFFFFFFF0];
	v12 =	vadd.f32 $9.999999400e-01, v12;
	v13 =	vadd.f32 $-4.999999110e-01, v13  }
.Ltmp0:
0x1ba: {  	v14 =	vadd.f32 $9.999999400e-01, v14;
	v15 =	vadd.f32 $-4.999999110e-01, v15;
	(pc) =	sbr.rel @p0 .LBB2_2-.Ltmp0, $4  }
0x1bb: {  	v16 =	vmul.f32 v12, v6;
	v12 =	vmul.f32 v13, v10;
	v6 =	vld [tilespmem:s18+$0x0]  }
0x1bc: {  	v18 =	vmul.f32 v14, v8;
	v11 =	vmul.f32 v15, v11;
	v10 =	vld [tilespmem:s17+$0x0]  }
0x1bd: {  	v8 =	vld [tilespmem:s18+$0xFFFFFFF0];
	v17 =	vadd.f32 $1.000000000e+00, v12;
	v12 =	vmul.f32 v16, v5;
	v13 =	vmul.f32 v16, v9  }
0x1be: {  	s18 =	sadd.s32 $0x20, s18;
	v16 =	vadd.f32 $1.000000000e+00, v11;
	v14 =	vmul.f32 v18, v4;
	v11 =	vld [tilespmem:s17+$0xFFFFFFF0];
	v15 =	vmul.f32 v18, v7;
	s17 =	sadd.s32 $0x20, s17  }
0x1bf: {  	v9 =	vmul.f32 v17, v9;
	v5 =	vmul.f32 v17, v5  }
0x1c0: {  	v7 =	vmul.f32 v16, v7;
	v4 =	vmul.f32 v16, v4  }
0x1c1: {  	v9 =	vsub.f32 v9, v12;
	v5 =	vadd.f32 v5, v13  }
0x1c2: {  	v7 =	vsub.f32 v7, v14;
	v4 =	vadd.f32 v4, v15  }
0x1c3: {  	v9 =	vsub.f32 v9, v10;
	v5 =	vsub.f32 v5, v6  }
0x1c4: {  	v6 =	vsub.f32 v7, v11;
	v4 =	vsub.f32 v4, v8  }
0x1c5: {  	v7 =	vmul.f32 v9, v9;
	v5 =	vmul.f32 v5, v5  }
0x1c6: {  	v6 =	vmul.f32 v6, v6;
	v4 =	vmul.f32 v4, v4  }
0x1c7: {  	v5 =	vadd.f32 v5, v7  }
0x1c8: {  	v4 =	vadd.f32 v4, v6  }
0x1c9: {  	v6 =	vshra.s32 v5, $0x1  }
0x1ca: {  	v7 =	vmul.f32 $5.000000000e-01, v5;
	v8 =	vshra.s32 v4, $0x1;
	v9 =	vmul.f32 $5.000000000e-01, v4  }
0x1cb: {  	v6 =	vsub.s32 $0x5F3759DF, v6;
	v8 =	vsub.s32 $0x5F3759DF, v8  }
0x1cc: {  	v10 =	vmul.f32 v6, v7;
	v11 =	vmul.f32 v8, v9;
	_ =	sdelay $0x1  }
0x1cd: {  	v10 =	vmul.f32 v6, v10;
	v11 =	vmul.f32 v8, v11;
	_ =	sdelay $0x1  }
0x1ce: {  	v10 =	vsub.f32 $1.500000000e+00, v10;
	v11 =	vsub.f32 $1.500000000e+00, v11;
	_ =	sdelay $0x1  }
0x1cf: {  	v6 =	vmul.f32 v6, v10;
	v8 =	vmul.f32 v8, v11;
	_ =	sdelay $0x1  }
0x1d0: {  	v10 =	vmul.f32 v6, v7;
	v11 =	vmul.f32 v8, v9;
	_ =	sdelay $0x1  }
0x1d1: {  	v10 =	vmul.f32 v10, v6;
	v11 =	vmul.f32 v11, v8;
	_ =	sdelay $0x1  }
0x1d2: {  	v10 =	vsub.f32 $1.500000000e+00, v10;
	v11 =	vsub.f32 $1.500000000e+00, v11;
	_ =	sdelay $0x1  }
0x1d3: {  	v6 =	vmul.f32 v10, v6;
	v8 =	vmul.f32 v11, v8;
	_ =	sdelay $0x1  }
0x1d4: {  	v7 =	vmul.f32 v6, v7;
	v9 =	vmul.f32 v8, v9;
	_ =	sdelay $0x1  }
0x1d5: {  	v7 =	vmul.f32 v7, v6;
	v9 =	vmul.f32 v9, v8;
	_ =	sdelay $0x1  }
0x1d6: {  	v7 =	vsub.f32 $1.500000000e+00, v7;
	v9 =	vsub.f32 $1.500000000e+00, v9;
	_ =	sdelay $0x1  }
0x1d7: {  	v6 =	vmul.f32 v7, v6;
	v7 =	vmul.f32 v9, v8  }
0x1d8: {  	v3 =	vor.u32 s0, v3  }
0x1d9: {  	v5 =	vmul.f32 v6, v5;
	v4 =	vmul.f32 v7, v4;
	_ =	sdelay $0x1  }
0x1da: {  	v4 =	vadd.f32 v5, v4;
	_ =	sdelay $0x1  }
0x1db: {  	s12 =	simm.s32 $0x0;
	[tilespmem:v3+s26+$0x0] =	vst.idx.msk $0xffff, v4  }
0x1dc: {  	v3 =	vld [tilespmem:s12+$0x15600]  }
0x1dd: {  	v4 =	vld [tilespmem:s12+$0x15800];
	_ =	sdelay $0x1  }
0x1de: {  	v5 =	vld [tilespmem:s12+$0x15A00];
	_ =	sdelay $0x1  }
0x1df: {  	v6 =	vld [tilespmem:s12+$0x15C00]  }
0x1e0: {  	v3 =	vadd.f32 v4, v3  }
0x1e1: {  	v4 =	vld [tilespmem:s12+$0x15E00]  }
0x1e2: {  	v3 =	vadd.f32 v5, v3  }
0x1e3: {  	v5 =	vld [tilespmem:s12+$0x16000]  }
0x1e4: {  	v3 =	vadd.f32 v6, v3  }
0x1e5: {  	v6 =	vld [tilespmem:s12+$0x16200]  }
0x1e6: {  	v3 =	vadd.f32 v4, v3  }
0x1e7: {  	v4 =	vld [tilespmem:s12+$0x16400]  }
0x1e8: {  	s0 =	simm.s32 $0x10;
	v7 =	vld [tilespmem:s12+$0x16600];
	v3 =	vadd.f32 v5, v3  }
0x1e9: {  	v8 =	vld [tilespmem:s0+$0x15600]  }
0x1ea: {  	v5 =	vld [tilespmem:s12+$0x16800];
	v3 =	vadd.f32 v6, v3  }
0x1eb: {  	v6 =	vld [tilespmem:s0+$0x15800]  }
0x1ec: {  	v9 =	vld [tilespmem:s0+$0x15A00];
	v3 =	vadd.f32 v4, v3  }
0x1ed: {  	v4 =	vld [tilespmem:s12+$0x16A00]  }
0x1ee: {  	v10 =	vld [tilespmem:s0+$0x15C00];
	v3 =	vadd.f32 v7, v3  }
0x1ef: {  	v7 =	vld [tilespmem:s12+$0x16C00]  }
0x1f0: {  	v6 =	vadd.f32 v6, v8;
	v8 =	vld [tilespmem:s0+$0x15E00];
	v3 =	vadd.f32 v5, v3  }
0x1f1: {  	v5 =	vld [tilespmem:s12+$0x16E00]  }
0x1f2: {  	v11 =	vld [tilespmem:s0+$0x16000];
	v6 =	vadd.f32 v9, v6;
	v3 =	vadd.f32 v4, v3  }
0x1f3: {  	v9 =	vld [tilespmem:s12+$0x17000]  }
0x1f4: {  	v12 =	vld [tilespmem:s0+$0x16200];
	v4 =	vadd.f32 v10, v6;
	v3 =	vadd.f32 v7, v3  }
0x1f5: {  	v10 =	vld [tilespmem:s12+$0x17200]  }
0x1f6: {  	v6 =	vld [tilespmem:s0+$0x16400];
	v7 =	vadd.f32 v8, v4;
	v5 =	vadd.f32 v5, v3  }
0x1f7: {  	v4 =	vld [tilespmem:s12+$0x17400]  }
0x1f8: {  	v3 =	vld [tilespmem:s0+$0x16800];
	v8 =	vadd.f32 v11, v7;
	v9 =	vadd.f32 v9, v5  }
0x1f9: {  	s13 =	simm.s32 $0x20;
	v7 =	vld [tilespmem:s0+$0x16600]  }
0x1fa: {  	s15 =	simm.s32 $0xC0;
	v5 =	vld [tilespmem:s13+$0x15600];
	v8 =	vadd.f32 v12, v8;
	v9 =	vadd.f32 v10, v9  }
.LBB2_4:
0x1fb: {  	p0 =	sne.s32 s15, $0x7C0;
	v10 =	vld [tilespmem:s13+$0x15800]  }
0x1fc: {  	v6 =	vadd.f32 v6, v8;
	v8 =	vld [tilespmem:s0+$0x16A00];
	v4 =	vadd.f32 v4, v9  }
0x1fd: {  	v9 =	vld [tilespmem:s13+$0x15A00]  }
0x1fe: {  	v6 =	vadd.f32 v7, v6;
	v7 =	vld [tilespmem:s0+$0x16C00];
	v4 =	vadd.f32 $-1.200000000e+01, v4  }
0x1ff: {  	v11 =	vld [tilespmem:s13+$0x15C00]  }
0x200: {  	v5 =	vadd.f32 v10, v5;
	v3 =	vadd.f32 v3, v6;
	v6 =	vld [tilespmem:s0+$0x16E00];
	[tilespmem:s12+$0x17600] =	vst v4;
	s12 =	smov.u32 s0;
	s0 =	smov.u32 s13  }
0x201: {  	v4 =	vld [tilespmem:s0+$0x15E00]  }
0x202: {  	v5 =	vadd.f32 v9, v5;
	v3 =	vadd.f32 v8, v3;
	v8 =	vld [tilespmem:s12+$0x17000]  }
0x203: {  	v9 =	vld [tilespmem:s0+$0x16000]  }
0x204: {  	v5 =	vadd.f32 v11, v5;
	v3 =	vadd.f32 v7, v3;
	v10 =	vld [tilespmem:s12+$0x17200]  }
0x205: {  	v11 =	vld [tilespmem:s0+$0x16200]  }
.Ltmp1:
0x206: {  	v5 =	vadd.f32 v4, v5;
	v7 =	vadd.f32 v6, v3;
	v4 =	vld [tilespmem:s12+$0x17400];
	(pc) =	sbr.rel @p0 .LBB2_4-.Ltmp1, $4  }
0x207: {  	v6 =	vld [tilespmem:s0+$0x16400]  }
0x208: {  	v9 =	vadd.f32 v9, v5;
	v3 =	vld [tilespmem:s0+$0x16800];
	v12 =	vadd.f32 v8, v7  }
0x209: {  	s13 =	sshra.s32 s15, $0x2;
	v7 =	vld [tilespmem:s0+$0x16600]  }
0x20a: {  	s15 =	sadd.s32 $0x40, s15;
	v5 =	vld [tilespmem:s13+$0x15600];
	v8 =	vadd.f32 v11, v9;
	v9 =	vadd.f32 v10, v12  }
0x20b: {  	v10 =	vld [tilespmem:s13+$0x15800]  }
0x20c: {  	v11 =	vld [tilespmem:s0+$0x16A00];
	v4 =	vadd.f32 v4, v9  }
0x20d: {  	v9 =	vld [tilespmem:s13+$0x15A00]  }
0x20e: {  	v12 =	vld [tilespmem:s0+$0x16C00];
	v6 =	vadd.f32 v6, v8;
	v4 =	vadd.f32 $-1.200000000e+01, v4  }
0x20f: {  	v8 =	vld [tilespmem:s13+$0x15C00]  }
0x210: {  	v13 =	vld [tilespmem:s0+$0x16E00];
	v6 =	vadd.f32 v7, v6;
	v5 =	vadd.f32 v10, v5;
	[tilespmem:s12+$0x17600] =	vst v4  }
0x211: {  	v4 =	vld [tilespmem:s13+$0x15E00]  }
0x212: {  	v3 =	vadd.f32 v3, v6;
	v5 =	vadd.f32 v9, v5  }
0x213: {  	v14 =	vld [tilespmem:s13+$0x16000]  }
0x214: {  	v7 =	vld [tilespmem:s0+$0x17000];
	v3 =	vadd.f32 v11, v3;
	v5 =	vadd.f32 v8, v5  }
0x215: {  	v15 =	vld [tilespmem:s13+$0x16200]  }
0x216: {  	v9 =	vld [tilespmem:s0+$0x17200];
	v3 =	vadd.f32 v12, v3;
	v4 =	vadd.f32 v4, v5  }
0x217: {  	v12 =	vld [tilespmem:s13+$0x16400]  }
0x218: {  	v3 =	vadd.f32 v13, v3;
	v13 =	vld [tilespmem:s0+$0x17400];
	v4 =	vadd.f32 v14, v4  }
0x219: {  	v14 =	vld [tilespmem:s13+$0x16600]  }
0x21a: {  	v3 =	vadd.f32 v7, v3;
	v4 =	vadd.f32 v15, v4  }
0x21b: {  	v15 =	vld [tilespmem:s13+$0x16800]  }
0x21c: {  	v3 =	vadd.f32 v9, v3;
	v4 =	vadd.f32 v12, v4  }
0x21d: {  	v9 =	vld [tilespmem:s13+$0x16A00]  }
0x21e: {  	v3 =	vadd.f32 v13, v3;
	v4 =	vadd.f32 v14, v4  }
0x21f: {  	v11 =	vld [tilespmem:s13+$0x16C00]  }
0x220: {  	v3 =	vadd.f32 $-1.200000000e+01, v3;
	v4 =	vadd.f32 v15, v4  }
0x221: {  	v12 =	vld [tilespmem:s13+$0x16E00]  }
0x222: {  	[tilespmem:s0+$0x17600] =	vst v3;
	v3 =	vadd.f32 v9, v4  }
0x223: {  	v13 =	vld [tilespmem:s13+$0x17000]  }
0x224: {  	v3 =	vadd.f32 v11, v3  }
0x225: {  	v14 =	vld [tilespmem:s13+$0x17200]  }
0x226: {  	v3 =	vadd.f32 v12, v3  }
0x227: {  	v15 =	vld [tilespmem:s13+$0x17400]  }
0x228: {  	v3 =	vadd.f32 v13, v3;
	_ =	sdelay $0x1  }
0x229: {  	v3 =	vadd.f32 v14, v3;
	_ =	sdelay $0x1  }
0x22a: {  	v3 =	vadd.f32 v15, v3;
	_ =	sdelay $0x1  }
0x22b: {  	s30 =	sadd.s32 $0x1, s30;
	v3 =	vadd.f32 $-1.200000000e+01, v3  }
0x22c: {  	p0 =	sne.s32 s30, s8  }
.Ltmp2:
0x22d: {  	[tilespmem:s13+$0x17600] =	vst v3;
	(pc) =	sbr.rel @p0 .LBB2_1-.Ltmp2, $4  }
0x22e: {  	[hbm4b:s7+s2] =	stream.linear.scatter [tilespmem:s29], [sflag:$0x2], $0x200, $0x38;
	[tilespmem:$0x17800] =	vst v63  }
0x22f: {  	_ =	swait.ge [sflag:s9], $0x200  }
0x230: {  	[sflag:s9] =	ssyncset.done $0x0  }
0x231: {  	[sflag:s9] =	ssyncadd.s32 $0xFFFFFE00  }
0x232: {  	_ =	sfence.sel $0x180000  }
0x233: {  	[bflag:$0x0] =	sbarrier.arrive $0xFFFF  }
0x234: {  	_ =	strace $0x90000047  }
0x235: {  	s0 =	stileid.u32;
	[bflag:$0x2] =	sbarrier.arrive $0xFFFF  }
0x236: {  	p0 =	sne.s32 s0, $0x0;
	s0 =	rddreg [dreg:$0x2]  }
0x237: {  	s0 =	sadd.s32 @!p0 $0x100000, s0  }
0x238: {  	[sflag:s0] =	ssyncadd.tile.s32 @!p0 $0x1;
	_ =	shalt  }
.Lfunc_end2:
_tile_overlayer_lowered:
.L_overlay_start_2:
0x239: {  	(tag) =	ssettag $0x2  }
0x23a: {  	s0 =	rddreg [dreg:$0x0];
	s2 =	stileid.u32  }
0x23b: {  	s1 =	rddreg [dreg:$0x1];
	p0 =	sne.s32 s2, $0x0  }
0x23c: {  	s3 =	rddreg [dreg:$0x2];
	[bflag:$0x3] =	sbarrier.arrive $0xFFFF;
	s2 =	simm.s32 @!p0 $0x1C02  }
0x23d: {  	[timem:s3], [sflag:s2] =	dma.local @!p0 [hbm:s0], s1  }
0x23e: {  	s0 =	simm.s32 @!p0 $0x2  }
0x23f: {  	_ =	swait.ge @!p0 [sflag:s0], s1  }
0x240: {  	s1 =	ssub.s32 @!p0 $0x0, s1;
	[sflag:s0] =	ssyncset.done @!p0 $0x0  }
0x241: {  	[sflag:s0] =	ssyncadd.s32 @!p0 s1  }
0x242: {  	[bflag:$0x3] =	sbarrier.arrive $0xFFFF  }
0x243: {  	_ =	shalt  }

</sc_bundles>
